<compile_context>
chip_gen: v7x
topology: tpu7x:2x2x1
jax: 0.10.2.dev20260603
libtpu: 0.0.44.dev20260713+nightly
codegen_flags: <defaults>
</compile_context>

<pallas_src>
import functools

import jax
import jax.numpy as jnp
from jax import lax
from jax.experimental import pallas as pl
from jax.experimental.pallas import tpu as pltpu
from jax.experimental.pallas import tpu_sc as plsc

BS, C, H, W = 2, 96, 224, 224
NP = 4
HW = H * W
ROWS = BS * C
NWORKERS = 32
ROWS_PER_W = ROWS // NWORKERS
NPAIR = ROWS_PER_W // 2
K = 3584
UCH = (NP * HW) // K
PCH = HW // K
KP = 1792
NSUBP = (NP * HW) // KP


def _sc_body(x_hbm, h_hbm, w_hbm, out_hbm,
             t0_v, t1_v, idx_va, idx_vb, oa_v, ob_v, h_s, w_s, pk_a, pk_b,
             sem_ia, sem_ib, sem_oa, sem_ob, sem_t0, sem_t1, sem_pk, idx_sh):
    nc = 2
    cid = lax.axis_index("c")
    sid = lax.axis_index("s")
    wid = sid * nc + cid
    idx_bufs = (idx_va, idx_vb)
    out_bufs = (oa_v, ob_v)
    isems = (sem_ia, sem_ib)
    osems = (sem_oa, sem_ob)

    pltpu.async_copy(x_hbm.at[wid * ROWS_PER_W], t0_v, sem_t0)
    pltpu.async_copy(x_hbm.at[wid * ROWS_PER_W + 1], t1_v, sem_t1)

    NJ = NSUBP // 16
    hw_sets = ((idx_va, idx_vb, sem_ia, sem_ib, pk_a),
               (h_s, w_s, sem_oa, sem_ob, pk_b))

    def _issue_p0(j):
        cix = sid + 16 * j
        flat0 = cix * KP
        p = flat0 // HW
        base = flat0 - p * HW
        hb, wb, sh, sw, _ = hw_sets[j % 2]
        pltpu.async_copy(h_hbm.at[p, pl.ds(base, KP)], hb, sh)
        pltpu.async_copy(w_hbm.at[p, pl.ds(base, KP)], wb, sw)

    _issue_p0(0)
    for j in range(NJ):
        hb, wb, sh, sw, pkb = hw_sets[j % 2]
        pltpu.make_async_copy(h_hbm.at[0, pl.ds(0, KP)], hb, sh).wait()
        pltpu.make_async_copy(h_hbm.at[0, pl.ds(0, KP)], wb, sw).wait()
        if j + 1 < NJ:
            _issue_p0(j + 1)
        if j >= 2:
            pltpu.make_async_copy(
                pkb, idx_sh.at[pl.ds(0, KP // 2)], sem_pk).wait()

        @plsc.parallel_loop(0, KP // 2, step=16, unroll=8)
        def _flat(s):
            s2 = pl.multiple_of(2 * s, 32)
            fa = hb[pl.ds(s2, 16)] * W + wb[pl.ds(s2, 16)]
            fb = hb[pl.ds(s2 + 16, 16)] * W + wb[pl.ds(s2 + 16, 16)]
            pkb[pl.ds(s, 16)] = fa | (fb << 16)

        cix = sid + 16 * j
        pltpu.async_copy(
            pkb,
            idx_sh.at[pl.ds(pl.multiple_of(cix * (KP // 2), KP // 2),
                            KP // 2)],
            sem_pk)

    for _ in range(2):
        pltpu.make_async_copy(
            pk_a, idx_sh.at[pl.ds(0, KP // 2)], sem_pk).wait()

    plsc.subcore_barrier()

    def pair_body(q, carry):
        t0 = wid * ROWS_PER_W + 2 * q
        t1 = t0 + 1
        pltpu.make_async_copy(x_hbm.at[t0], t0_v, sem_t0).wait()
        pltpu.make_async_copy(x_hbm.at[t1], t1_v, sem_t1).wait()
        b = t0 // C
        c = t0 - b * C
        r_base = b * (NP * C) + c

        pltpu.async_copy(idx_sh.at[pl.ds(0, K // 2)], idx_va, sem_ia)
        pltpu.async_copy(idx_sh.at[pl.ds(K // 2, K // 2)], idx_vb, sem_ib)

        def u_pair(uu, carry):
            for ph in range(2):
                u = uu * 2 + ph
                iv_ref = idx_bufs[ph]
                ob = out_bufs[ph]
                p = u // PCH
                m = u - p * PCH
                off = m * K
                r0 = r_base + p * C

                pltpu.make_async_copy(
                    idx_sh.at[pl.ds(0, K // 2)], iv_ref, isems[ph]).wait()
                @pl.when(u >= 2)
                def _drain():
                    pltpu.make_async_copy(
                        ob, out_hbm.at[pl.ds(r0, 2), pl.ds(0, K)],
                        osems[ph]).wait()

                @plsc.parallel_loop(0, K // 2, step=16, unroll=8)
                def _gather(s):
                    s2 = pl.multiple_of(2 * s, 32)
                    pk = iv_ref[pl.ds(s, 16)]
                    ia = pk & 0xFFFF
                    ib = lax.shift_right_logical(pk, 16)
                    ob[0, pl.ds(s2, 16)] = plsc.load_gather(t0_v, [ia])
                    ob[0, pl.ds(s2 + 16, 16)] = plsc.load_gather(t0_v, [ib])
                    ob[1, pl.ds(s2, 16)] = plsc.load_gather(t1_v, [ia])
                    ob[1, pl.ds(s2 + 16, 16)] = plsc.load_gather(t1_v, [ib])

                pltpu.async_copy(ob, out_hbm.at[pl.ds(r0, 2), pl.ds(off, K)],
                                 osems[ph])

                @pl.when(u + 2 < UCH)
                def _prefetch():
                    pltpu.async_copy(
                        idx_sh.at[pl.ds(
                            pl.multiple_of((u + 2) * (K // 2), K // 2),
                            K // 2)],
                        iv_ref, isems[ph])
            return carry

        lax.fori_loop(0, UCH // 2, u_pair, carry)

        @pl.when(q + 1 < NPAIR)
        def _next_tables():
            pltpu.async_copy(x_hbm.at[t0 + 2], t0_v, sem_t0)
            pltpu.async_copy(x_hbm.at[t1 + 2], t1_v, sem_t1)

        for ph in range(2):
            pltpu.make_async_copy(
                out_bufs[ph], out_hbm.at[pl.ds(0, 2), pl.ds(0, K)],
                osems[ph]).wait()
        return carry

    lax.fori_loop(0, NPAIR, pair_body, 0)


def kernel(x, paths):
    bs, idim, h, w = x.shape
    x_flat = x.reshape(bs * idim, h * w)
    h_in = paths[:, :, 0]
    w_in = paths[:, :, 1]
    mesh = plsc.VectorSubcoreMesh(core_axis_name="c", subcore_axis_name="s")
    run = pl.kernel(
        _sc_body,
        out_type=jax.ShapeDtypeStruct((ROWS * NP, HW), jnp.float32),
        mesh=mesh,
        compiler_params=pltpu.CompilerParams(needs_layout_passes=False),
        scratch_types=[
            pltpu.VMEM((HW,), jnp.float32),
            pltpu.VMEM((HW,), jnp.float32),
            pltpu.VMEM((K // 2,), jnp.int32),
            pltpu.VMEM((K // 2,), jnp.int32),
            pltpu.VMEM((2, K), jnp.float32),
            pltpu.VMEM((2, K), jnp.float32),
            pltpu.VMEM((KP,), jnp.int32),
            pltpu.VMEM((KP,), jnp.int32),
            pltpu.VMEM((KP // 2,), jnp.int32),
            pltpu.VMEM((KP // 2,), jnp.int32),
            pltpu.SemaphoreType.DMA,
            pltpu.SemaphoreType.DMA,
            pltpu.SemaphoreType.DMA,
            pltpu.SemaphoreType.DMA,
            pltpu.SemaphoreType.DMA,
            pltpu.SemaphoreType.DMA,
            pltpu.SemaphoreType.DMA,
            pltpu.VMEM_SHARED((NP * HW // 2,), jnp.int32),
        ],
    )
    out = run(x_flat, h_in, w_in)
    return out.reshape(bs, NP * idim, HW)

# --- scband reference (transcript-rebuilt; emitter-appended) ---
"""Pipeline reference for scband-path-traversal-cuda-14164802142824 (READ-ONLY COPY).

The authoritative reference and input builder live on the scoring server;
editing this copy changes nothing except your own understanding.
"""

import jax, jax.numpy as jnp
import numpy as np


def setup_inputs(seed: int = 0) -> dict:
    key = jax.random.key(seed)
    k1, k2, k3 = jax.random.split(key, 3)
    bs, iDim, h, w, nPath = 2, 96, 224, 224, 4
    x = jax.random.normal(k1, (bs, iDim, h, w), dtype=jnp.float32)
    hIn = jax.random.randint(k2, (nPath, h * w), 0, h, dtype=jnp.int32)
    wIn = jax.random.randint(k3, (nPath, h * w), 0, w, dtype=jnp.int32)
    paths = jnp.stack([hIn, wIn], axis=-1)  # [nPath, H*W, 2]
    return {"x": x, "paths": paths}


def reference(x, paths):
    # x: [bs, iDim, h, w]; paths: [nPath, h*w, 2] with (hIn, wIn) indices.
    # output[b, p*iDim + c, hOut*w + wOut] = x[b, c, hIn, wIn]
    bs, iDim, h, w = x.shape
    nPath = paths.shape[0]
    flat_idx = paths[..., 0] * w + paths[..., 1]  # [nPath, h*w]
    x_flat = x.reshape(bs, iDim, h * w)
    gathered = jnp.take(x_flat, flat_idx, axis=2)  # [bs, iDim, nPath, h*w]
    out = jnp.transpose(gathered, (0, 2, 1, 3)).reshape(bs, nPath * iDim, h * w)
    return out

if __name__ == "__main__":
    import jax
    _d = setup_inputs()
    print(jax.jit(kernel)(*tuple(_d.values())))

</pallas_src>

<mosaic_0001>
#map = affine_map<(d0, d1) -> (0, 0)>
module attributes {stable_mosaic.version = 14 : i64} {
  func.func @_sc_body(%arg0: i32, %arg1: i32, %arg2: memref<192x50176xf32, #tpu.memory_space<hbm>>, %arg3: memref<4x50176xi32, #tpu.memory_space<hbm>>, %arg4: memref<4x50176xi32, #tpu.memory_space<hbm>>, %arg5: memref<768x50176xf32, #tpu.memory_space<hbm>>, %arg6: memref<50176xf32, #tpu.memory_space<vmem>>, %arg7: memref<50176xf32, #tpu.memory_space<vmem>>, %arg8: memref<1792xi32, #tpu.memory_space<vmem>>, %arg9: memref<1792xi32, #tpu.memory_space<vmem>>, %arg10: memref<2x3584xf32, #tpu.memory_space<vmem>>, %arg11: memref<2x3584xf32, #tpu.memory_space<vmem>>, %arg12: memref<1792xi32, #tpu.memory_space<vmem>>, %arg13: memref<1792xi32, #tpu.memory_space<vmem>>, %arg14: memref<896xi32, #tpu.memory_space<vmem>>, %arg15: memref<896xi32, #tpu.memory_space<vmem>>, %arg16: memref<!tpu.dma_semaphore, #tpu.memory_space<semaphore_mem>>, %arg17: memref<!tpu.dma_semaphore, #tpu.memory_space<semaphore_mem>>, %arg18: memref<!tpu.dma_semaphore, #tpu.memory_space<semaphore_mem>>, %arg19: memref<!tpu.dma_semaphore, #tpu.memory_space<semaphore_mem>>, %arg20: memref<!tpu.dma_semaphore, #tpu.memory_space<semaphore_mem>>, %arg21: memref<!tpu.dma_semaphore, #tpu.memory_space<semaphore_mem>>, %arg22: memref<!tpu.dma_semaphore, #tpu.memory_space<semaphore_mem>>, %arg23: memref<100352xi32, #tpu.memory_space<vmem_shared>>) attributes {dimension_semantics = [#tpu.dimension_semantics<core_parallel>, #tpu.dimension_semantics<subcore_parallel>], iteration_bounds = array<i64: 2, 16>, scalar_prefetch = 0 : i64, scratch_operands = 18 : i64, tpu.core_type = #tpu.core_type<sc_vector_subcore>, window_params = [{transform_indices = #map}, {transform_indices = #map}, {transform_indices = #map}, {transform_indices = #map}]} {
    %mul3A = arith.constant 2 : i32
    %mul3A_0 = arith.muli %arg1, %mul3A : i32
    %add3A = arith.addi %mul3A_0, %arg0 : i32
    %mul3A_1 = arith.constant 6 : i32
    %mul3A_2 = arith.muli %add3A, %mul3A_1 : i32
    %dma_start3A = arith.constant 0 : i32
    %dma_start3A_3 = tpu.memref_slice %arg2[%mul3A_2, %dma_start3A] : memref<192x50176xf32, #tpu.memory_space<hbm>> -> memref<1x50176xf32, #tpu.memory_space<hbm>>
    %dma_start3A_4 = tpu.memref_squeeze %dma_start3A_3 : memref<1x50176xf32, #tpu.memory_space<hbm>> -> memref<50176xf32, #tpu.memory_space<hbm>>
    %dma_start3A_5 = arith.constant 0 : i32
    %dma_start3A_6 = tpu.memref_slice %arg2[%mul3A_2, %dma_start3A_5] : memref<192x50176xf32, #tpu.memory_space<hbm>> -> memref<1x50176xf32, #tpu.memory_space<hbm>>
    %dma_start3A_7 = tpu.memref_squeeze %dma_start3A_6 : memref<1x50176xf32, #tpu.memory_space<hbm>> -> memref<50176xf32, #tpu.memory_space<hbm>>
    tpu.enqueue_dma source(%dma_start3A_7 : memref<50176xf32, #tpu.memory_space<hbm>>) target(%arg6 : memref<50176xf32, #tpu.memory_space<vmem>>) target_semaphore(%arg20 : memref<!tpu.dma_semaphore, #tpu.memory_space<semaphore_mem>>)
    %mul3A_8 = arith.constant 6 : i32
    %mul3A_9 = arith.muli %add3A, %mul3A_8 : i32
    %add3A_10 = arith.constant 1 : i32
    %add3A_11 = arith.addi %mul3A_9, %add3A_10 : i32
    %dma_start3A_12 = arith.constant 0 : i32
    %dma_start3A_13 = tpu.memref_slice %arg2[%add3A_11, %dma_start3A_12] : memref<192x50176xf32, #tpu.memory_space<hbm>> -> memref<1x50176xf32, #tpu.memory_space<hbm>>
    %dma_start3A_14 = tpu.memref_squeeze %dma_start3A_13 : memref<1x50176xf32, #tpu.memory_space<hbm>> -> memref<50176xf32, #tpu.memory_space<hbm>>
    %dma_start3A_15 = arith.constant 0 : i32
    %dma_start3A_16 = tpu.memref_slice %arg2[%add3A_11, %dma_start3A_15] : memref<192x50176xf32, #tpu.memory_space<hbm>> -> memref<1x50176xf32, #tpu.memory_space<hbm>>
    %dma_start3A_17 = tpu.memref_squeeze %dma_start3A_16 : memref<1x50176xf32, #tpu.memory_space<hbm>> -> memref<50176xf32, #tpu.memory_space<hbm>>
    tpu.enqueue_dma source(%dma_start3A_17 : memref<50176xf32, #tpu.memory_space<hbm>>) target(%arg7 : memref<50176xf32, #tpu.memory_space<vmem>>) target_semaphore(%arg21 : memref<!tpu.dma_semaphore, #tpu.memory_space<semaphore_mem>>)
    %add3A_18 = arith.constant 0 : i32
    %add3A_19 = arith.addi %arg1, %add3A_18 : i32
    %mul3A_20 = arith.constant 1792 : i32
    %mul3A_21 = arith.muli %add3A_19, %mul3A_20 : i32
    %jit3A = arith.constant 50176 : i32
    %div3A = arith.divsi %mul3A_21, %jit3A : i32
    %sign3A = arith.constant 0 : i32
    %sign3A_22 = arith.cmpi sgt, %mul3A_21, %sign3A : i32
    %sign3A_23 = arith.extui %sign3A_22 : i1 to i32
    %sign3A_24 = arith.constant 0 : i32
    %sign3A_25 = arith.cmpi slt, %mul3A_21, %sign3A_24 : i32
    %sign3A_26 = arith.extui %sign3A_25 : i1 to i32
    %sign3A_27 = arith.subi %sign3A_23, %sign3A_26 : i32
    %sign3A_28 = arith.constant 0 : i32
    %sign3A_29 = arith.cmpi sgt, %jit3A, %sign3A_28 : i32
    %sign3A_30 = arith.extui %sign3A_29 : i1 to i32
    %sign3A_31 = arith.constant 0 : i32
    %sign3A_32 = arith.cmpi slt, %jit3A, %sign3A_31 : i32
    %sign3A_33 = arith.extui %sign3A_32 : i1 to i32
    %sign3A_34 = arith.subi %sign3A_30, %sign3A_33 : i32
    %ne3A = arith.cmpi ne, %sign3A_27, %sign3A_34 : i32
    %rem3A = arith.remsi %mul3A_21, %jit3A : i32
    %ne3A_35 = arith.constant 0 : i32
    %ne3A_36 = arith.cmpi ne, %rem3A, %ne3A_35 : i32
    %and3A = arith.andi %ne3A, %ne3A_36 : i1
    %sub3A = arith.constant 1 : i32
    %sub3A_37 = arith.subi %div3A, %sub3A : i32
    %select_n3A = arith.select %and3A, %sub3A_37, %div3A : i32
    %mul3A_38 = arith.constant 50176 : i32
    %mul3A_39 = arith.muli %select_n3A, %mul3A_38 : i32
    %sub3A_40 = arith.subi %mul3A_21, %mul3A_39 : i32
    %dma_start3A_41 = tpu.memref_slice %arg3[%select_n3A, %sub3A_40] : memref<4x50176xi32, #tpu.memory_space<hbm>> -> memref<1x1792xi32, #tpu.memory_space<hbm>>
    %dma_start3A_42 = tpu.memref_squeeze %dma_start3A_41 : memref<1x1792xi32, #tpu.memory_space<hbm>> -> memref<1792xi32, #tpu.memory_space<hbm>>
    %dma_start3A_43 = tpu.memref_slice %arg3[%select_n3A, %sub3A_40] : memref<4x50176xi32, #tpu.memory_space<hbm>> -> memref<1x1792xi32, #tpu.memory_space<hbm>>
    %dma_start3A_44 = tpu.memref_squeeze %dma_start3A_43 : memref<1x1792xi32, #tpu.memory_space<hbm>> -> memref<1792xi32, #tpu.memory_space<hbm>>
    tpu.enqueue_dma source(%dma_start3A_44 : memref<1792xi32, #tpu.memory_space<hbm>>) target(%arg8 : memref<1792xi32, #tpu.memory_space<vmem>>) target_semaphore(%arg16 : memref<!tpu.dma_semaphore, #tpu.memory_space<semaphore_mem>>)
    %dma_start3A_45 = tpu.memref_slice %arg4[%select_n3A, %sub3A_40] : memref<4x50176xi32, #tpu.memory_space<hbm>> -> memref<1x1792xi32, #tpu.memory_space<hbm>>
    %dma_start3A_46 = tpu.memref_squeeze %dma_start3A_45 : memref<1x1792xi32, #tpu.memory_space<hbm>> -> memref<1792xi32, #tpu.memory_space<hbm>>
    %dma_start3A_47 = tpu.memref_slice %arg4[%select_n3A, %sub3A_40] : memref<4x50176xi32, #tpu.memory_space<hbm>> -> memref<1x1792xi32, #tpu.memory_space<hbm>>
    %dma_start3A_48 = tpu.memref_squeeze %dma_start3A_47 : memref<1x1792xi32, #tpu.memory_space<hbm>> -> memref<1792xi32, #tpu.memory_space<hbm>>
    tpu.enqueue_dma source(%dma_start3A_48 : memref<1792xi32, #tpu.memory_space<hbm>>) target(%arg9 : memref<1792xi32, #tpu.memory_space<vmem>>) target_semaphore(%arg17 : memref<!tpu.dma_semaphore, #tpu.memory_space<semaphore_mem>>)
    %dma_wait3A = arith.constant 0 : i32
    %dma_wait3A_49 = arith.constant 0 : i32
    %dma_wait3A_50 = tpu.memref_slice %arg3[%dma_wait3A, %dma_wait3A_49] : memref<4x50176xi32, #tpu.memory_space<hbm>> -> memref<1x1792xi32, #tpu.memory_space<hbm>>
    %dma_wait3A_51 = tpu.memref_squeeze %dma_wait3A_50 : memref<1x1792xi32, #tpu.memory_space<hbm>> -> memref<1792xi32, #tpu.memory_space<hbm>>
    %dma_wait3A_52 = arith.constant 0 : i32
    %dma_wait3A_53 = tpu.memref_slice %arg3[%dma_wait3A, %dma_wait3A_52] : memref<4x50176xi32, #tpu.memory_space<hbm>> -> memref<1x1792xi32, #tpu.memory_space<hbm>>
    %dma_wait3A_54 = tpu.memref_squeeze %dma_wait3A_53 : memref<1x1792xi32, #tpu.memory_space<hbm>> -> memref<1792xi32, #tpu.memory_space<hbm>>
    tpu.wait_dma2 semaphore(%arg16 : memref<!tpu.dma_semaphore, #tpu.memory_space<semaphore_mem>>) src(%dma_wait3A_54 : memref<1792xi32, #tpu.memory_space<hbm>>) dst(%arg8 : memref<1792xi32, #tpu.memory_space<vmem>>)
    %dma_wait3A_55 = arith.constant 0 : i32
    %dma_wait3A_56 = arith.constant 0 : i32
    %dma_wait3A_57 = tpu.memref_slice %arg3[%dma_wait3A_55, %dma_wait3A_56] : memref<4x50176xi32, #tpu.memory_space<hbm>> -> memref<1x1792xi32, #tpu.memory_space<hbm>>
    %dma_wait3A_58 = tpu.memref_squeeze %dma_wait3A_57 : memref<1x1792xi32, #tpu.memory_space<hbm>> -> memref<1792xi32, #tpu.memory_space<hbm>>
    %dma_wait3A_59 = arith.constant 0 : i32
    %dma_wait3A_60 = tpu.memref_slice %arg3[%dma_wait3A_55, %dma_wait3A_59] : memref<4x50176xi32, #tpu.memory_space<hbm>> -> memref<1x1792xi32, #tpu.memory_space<hbm>>
    %dma_wait3A_61 = tpu.memref_squeeze %dma_wait3A_60 : memref<1x1792xi32, #tpu.memory_space<hbm>> -> memref<1792xi32, #tpu.memory_space<hbm>>
    tpu.wait_dma2 semaphore(%arg17 : memref<!tpu.dma_semaphore, #tpu.memory_space<semaphore_mem>>) src(%dma_wait3A_61 : memref<1792xi32, #tpu.memory_space<hbm>>) dst(%arg9 : memref<1792xi32, #tpu.memory_space<vmem>>)
    %add3A_62 = arith.constant 16 : i32
    %add3A_63 = arith.addi %arg1, %add3A_62 : i32
    %mul3A_64 = arith.constant 1792 : i32
    %mul3A_65 = arith.muli %add3A_63, %mul3A_64 : i32
    %jit3A_66 = arith.constant 50176 : i32
    %div3A_67 = arith.divsi %mul3A_65, %jit3A_66 : i32
    %sign3A_68 = arith.constant 0 : i32
    %sign3A_69 = arith.cmpi sgt, %mul3A_65, %sign3A_68 : i32
    %sign3A_70 = arith.extui %sign3A_69 : i1 to i32
    %sign3A_71 = arith.constant 0 : i32
    %sign3A_72 = arith.cmpi slt, %mul3A_65, %sign3A_71 : i32
    %sign3A_73 = arith.extui %sign3A_72 : i1 to i32
    %sign3A_74 = arith.subi %sign3A_70, %sign3A_73 : i32
    %sign3A_75 = arith.constant 0 : i32
    %sign3A_76 = arith.cmpi sgt, %jit3A_66, %sign3A_75 : i32
    %sign3A_77 = arith.extui %sign3A_76 : i1 to i32
    %sign3A_78 = arith.constant 0 : i32
    %sign3A_79 = arith.cmpi slt, %jit3A_66, %sign3A_78 : i32
    %sign3A_80 = arith.extui %sign3A_79 : i1 to i32
    %sign3A_81 = arith.subi %sign3A_77, %sign3A_80 : i32
    %ne3A_82 = arith.cmpi ne, %sign3A_74, %sign3A_81 : i32
    %rem3A_83 = arith.remsi %mul3A_65, %jit3A_66 : i32
    %ne3A_84 = arith.constant 0 : i32
    %ne3A_85 = arith.cmpi ne, %rem3A_83, %ne3A_84 : i32
    %and3A_86 = arith.andi %ne3A_82, %ne3A_85 : i1
    %sub3A_87 = arith.constant 1 : i32
    %sub3A_88 = arith.subi %div3A_67, %sub3A_87 : i32
    %select_n3A_89 = arith.select %and3A_86, %sub3A_88, %div3A_67 : i32
    %mul3A_90 = arith.constant 50176 : i32
    %mul3A_91 = arith.muli %select_n3A_89, %mul3A_90 : i32
    %sub3A_92 = arith.subi %mul3A_65, %mul3A_91 : i32
    %dma_start3A_93 = tpu.memref_slice %arg3[%select_n3A_89, %sub3A_92] : memref<4x50176xi32, #tpu.memory_space<hbm>> -> memref<1x1792xi32, #tpu.memory_space<hbm>>
    %dma_start3A_94 = tpu.memref_squeeze %dma_start3A_93 : memref<1x1792xi32, #tpu.memory_space<hbm>> -> memref<1792xi32, #tpu.memory_space<hbm>>
    %dma_start3A_95 = tpu.memref_slice %arg3[%select_n3A_89, %sub3A_92] : memref<4x50176xi32, #tpu.memory_space<hbm>> -> memref<1x1792xi32, #tpu.memory_space<hbm>>
    %dma_start3A_96 = tpu.memref_squeeze %dma_start3A_95 : memref<1x1792xi32, #tpu.memory_space<hbm>> -> memref<1792xi32, #tpu.memory_space<hbm>>
    tpu.enqueue_dma source(%dma_start3A_96 : memref<1792xi32, #tpu.memory_space<hbm>>) target(%arg12 : memref<1792xi32, #tpu.memory_space<vmem>>) target_semaphore(%arg18 : memref<!tpu.dma_semaphore, #tpu.memory_space<semaphore_mem>>)
    %dma_start3A_97 = tpu.memref_slice %arg4[%select_n3A_89, %sub3A_92] : memref<4x50176xi32, #tpu.memory_space<hbm>> -> memref<1x1792xi32, #tpu.memory_space<hbm>>
    %dma_start3A_98 = tpu.memref_squeeze %dma_start3A_97 : memref<1x1792xi32, #tpu.memory_space<hbm>> -> memref<1792xi32, #tpu.memory_space<hbm>>
    %dma_start3A_99 = tpu.memref_slice %arg4[%select_n3A_89, %sub3A_92] : memref<4x50176xi32, #tpu.memory_space<hbm>> -> memref<1x1792xi32, #tpu.memory_space<hbm>>
    %dma_start3A_100 = tpu.memref_squeeze %dma_start3A_99 : memref<1x1792xi32, #tpu.memory_space<hbm>> -> memref<1792xi32, #tpu.memory_space<hbm>>
    tpu.enqueue_dma source(%dma_start3A_100 : memref<1792xi32, #tpu.memory_space<hbm>>) target(%arg13 : memref<1792xi32, #tpu.memory_space<vmem>>) target_semaphore(%arg19 : memref<!tpu.dma_semaphore, #tpu.memory_space<semaphore_mem>>)
    %parallel_loop3A = arith.constant 0 : i32
    %parallel_loop3A_101 = arith.constant 896 : i32
    %parallel_loop3A_102 = arith.constant 16 : i32
    scf.for %parallel_loop3A_481 = %parallel_loop3A to %parallel_loop3A_101 step %parallel_loop3A_102  : i32 {
      %parallel_loop3A_482 = arith.constant 2 : i32
      %parallel_loop3A_483 = arith.muli %parallel_loop3A_482, %parallel_loop3A_481 : i32
      %parallel_loop3A_484 = tpu.assume_multiple %parallel_loop3A_483, 32 : i32
      %parallel_loop3A_485 = arith.index_cast %parallel_loop3A_484 : i32 to index
      %parallel_loop3A_486 = tpu.vector_load %arg8[%parallel_loop3A_485] {strides = array<i32>} : memref<1792xi32, #tpu.memory_space<vmem>>, vector<16xi32>,
      %parallel_loop3A_487 = arith.constant 224 : i32
      %parallel_loop3A_488 = vector.broadcast %parallel_loop3A_487 : i32 to vector<16xi32>
      %parallel_loop3A_489 = arith.muli %parallel_loop3A_486, %parallel_loop3A_488 : vector<16xi32>
      %parallel_loop3A_490 = arith.index_cast %parallel_loop3A_484 : i32 to index
      %parallel_loop3A_491 = tpu.vector_load %arg9[%parallel_loop3A_490] {strides = array<i32>} : memref<1792xi32, #tpu.memory_space<vmem>>, vector<16xi32>,
      %parallel_loop3A_492 = arith.addi %parallel_loop3A_489, %parallel_loop3A_491 : vector<16xi32>
      %parallel_loop3A_493 = arith.constant 16 : i32
      %parallel_loop3A_494 = arith.addi %parallel_loop3A_484, %parallel_loop3A_493 : i32
      %parallel_loop3A_495 = arith.index_cast %parallel_loop3A_494 : i32 to index
      %parallel_loop3A_496 = tpu.vector_load %arg8[%parallel_loop3A_495] {strides = array<i32>} : memref<1792xi32, #tpu.memory_space<vmem>>, vector<16xi32>,
      %parallel_loop3A_497 = arith.constant 224 : i32
      %parallel_loop3A_498 = vector.broadcast %parallel_loop3A_497 : i32 to vector<16xi32>
      %parallel_loop3A_499 = arith.muli %parallel_loop3A_496, %parallel_loop3A_498 : vector<16xi32>
      %parallel_loop3A_500 = arith.constant 16 : i32
      %parallel_loop3A_501 = arith.addi %parallel_loop3A_484, %parallel_loop3A_500 : i32
      %parallel_loop3A_502 = arith.index_cast %parallel_loop3A_501 : i32 to index
      %parallel_loop3A_503 = tpu.vector_load %arg9[%parallel_loop3A_502] {strides = array<i32>} : memref<1792xi32, #tpu.memory_space<vmem>>, vector<16xi32>,
      %parallel_loop3A_504 = arith.addi %parallel_loop3A_499, %parallel_loop3A_503 : vector<16xi32>
      %parallel_loop3A_505 = arith.constant 16 : i32
      %parallel_loop3A_506 = vector.broadcast %parallel_loop3A_505 : i32 to vector<16xi32>
      %parallel_loop3A_507 = arith.shli %parallel_loop3A_504, %parallel_loop3A_506 : vector<16xi32>
      %parallel_loop3A_508 = arith.ori %parallel_loop3A_492, %parallel_loop3A_507 : vector<16xi32>
      %parallel_loop3A_509 = arith.index_cast %parallel_loop3A_481 : i32 to index
      %parallel_loop3A_510 = tpu.vector_load %arg14[%parallel_loop3A_509] {strides = array<i32>} : memref<896xi32, #tpu.memory_space<vmem>>, vector<16xi32>,
      tpu.vector_store %arg14[%parallel_loop3A_509], %parallel_loop3A_508 {strides = array<i32>} : memref<896xi32, #tpu.memory_space<vmem>>, vector<16xi32>,
    } {sc.loop_unroll_factor = 8 : i64, sc.parallel_access}
    %add3A_103 = arith.constant 0 : i32
    %add3A_104 = arith.addi %arg1, %add3A_103 : i32
    %mul3A_105 = arith.constant 896 : i32
    %mul3A_106 = arith.muli %add3A_104, %mul3A_105 : i32
    %multiple_of3A = tpu.assume_multiple %mul3A_106, 896 : i32
    %dma_start3A_107 = tpu.memref_slice %arg23[%multiple_of3A] : memref<100352xi32, #tpu.memory_space<vmem_shared>> -> memref<896xi32, #tpu.memory_space<vmem_shared>>
    %dma_start3A_108 = tpu.memref_slice %arg23[%multiple_of3A] : memref<100352xi32, #tpu.memory_space<vmem_shared>> -> memref<896xi32, #tpu.memory_space<vmem_shared>>
    tpu.enqueue_dma source(%arg14 : memref<896xi32, #tpu.memory_space<vmem>>) target(%dma_start3A_108 : memref<896xi32, #tpu.memory_space<vmem_shared>>) target_semaphore(%arg22 : memref<!tpu.dma_semaphore, #tpu.memory_space<semaphore_mem>>)
    %dma_wait3A_109 = arith.constant 0 : i32
    %dma_wait3A_110 = arith.constant 0 : i32
    %dma_wait3A_111 = tpu.memref_slice %arg3[%dma_wait3A_109, %dma_wait3A_110] : memref<4x50176xi32, #tpu.memory_space<hbm>> -> memref<1x1792xi32, #tpu.memory_space<hbm>>
    %dma_wait3A_112 = tpu.memref_squeeze %dma_wait3A_111 : memref<1x1792xi32, #tpu.memory_space<hbm>> -> memref<1792xi32, #tpu.memory_space<hbm>>
    %dma_wait3A_113 = arith.constant 0 : i32
    %dma_wait3A_114 = tpu.memref_slice %arg3[%dma_wait3A_109, %dma_wait3A_113] : memref<4x50176xi32, #tpu.memory_space<hbm>> -> memref<1x1792xi32, #tpu.memory_space<hbm>>
    %dma_wait3A_115 = tpu.memref_squeeze %dma_wait3A_114 : memref<1x1792xi32, #tpu.memory_space<hbm>> -> memref<1792xi32, #tpu.memory_space<hbm>>
    tpu.wait_dma2 semaphore(%arg18 : memref<!tpu.dma_semaphore, #tpu.memory_space<semaphore_mem>>) src(%dma_wait3A_115 : memref<1792xi32, #tpu.memory_space<hbm>>) dst(%arg12 : memref<1792xi32, #tpu.memory_space<vmem>>)
    %dma_wait3A_116 = arith.constant 0 : i32
    %dma_wait3A_117 = arith.constant 0 : i32
    %dma_wait3A_118 = tpu.memref_slice %arg3[%dma_wait3A_116, %dma_wait3A_117] : memref<4x50176xi32, #tpu.memory_space<hbm>> -> memref<1x1792xi32, #tpu.memory_space<hbm>>
    %dma_wait3A_119 = tpu.memref_squeeze %dma_wait3A_118 : memref<1x1792xi32, #tpu.memory_space<hbm>> -> memref<1792xi32, #tpu.memory_space<hbm>>
    %dma_wait3A_120 = arith.constant 0 : i32
    %dma_wait3A_121 = tpu.memref_slice %arg3[%dma_wait3A_116, %dma_wait3A_120] : memref<4x50176xi32, #tpu.memory_space<hbm>> -> memref<1x1792xi32, #tpu.memory_space<hbm>>
    %dma_wait3A_122 = tpu.memref_squeeze %dma_wait3A_121 : memref<1x1792xi32, #tpu.memory_space<hbm>> -> memref<1792xi32, #tpu.memory_space<hbm>>
    tpu.wait_dma2 semaphore(%arg19 : memref<!tpu.dma_semaphore, #tpu.memory_space<semaphore_mem>>) src(%dma_wait3A_122 : memref<1792xi32, #tpu.memory_space<hbm>>) dst(%arg13 : memref<1792xi32, #tpu.memory_space<vmem>>)
    %add3A_123 = arith.constant 32 : i32
    %add3A_124 = arith.addi %arg1, %add3A_123 : i32
    %mul3A_125 = arith.constant 1792 : i32
    %mul3A_126 = arith.muli %add3A_124, %mul3A_125 : i32
    %jit3A_127 = arith.constant 50176 : i32
    %div3A_128 = arith.divsi %mul3A_126, %jit3A_127 : i32
    %sign3A_129 = arith.constant 0 : i32
    %sign3A_130 = arith.cmpi sgt, %mul3A_126, %sign3A_129 : i32
    %sign3A_131 = arith.extui %sign3A_130 : i1 to i32
    %sign3A_132 = arith.constant 0 : i32
    %sign3A_133 = arith.cmpi slt, %mul3A_126, %sign3A_132 : i32
    %sign3A_134 = arith.extui %sign3A_133 : i1 to i32
    %sign3A_135 = arith.subi %sign3A_131, %sign3A_134 : i32
    %sign3A_136 = arith.constant 0 : i32
    %sign3A_137 = arith.cmpi sgt, %jit3A_127, %sign3A_136 : i32
    %sign3A_138 = arith.extui %sign3A_137 : i1 to i32
    %sign3A_139 = arith.constant 0 : i32
    %sign3A_140 = arith.cmpi slt, %jit3A_127, %sign3A_139 : i32
    %sign3A_141 = arith.extui %sign3A_140 : i1 to i32
    %sign3A_142 = arith.subi %sign3A_138, %sign3A_141 : i32
    %ne3A_143 = arith.cmpi ne, %sign3A_135, %sign3A_142 : i32
    %rem3A_144 = arith.remsi %mul3A_126, %jit3A_127 : i32
    %ne3A_145 = arith.constant 0 : i32
    %ne3A_146 = arith.cmpi ne, %rem3A_144, %ne3A_145 : i32
    %and3A_147 = arith.andi %ne3A_143, %ne3A_146 : i1
    %sub3A_148 = arith.constant 1 : i32
    %sub3A_149 = arith.subi %div3A_128, %sub3A_148 : i32
    %select_n3A_150 = arith.select %and3A_147, %sub3A_149, %div3A_128 : i32
    %mul3A_151 = arith.constant 50176 : i32
    %mul3A_152 = arith.muli %select_n3A_150, %mul3A_151 : i32
    %sub3A_153 = arith.subi %mul3A_126, %mul3A_152 : i32
    %dma_start3A_154 = tpu.memref_slice %arg3[%select_n3A_150, %sub3A_153] : memref<4x50176xi32, #tpu.memory_space<hbm>> -> memref<1x1792xi32, #tpu.memory_space<hbm>>
    %dma_start3A_155 = tpu.memref_squeeze %dma_start3A_154 : memref<1x1792xi32, #tpu.memory_space<hbm>> -> memref<1792xi32, #tpu.memory_space<hbm>>
    %dma_start3A_156 = tpu.memref_slice %arg3[%select_n3A_150, %sub3A_153] : memref<4x50176xi32, #tpu.memory_space<hbm>> -> memref<1x1792xi32, #tpu.memory_space<hbm>>
    %dma_start3A_157 = tpu.memref_squeeze %dma_start3A_156 : memref<1x1792xi32, #tpu.memory_space<hbm>> -> memref<1792xi32, #tpu.memory_space<hbm>>
    tpu.enqueue_dma source(%dma_start3A_157 : memref<1792xi32, #tpu.memory_space<hbm>>) target(%arg8 : memref<1792xi32, #tpu.memory_space<vmem>>) target_semaphore(%arg16 : memref<!tpu.dma_semaphore, #tpu.memory_space<semaphore_mem>>)
    %dma_start3A_158 = tpu.memref_slice %arg4[%select_n3A_150, %sub3A_153] : memref<4x50176xi32, #tpu.memory_space<hbm>> -> memref<1x1792xi32, #tpu.memory_space<hbm>>
    %dma_start3A_159 = tpu.memref_squeeze %dma_start3A_158 : memref<1x1792xi32, #tpu.memory_space<hbm>> -> memref<1792xi32, #tpu.memory_space<hbm>>
    %dma_start3A_160 = tpu.memref_slice %arg4[%select_n3A_150, %sub3A_153] : memref<4x50176xi32, #tpu.memory_space<hbm>> -> memref<1x1792xi32, #tpu.memory_space<hbm>>
    %dma_start3A_161 = tpu.memref_squeeze %dma_start3A_160 : memref<1x1792xi32, #tpu.memory_space<hbm>> -> memref<1792xi32, #tpu.memory_space<hbm>>
    tpu.enqueue_dma source(%dma_start3A_161 : memref<1792xi32, #tpu.memory_space<hbm>>) target(%arg9 : memref<1792xi32, #tpu.memory_space<vmem>>) target_semaphore(%arg17 : memref<!tpu.dma_semaphore, #tpu.memory_space<semaphore_mem>>)
    %parallel_loop3A_162 = arith.constant 0 : i32
    %parallel_loop3A_163 = arith.constant 896 : i32
    %parallel_loop3A_164 = arith.constant 16 : i32
    scf.for %parallel_loop3A_481 = %parallel_loop3A_162 to %parallel_loop3A_163 step %parallel_loop3A_164  : i32 {
      %parallel_loop3A_482 = arith.constant 2 : i32
      %parallel_loop3A_483 = arith.muli %parallel_loop3A_482, %parallel_loop3A_481 : i32
      %parallel_loop3A_484 = tpu.assume_multiple %parallel_loop3A_483, 32 : i32
      %parallel_loop3A_485 = arith.index_cast %parallel_loop3A_484 : i32 to index
      %parallel_loop3A_486 = tpu.vector_load %arg12[%parallel_loop3A_485] {strides = array<i32>} : memref<1792xi32, #tpu.memory_space<vmem>>, vector<16xi32>,
      %parallel_loop3A_487 = arith.constant 224 : i32
      %parallel_loop3A_488 = vector.broadcast %parallel_loop3A_487 : i32 to vector<16xi32>
      %parallel_loop3A_489 = arith.muli %parallel_loop3A_486, %parallel_loop3A_488 : vector<16xi32>
      %parallel_loop3A_490 = arith.index_cast %parallel_loop3A_484 : i32 to index
      %parallel_loop3A_491 = tpu.vector_load %arg13[%parallel_loop3A_490] {strides = array<i32>} : memref<1792xi32, #tpu.memory_space<vmem>>, vector<16xi32>,
      %parallel_loop3A_492 = arith.addi %parallel_loop3A_489, %parallel_loop3A_491 : vector<16xi32>
      %parallel_loop3A_493 = arith.constant 16 : i32
      %parallel_loop3A_494 = arith.addi %parallel_loop3A_484, %parallel_loop3A_493 : i32
      %parallel_loop3A_495 = arith.index_cast %parallel_loop3A_494 : i32 to index
      %parallel_loop3A_496 = tpu.vector_load %arg12[%parallel_loop3A_495] {strides = array<i32>} : memref<1792xi32, #tpu.memory_space<vmem>>, vector<16xi32>,
      %parallel_loop3A_497 = arith.constant 224 : i32
      %parallel_loop3A_498 = vector.broadcast %parallel_loop3A_497 : i32 to vector<16xi32>
      %parallel_loop3A_499 = arith.muli %parallel_loop3A_496, %parallel_loop3A_498 : vector<16xi32>
      %parallel_loop3A_500 = arith.constant 16 : i32
      %parallel_loop3A_501 = arith.addi %parallel_loop3A_484, %parallel_loop3A_500 : i32
      %parallel_loop3A_502 = arith.index_cast %parallel_loop3A_501 : i32 to index
      %parallel_loop3A_503 = tpu.vector_load %arg13[%parallel_loop3A_502] {strides = array<i32>} : memref<1792xi32, #tpu.memory_space<vmem>>, vector<16xi32>,
      %parallel_loop3A_504 = arith.addi %parallel_loop3A_499, %parallel_loop3A_503 : vector<16xi32>
      %parallel_loop3A_505 = arith.constant 16 : i32
      %parallel_loop3A_506 = vector.broadcast %parallel_loop3A_505 : i32 to vector<16xi32>
      %parallel_loop3A_507 = arith.shli %parallel_loop3A_504, %parallel_loop3A_506 : vector<16xi32>
      %parallel_loop3A_508 = arith.ori %parallel_loop3A_492, %parallel_loop3A_507 : vector<16xi32>
      %parallel_loop3A_509 = arith.index_cast %parallel_loop3A_481 : i32 to index
      %parallel_loop3A_510 = tpu.vector_load %arg15[%parallel_loop3A_509] {strides = array<i32>} : memref<896xi32, #tpu.memory_space<vmem>>, vector<16xi32>,
      tpu.vector_store %arg15[%parallel_loop3A_509], %parallel_loop3A_508 {strides = array<i32>} : memref<896xi32, #tpu.memory_space<vmem>>, vector<16xi32>,
    } {sc.loop_unroll_factor = 8 : i64, sc.parallel_access}
    %add3A_165 = arith.constant 16 : i32
    %add3A_166 = arith.addi %arg1, %add3A_165 : i32
    %mul3A_167 = arith.constant 896 : i32
    %mul3A_168 = arith.muli %add3A_166, %mul3A_167 : i32
    %multiple_of3A_169 = tpu.assume_multiple %mul3A_168, 896 : i32
    %dma_start3A_170 = tpu.memref_slice %arg23[%multiple_of3A_169] : memref<100352xi32, #tpu.memory_space<vmem_shared>> -> memref<896xi32, #tpu.memory_space<vmem_shared>>
    %dma_start3A_171 = tpu.memref_slice %arg23[%multiple_of3A_169] : memref<100352xi32, #tpu.memory_space<vmem_shared>> -> memref<896xi32, #tpu.memory_space<vmem_shared>>
    tpu.enqueue_dma source(%arg15 : memref<896xi32, #tpu.memory_space<vmem>>) target(%dma_start3A_171 : memref<896xi32, #tpu.memory_space<vmem_shared>>) target_semaphore(%arg22 : memref<!tpu.dma_semaphore, #tpu.memory_space<semaphore_mem>>)
    %dma_wait3A_172 = arith.constant 0 : i32
    %dma_wait3A_173 = arith.constant 0 : i32
    %dma_wait3A_174 = tpu.memref_slice %arg3[%dma_wait3A_172, %dma_wait3A_173] : memref<4x50176xi32, #tpu.memory_space<hbm>> -> memref<1x1792xi32, #tpu.memory_space<hbm>>
    %dma_wait3A_175 = tpu.memref_squeeze %dma_wait3A_174 : memref<1x1792xi32, #tpu.memory_space<hbm>> -> memref<1792xi32, #tpu.memory_space<hbm>>
    %dma_wait3A_176 = arith.constant 0 : i32
    %dma_wait3A_177 = tpu.memref_slice %arg3[%dma_wait3A_172, %dma_wait3A_176] : memref<4x50176xi32, #tpu.memory_space<hbm>> -> memref<1x1792xi32, #tpu.memory_space<hbm>>
    %dma_wait3A_178 = tpu.memref_squeeze %dma_wait3A_177 : memref<1x1792xi32, #tpu.memory_space<hbm>> -> memref<1792xi32, #tpu.memory_space<hbm>>
    tpu.wait_dma2 semaphore(%arg16 : memref<!tpu.dma_semaphore, #tpu.memory_space<semaphore_mem>>) src(%dma_wait3A_178 : memref<1792xi32, #tpu.memory_space<hbm>>) dst(%arg8 : memref<1792xi32, #tpu.memory_space<vmem>>)
    %dma_wait3A_179 = arith.constant 0 : i32
    %dma_wait3A_180 = arith.constant 0 : i32
    %dma_wait3A_181 = tpu.memref_slice %arg3[%dma_wait3A_179, %dma_wait3A_180] : memref<4x50176xi32, #tpu.memory_space<hbm>> -> memref<1x1792xi32, #tpu.memory_space<hbm>>
    %dma_wait3A_182 = tpu.memref_squeeze %dma_wait3A_181 : memref<1x1792xi32, #tpu.memory_space<hbm>> -> memref<1792xi32, #tpu.memory_space<hbm>>
    %dma_wait3A_183 = arith.constant 0 : i32
    %dma_wait3A_184 = tpu.memref_slice %arg3[%dma_wait3A_179, %dma_wait3A_183] : memref<4x50176xi32, #tpu.memory_space<hbm>> -> memref<1x1792xi32, #tpu.memory_space<hbm>>
    %dma_wait3A_185 = tpu.memref_squeeze %dma_wait3A_184 : memref<1x1792xi32, #tpu.memory_space<hbm>> -> memref<1792xi32, #tpu.memory_space<hbm>>
    tpu.wait_dma2 semaphore(%arg17 : memref<!tpu.dma_semaphore, #tpu.memory_space<semaphore_mem>>) src(%dma_wait3A_185 : memref<1792xi32, #tpu.memory_space<hbm>>) dst(%arg9 : memref<1792xi32, #tpu.memory_space<vmem>>)
    %add3A_186 = arith.constant 48 : i32
    %add3A_187 = arith.addi %arg1, %add3A_186 : i32
    %mul3A_188 = arith.constant 1792 : i32
    %mul3A_189 = arith.muli %add3A_187, %mul3A_188 : i32
    %jit3A_190 = arith.constant 50176 : i32
    %div3A_191 = arith.divsi %mul3A_189, %jit3A_190 : i32
    %sign3A_192 = arith.constant 0 : i32
    %sign3A_193 = arith.cmpi sgt, %mul3A_189, %sign3A_192 : i32
    %sign3A_194 = arith.extui %sign3A_193 : i1 to i32
    %sign3A_195 = arith.constant 0 : i32
    %sign3A_196 = arith.cmpi slt, %mul3A_189, %sign3A_195 : i32
    %sign3A_197 = arith.extui %sign3A_196 : i1 to i32
    %sign3A_198 = arith.subi %sign3A_194, %sign3A_197 : i32
    %sign3A_199 = arith.constant 0 : i32
    %sign3A_200 = arith.cmpi sgt, %jit3A_190, %sign3A_199 : i32
    %sign3A_201 = arith.extui %sign3A_200 : i1 to i32
    %sign3A_202 = arith.constant 0 : i32
    %sign3A_203 = arith.cmpi slt, %jit3A_190, %sign3A_202 : i32
    %sign3A_204 = arith.extui %sign3A_203 : i1 to i32
    %sign3A_205 = arith.subi %sign3A_201, %sign3A_204 : i32
    %ne3A_206 = arith.cmpi ne, %sign3A_198, %sign3A_205 : i32
    %rem3A_207 = arith.remsi %mul3A_189, %jit3A_190 : i32
    %ne3A_208 = arith.constant 0 : i32
    %ne3A_209 = arith.cmpi ne, %rem3A_207, %ne3A_208 : i32
    %and3A_210 = arith.andi %ne3A_206, %ne3A_209 : i1
    %sub3A_211 = arith.constant 1 : i32
    %sub3A_212 = arith.subi %div3A_191, %sub3A_211 : i32
    %select_n3A_213 = arith.select %and3A_210, %sub3A_212, %div3A_191 : i32
    %mul3A_214 = arith.constant 50176 : i32
    %mul3A_215 = arith.muli %select_n3A_213, %mul3A_214 : i32
    %sub3A_216 = arith.subi %mul3A_189, %mul3A_215 : i32
    %dma_start3A_217 = tpu.memref_slice %arg3[%select_n3A_213, %sub3A_216] : memref<4x50176xi32, #tpu.memory_space<hbm>> -> memref<1x1792xi32, #tpu.memory_space<hbm>>
    %dma_start3A_218 = tpu.memref_squeeze %dma_start3A_217 : memref<1x1792xi32, #tpu.memory_space<hbm>> -> memref<1792xi32, #tpu.memory_space<hbm>>
    %dma_start3A_219 = tpu.memref_slice %arg3[%select_n3A_213, %sub3A_216] : memref<4x50176xi32, #tpu.memory_space<hbm>> -> memref<1x1792xi32, #tpu.memory_space<hbm>>
    %dma_start3A_220 = tpu.memref_squeeze %dma_start3A_219 : memref<1x1792xi32, #tpu.memory_space<hbm>> -> memref<1792xi32, #tpu.memory_space<hbm>>
    tpu.enqueue_dma source(%dma_start3A_220 : memref<1792xi32, #tpu.memory_space<hbm>>) target(%arg12 : memref<1792xi32, #tpu.memory_space<vmem>>) target_semaphore(%arg18 : memref<!tpu.dma_semaphore, #tpu.memory_space<semaphore_mem>>)
    %dma_start3A_221 = tpu.memref_slice %arg4[%select_n3A_213, %sub3A_216] : memref<4x50176xi32, #tpu.memory_space<hbm>> -> memref<1x1792xi32, #tpu.memory_space<hbm>>
    %dma_start3A_222 = tpu.memref_squeeze %dma_start3A_221 : memref<1x1792xi32, #tpu.memory_space<hbm>> -> memref<1792xi32, #tpu.memory_space<hbm>>
    %dma_start3A_223 = tpu.memref_slice %arg4[%select_n3A_213, %sub3A_216] : memref<4x50176xi32, #tpu.memory_space<hbm>> -> memref<1x1792xi32, #tpu.memory_space<hbm>>
    %dma_start3A_224 = tpu.memref_squeeze %dma_start3A_223 : memref<1x1792xi32, #tpu.memory_space<hbm>> -> memref<1792xi32, #tpu.memory_space<hbm>>
    tpu.enqueue_dma source(%dma_start3A_224 : memref<1792xi32, #tpu.memory_space<hbm>>) target(%arg13 : memref<1792xi32, #tpu.memory_space<vmem>>) target_semaphore(%arg19 : memref<!tpu.dma_semaphore, #tpu.memory_space<semaphore_mem>>)
    %dma_wait3A_225 = arith.constant 0 : i32
    %dma_wait3A_226 = tpu.memref_slice %arg23[%dma_wait3A_225] : memref<100352xi32, #tpu.memory_space<vmem_shared>> -> memref<896xi32, #tpu.memory_space<vmem_shared>>
    %dma_wait3A_227 = arith.constant 0 : i32
    %dma_wait3A_228 = tpu.memref_slice %arg23[%dma_wait3A_227] : memref<100352xi32, #tpu.memory_space<vmem_shared>> -> memref<896xi32, #tpu.memory_space<vmem_shared>>
    tpu.wait_dma2 semaphore(%arg22 : memref<!tpu.dma_semaphore, #tpu.memory_space<semaphore_mem>>) src(%arg14 : memref<896xi32, #tpu.memory_space<vmem>>) dst(%dma_wait3A_228 : memref<896xi32, #tpu.memory_space<vmem_shared>>)
    %parallel_loop3A_229 = arith.constant 0 : i32
    %parallel_loop3A_230 = arith.constant 896 : i32
    %parallel_loop3A_231 = arith.constant 16 : i32
    scf.for %parallel_loop3A_481 = %parallel_loop3A_229 to %parallel_loop3A_230 step %parallel_loop3A_231  : i32 {
      %parallel_loop3A_482 = arith.constant 2 : i32
      %parallel_loop3A_483 = arith.muli %parallel_loop3A_482, %parallel_loop3A_481 : i32
      %parallel_loop3A_484 = tpu.assume_multiple %parallel_loop3A_483, 32 : i32
      %parallel_loop3A_485 = arith.index_cast %parallel_loop3A_484 : i32 to index
      %parallel_loop3A_486 = tpu.vector_load %arg8[%parallel_loop3A_485] {strides = array<i32>} : memref<1792xi32, #tpu.memory_space<vmem>>, vector<16xi32>,
      %parallel_loop3A_487 = arith.constant 224 : i32
      %parallel_loop3A_488 = vector.broadcast %parallel_loop3A_487 : i32 to vector<16xi32>
      %parallel_loop3A_489 = arith.muli %parallel_loop3A_486, %parallel_loop3A_488 : vector<16xi32>
      %parallel_loop3A_490 = arith.index_cast %parallel_loop3A_484 : i32 to index
      %parallel_loop3A_491 = tpu.vector_load %arg9[%parallel_loop3A_490] {strides = array<i32>} : memref<1792xi32, #tpu.memory_space<vmem>>, vector<16xi32>,
      %parallel_loop3A_492 = arith.addi %parallel_loop3A_489, %parallel_loop3A_491 : vector<16xi32>
      %parallel_loop3A_493 = arith.constant 16 : i32
      %parallel_loop3A_494 = arith.addi %parallel_loop3A_484, %parallel_loop3A_493 : i32
      %parallel_loop3A_495 = arith.index_cast %parallel_loop3A_494 : i32 to index
      %parallel_loop3A_496 = tpu.vector_load %arg8[%parallel_loop3A_495] {strides = array<i32>} : memref<1792xi32, #tpu.memory_space<vmem>>, vector<16xi32>,
      %parallel_loop3A_497 = arith.constant 224 : i32
      %parallel_loop3A_498 = vector.broadcast %parallel_loop3A_497 : i32 to vector<16xi32>
      %parallel_loop3A_499 = arith.muli %parallel_loop3A_496, %parallel_loop3A_498 : vector<16xi32>
      %parallel_loop3A_500 = arith.constant 16 : i32
      %parallel_loop3A_501 = arith.addi %parallel_loop3A_484, %parallel_loop3A_500 : i32
      %parallel_loop3A_502 = arith.index_cast %parallel_loop3A_501 : i32 to index
      %parallel_loop3A_503 = tpu.vector_load %arg9[%parallel_loop3A_502] {strides = array<i32>} : memref<1792xi32, #tpu.memory_space<vmem>>, vector<16xi32>,
      %parallel_loop3A_504 = arith.addi %parallel_loop3A_499, %parallel_loop3A_503 : vector<16xi32>
      %parallel_loop3A_505 = arith.constant 16 : i32
      %parallel_loop3A_506 = vector.broadcast %parallel_loop3A_505 : i32 to vector<16xi32>
      %parallel_loop3A_507 = arith.shli %parallel_loop3A_504, %parallel_loop3A_506 : vector<16xi32>
      %parallel_loop3A_508 = arith.ori %parallel_loop3A_492, %parallel_loop3A_507 : vector<16xi32>
      %parallel_loop3A_509 = arith.index_cast %parallel_loop3A_481 : i32 to index
      %parallel_loop3A_510 = tpu.vector_load %arg14[%parallel_loop3A_509] {strides = array<i32>} : memref<896xi32, #tpu.memory_space<vmem>>, vector<16xi32>,
      tpu.vector_store %arg14[%parallel_loop3A_509], %parallel_loop3A_508 {strides = array<i32>} : memref<896xi32, #tpu.memory_space<vmem>>, vector<16xi32>,
    } {sc.loop_unroll_factor = 8 : i64, sc.parallel_access}
    %add3A_232 = arith.constant 32 : i32
    %add3A_233 = arith.addi %arg1, %add3A_232 : i32
    %mul3A_234 = arith.constant 896 : i32
    %mul3A_235 = arith.muli %add3A_233, %mul3A_234 : i32
    %multiple_of3A_236 = tpu.assume_multiple %mul3A_235, 896 : i32
    %dma_start3A_237 = tpu.memref_slice %arg23[%multiple_of3A_236] : memref<100352xi32, #tpu.memory_space<vmem_shared>> -> memref<896xi32, #tpu.memory_space<vmem_shared>>
    %dma_start3A_238 = tpu.memref_slice %arg23[%multiple_of3A_236] : memref<100352xi32, #tpu.memory_space<vmem_shared>> -> memref<896xi32, #tpu.memory_space<vmem_shared>>
    tpu.enqueue_dma source(%arg14 : memref<896xi32, #tpu.memory_space<vmem>>) target(%dma_start3A_238 : memref<896xi32, #tpu.memory_space<vmem_shared>>) target_semaphore(%arg22 : memref<!tpu.dma_semaphore, #tpu.memory_space<semaphore_mem>>)
    %dma_wait3A_239 = arith.constant 0 : i32
    %dma_wait3A_240 = arith.constant 0 : i32
    %dma_wait3A_241 = tpu.memref_slice %arg3[%dma_wait3A_239, %dma_wait3A_240] : memref<4x50176xi32, #tpu.memory_space<hbm>> -> memref<1x1792xi32, #tpu.memory_space<hbm>>
    %dma_wait3A_242 = tpu.memref_squeeze %dma_wait3A_241 : memref<1x1792xi32, #tpu.memory_space<hbm>> -> memref<1792xi32, #tpu.memory_space<hbm>>
    %dma_wait3A_243 = arith.constant 0 : i32
    %dma_wait3A_244 = tpu.memref_slice %arg3[%dma_wait3A_239, %dma_wait3A_243] : memref<4x50176xi32, #tpu.memory_space<hbm>> -> memref<1x1792xi32, #tpu.memory_space<hbm>>
    %dma_wait3A_245 = tpu.memref_squeeze %dma_wait3A_244 : memref<1x1792xi32, #tpu.memory_space<hbm>> -> memref<1792xi32, #tpu.memory_space<hbm>>
    tpu.wait_dma2 semaphore(%arg18 : memref<!tpu.dma_semaphore, #tpu.memory_space<semaphore_mem>>) src(%dma_wait3A_245 : memref<1792xi32, #tpu.memory_space<hbm>>) dst(%arg12 : memref<1792xi32, #tpu.memory_space<vmem>>)
    %dma_wait3A_246 = arith.constant 0 : i32
    %dma_wait3A_247 = arith.constant 0 : i32
    %dma_wait3A_248 = tpu.memref_slice %arg3[%dma_wait3A_246, %dma_wait3A_247] : memref<4x50176xi32, #tpu.memory_space<hbm>> -> memref<1x1792xi32, #tpu.memory_space<hbm>>
    %dma_wait3A_249 = tpu.memref_squeeze %dma_wait3A_248 : memref<1x1792xi32, #tpu.memory_space<hbm>> -> memref<1792xi32, #tpu.memory_space<hbm>>
    %dma_wait3A_250 = arith.constant 0 : i32
    %dma_wait3A_251 = tpu.memref_slice %arg3[%dma_wait3A_246, %dma_wait3A_250] : memref<4x50176xi32, #tpu.memory_space<hbm>> -> memref<1x1792xi32, #tpu.memory_space<hbm>>
    %dma_wait3A_252 = tpu.memref_squeeze %dma_wait3A_251 : memref<1x1792xi32, #tpu.memory_space<hbm>> -> memref<1792xi32, #tpu.memory_space<hbm>>
    tpu.wait_dma2 semaphore(%arg19 : memref<!tpu.dma_semaphore, #tpu.memory_space<semaphore_mem>>) src(%dma_wait3A_252 : memref<1792xi32, #tpu.memory_space<hbm>>) dst(%arg13 : memref<1792xi32, #tpu.memory_space<vmem>>)
    %add3A_253 = arith.constant 64 : i32
    %add3A_254 = arith.addi %arg1, %add3A_253 : i32
    %mul3A_255 = arith.constant 1792 : i32
    %mul3A_256 = arith.muli %add3A_254, %mul3A_255 : i32
    %jit3A_257 = arith.constant 50176 : i32
    %div3A_258 = arith.divsi %mul3A_256, %jit3A_257 : i32
    %sign3A_259 = arith.constant 0 : i32
    %sign3A_260 = arith.cmpi sgt, %mul3A_256, %sign3A_259 : i32
    %sign3A_261 = arith.extui %sign3A_260 : i1 to i32
    %sign3A_262 = arith.constant 0 : i32
    %sign3A_263 = arith.cmpi slt, %mul3A_256, %sign3A_262 : i32
    %sign3A_264 = arith.extui %sign3A_263 : i1 to i32
    %sign3A_265 = arith.subi %sign3A_261, %sign3A_264 : i32
    %sign3A_266 = arith.constant 0 : i32
    %sign3A_267 = arith.cmpi sgt, %jit3A_257, %sign3A_266 : i32
    %sign3A_268 = arith.extui %sign3A_267 : i1 to i32
    %sign3A_269 = arith.constant 0 : i32
    %sign3A_270 = arith.cmpi slt, %jit3A_257, %sign3A_269 : i32
    %sign3A_271 = arith.extui %sign3A_270 : i1 to i32
    %sign3A_272 = arith.subi %sign3A_268, %sign3A_271 : i32
    %ne3A_273 = arith.cmpi ne, %sign3A_265, %sign3A_272 : i32
    %rem3A_274 = arith.remsi %mul3A_256, %jit3A_257 : i32
    %ne3A_275 = arith.constant 0 : i32
    %ne3A_276 = arith.cmpi ne, %rem3A_274, %ne3A_275 : i32
    %and3A_277 = arith.andi %ne3A_273, %ne3A_276 : i1
    %sub3A_278 = arith.constant 1 : i32
    %sub3A_279 = arith.subi %div3A_258, %sub3A_278 : i32
    %select_n3A_280 = arith.select %and3A_277, %sub3A_279, %div3A_258 : i32
    %mul3A_281 = arith.constant 50176 : i32
    %mul3A_282 = arith.muli %select_n3A_280, %mul3A_281 : i32
    %sub3A_283 = arith.subi %mul3A_256, %mul3A_282 : i32
    %dma_start3A_284 = tpu.memref_slice %arg3[%select_n3A_280, %sub3A_283] : memref<4x50176xi32, #tpu.memory_space<hbm>> -> memref<1x1792xi32, #tpu.memory_space<hbm>>
    %dma_start3A_285 = tpu.memref_squeeze %dma_start3A_284 : memref<1x1792xi32, #tpu.memory_space<hbm>> -> memref<1792xi32, #tpu.memory_space<hbm>>
    %dma_start3A_286 = tpu.memref_slice %arg3[%select_n3A_280, %sub3A_283] : memref<4x50176xi32, #tpu.memory_space<hbm>> -> memref<1x1792xi32, #tpu.memory_space<hbm>>
    %dma_start3A_287 = tpu.memref_squeeze %dma_start3A_286 : memref<1x1792xi32, #tpu.memory_space<hbm>> -> memref<1792xi32, #tpu.memory_space<hbm>>
    tpu.enqueue_dma source(%dma_start3A_287 : memref<1792xi32, #tpu.memory_space<hbm>>) target(%arg8 : memref<1792xi32, #tpu.memory_space<vmem>>) target_semaphore(%arg16 : memref<!tpu.dma_semaphore, #tpu.memory_space<semaphore_mem>>)
    %dma_start3A_288 = tpu.memref_slice %arg4[%select_n3A_280, %sub3A_283] : memref<4x50176xi32, #tpu.memory_space<hbm>> -> memref<1x1792xi32, #tpu.memory_space<hbm>>
    %dma_start3A_289 = tpu.memref_squeeze %dma_start3A_288 : memref<1x1792xi32, #tpu.memory_space<hbm>> -> memref<1792xi32, #tpu.memory_space<hbm>>
    %dma_start3A_290 = tpu.memref_slice %arg4[%select_n3A_280, %sub3A_283] : memref<4x50176xi32, #tpu.memory_space<hbm>> -> memref<1x1792xi32, #tpu.memory_space<hbm>>
    %dma_start3A_291 = tpu.memref_squeeze %dma_start3A_290 : memref<1x1792xi32, #tpu.memory_space<hbm>> -> memref<1792xi32, #tpu.memory_space<hbm>>
    tpu.enqueue_dma source(%dma_start3A_291 : memref<1792xi32, #tpu.memory_space<hbm>>) target(%arg9 : memref<1792xi32, #tpu.memory_space<vmem>>) target_semaphore(%arg17 : memref<!tpu.dma_semaphore, #tpu.memory_space<semaphore_mem>>)
    %dma_wait3A_292 = arith.constant 0 : i32
    %dma_wait3A_293 = tpu.memref_slice %arg23[%dma_wait3A_292] : memref<100352xi32, #tpu.memory_space<vmem_shared>> -> memref<896xi32, #tpu.memory_space<vmem_shared>>
    %dma_wait3A_294 = arith.constant 0 : i32
    %dma_wait3A_295 = tpu.memref_slice %arg23[%dma_wait3A_294] : memref<100352xi32, #tpu.memory_space<vmem_shared>> -> memref<896xi32, #tpu.memory_space<vmem_shared>>
    tpu.wait_dma2 semaphore(%arg22 : memref<!tpu.dma_semaphore, #tpu.memory_space<semaphore_mem>>) src(%arg15 : memref<896xi32, #tpu.memory_space<vmem>>) dst(%dma_wait3A_295 : memref<896xi32, #tpu.memory_space<vmem_shared>>)
    %parallel_loop3A_296 = arith.constant 0 : i32
    %parallel_loop3A_297 = arith.constant 896 : i32
    %parallel_loop3A_298 = arith.constant 16 : i32
    scf.for %parallel_loop3A_481 = %parallel_loop3A_296 to %parallel_loop3A_297 step %parallel_loop3A_298  : i32 {
      %parallel_loop3A_482 = arith.constant 2 : i32
      %parallel_loop3A_483 = arith.muli %parallel_loop3A_482, %parallel_loop3A_481 : i32
      %parallel_loop3A_484 = tpu.assume_multiple %parallel_loop3A_483, 32 : i32
      %parallel_loop3A_485 = arith.index_cast %parallel_loop3A_484 : i32 to index
      %parallel_loop3A_486 = tpu.vector_load %arg12[%parallel_loop3A_485] {strides = array<i32>} : memref<1792xi32, #tpu.memory_space<vmem>>, vector<16xi32>,
      %parallel_loop3A_487 = arith.constant 224 : i32
      %parallel_loop3A_488 = vector.broadcast %parallel_loop3A_487 : i32 to vector<16xi32>
      %parallel_loop3A_489 = arith.muli %parallel_loop3A_486, %parallel_loop3A_488 : vector<16xi32>
      %parallel_loop3A_490 = arith.index_cast %parallel_loop3A_484 : i32 to index
      %parallel_loop3A_491 = tpu.vector_load %arg13[%parallel_loop3A_490] {strides = array<i32>} : memref<1792xi32, #tpu.memory_space<vmem>>, vector<16xi32>,
      %parallel_loop3A_492 = arith.addi %parallel_loop3A_489, %parallel_loop3A_491 : vector<16xi32>
      %parallel_loop3A_493 = arith.constant 16 : i32
      %parallel_loop3A_494 = arith.addi %parallel_loop3A_484, %parallel_loop3A_493 : i32
      %parallel_loop3A_495 = arith.index_cast %parallel_loop3A_494 : i32 to index
      %parallel_loop3A_496 = tpu.vector_load %arg12[%parallel_loop3A_495] {strides = array<i32>} : memref<1792xi32, #tpu.memory_space<vmem>>, vector<16xi32>,
      %parallel_loop3A_497 = arith.constant 224 : i32
      %parallel_loop3A_498 = vector.broadcast %parallel_loop3A_497 : i32 to vector<16xi32>
      %parallel_loop3A_499 = arith.muli %parallel_loop3A_496, %parallel_loop3A_498 : vector<16xi32>
      %parallel_loop3A_500 = arith.constant 16 : i32
      %parallel_loop3A_501 = arith.addi %parallel_loop3A_484, %parallel_loop3A_500 : i32
      %parallel_loop3A_502 = arith.index_cast %parallel_loop3A_501 : i32 to index
      %parallel_loop3A_503 = tpu.vector_load %arg13[%parallel_loop3A_502] {strides = array<i32>} : memref<1792xi32, #tpu.memory_space<vmem>>, vector<16xi32>,
      %parallel_loop3A_504 = arith.addi %parallel_loop3A_499, %parallel_loop3A_503 : vector<16xi32>
      %parallel_loop3A_505 = arith.constant 16 : i32
      %parallel_loop3A_506 = vector.broadcast %parallel_loop3A_505 : i32 to vector<16xi32>
      %parallel_loop3A_507 = arith.shli %parallel_loop3A_504, %parallel_loop3A_506 : vector<16xi32>
      %parallel_loop3A_508 = arith.ori %parallel_loop3A_492, %parallel_loop3A_507 : vector<16xi32>
      %parallel_loop3A_509 = arith.index_cast %parallel_loop3A_481 : i32 to index
      %parallel_loop3A_510 = tpu.vector_load %arg15[%parallel_loop3A_509] {strides = array<i32>} : memref<896xi32, #tpu.memory_space<vmem>>, vector<16xi32>,
      tpu.vector_store %arg15[%parallel_loop3A_509], %parallel_loop3A_508 {strides = array<i32>} : memref<896xi32, #tpu.memory_space<vmem>>, vector<16xi32>,
    } {sc.loop_unroll_factor = 8 : i64, sc.parallel_access}
    %add3A_299 = arith.constant 48 : i32
    %add3A_300 = arith.addi %arg1, %add3A_299 : i32
    %mul3A_301 = arith.constant 896 : i32
    %mul3A_302 = arith.muli %add3A_300, %mul3A_301 : i32
    %multiple_of3A_303 = tpu.assume_multiple %mul3A_302, 896 : i32
    %dma_start3A_304 = tpu.memref_slice %arg23[%multiple_of3A_303] : memref<100352xi32, #tpu.memory_space<vmem_shared>> -> memref<896xi32, #tpu.memory_space<vmem_shared>>
    %dma_start3A_305 = tpu.memref_slice %arg23[%multiple_of3A_303] : memref<100352xi32, #tpu.memory_space<vmem_shared>> -> memref<896xi32, #tpu.memory_space<vmem_shared>>
    tpu.enqueue_dma source(%arg15 : memref<896xi32, #tpu.memory_space<vmem>>) target(%dma_start3A_305 : memref<896xi32, #tpu.memory_space<vmem_shared>>) target_semaphore(%arg22 : memref<!tpu.dma_semaphore, #tpu.memory_space<semaphore_mem>>)
    %dma_wait3A_306 = arith.constant 0 : i32
    %dma_wait3A_307 = arith.constant 0 : i32
    %dma_wait3A_308 = tpu.memref_slice %arg3[%dma_wait3A_306, %dma_wait3A_307] : memref<4x50176xi32, #tpu.memory_space<hbm>> -> memref<1x1792xi32, #tpu.memory_space<hbm>>
    %dma_wait3A_309 = tpu.memref_squeeze %dma_wait3A_308 : memref<1x1792xi32, #tpu.memory_space<hbm>> -> memref<1792xi32, #tpu.memory_space<hbm>>
    %dma_wait3A_310 = arith.constant 0 : i32
    %dma_wait3A_311 = tpu.memref_slice %arg3[%dma_wait3A_306, %dma_wait3A_310] : memref<4x50176xi32, #tpu.memory_space<hbm>> -> memref<1x1792xi32, #tpu.memory_space<hbm>>
    %dma_wait3A_312 = tpu.memref_squeeze %dma_wait3A_311 : memref<1x1792xi32, #tpu.memory_space<hbm>> -> memref<1792xi32, #tpu.memory_space<hbm>>
    tpu.wait_dma2 semaphore(%arg16 : memref<!tpu.dma_semaphore, #tpu.memory_space<semaphore_mem>>) src(%dma_wait3A_312 : memref<1792xi32, #tpu.memory_space<hbm>>) dst(%arg8 : memref<1792xi32, #tpu.memory_space<vmem>>)
    %dma_wait3A_313 = arith.constant 0 : i32
    %dma_wait3A_314 = arith.constant 0 : i32
    %dma_wait3A_315 = tpu.memref_slice %arg3[%dma_wait3A_313, %dma_wait3A_314] : memref<4x50176xi32, #tpu.memory_space<hbm>> -> memref<1x1792xi32, #tpu.memory_space<hbm>>
    %dma_wait3A_316 = tpu.memref_squeeze %dma_wait3A_315 : memref<1x1792xi32, #tpu.memory_space<hbm>> -> memref<1792xi32, #tpu.memory_space<hbm>>
    %dma_wait3A_317 = arith.constant 0 : i32
    %dma_wait3A_318 = tpu.memref_slice %arg3[%dma_wait3A_313, %dma_wait3A_317] : memref<4x50176xi32, #tpu.memory_space<hbm>> -> memref<1x1792xi32, #tpu.memory_space<hbm>>
    %dma_wait3A_319 = tpu.memref_squeeze %dma_wait3A_318 : memref<1x1792xi32, #tpu.memory_space<hbm>> -> memref<1792xi32, #tpu.memory_space<hbm>>
    tpu.wait_dma2 semaphore(%arg17 : memref<!tpu.dma_semaphore, #tpu.memory_space<semaphore_mem>>) src(%dma_wait3A_319 : memref<1792xi32, #tpu.memory_space<hbm>>) dst(%arg9 : memref<1792xi32, #tpu.memory_space<vmem>>)
    %add3A_320 = arith.constant 80 : i32
    %add3A_321 = arith.addi %arg1, %add3A_320 : i32
    %mul3A_322 = arith.constant 1792 : i32
    %mul3A_323 = arith.muli %add3A_321, %mul3A_322 : i32
    %jit3A_324 = arith.constant 50176 : i32
    %div3A_325 = arith.divsi %mul3A_323, %jit3A_324 : i32
    %sign3A_326 = arith.constant 0 : i32
    %sign3A_327 = arith.cmpi sgt, %mul3A_323, %sign3A_326 : i32
    %sign3A_328 = arith.extui %sign3A_327 : i1 to i32
    %sign3A_329 = arith.constant 0 : i32
    %sign3A_330 = arith.cmpi slt, %mul3A_323, %sign3A_329 : i32
    %sign3A_331 = arith.extui %sign3A_330 : i1 to i32
    %sign3A_332 = arith.subi %sign3A_328, %sign3A_331 : i32
    %sign3A_333 = arith.constant 0 : i32
    %sign3A_334 = arith.cmpi sgt, %jit3A_324, %sign3A_333 : i32
    %sign3A_335 = arith.extui %sign3A_334 : i1 to i32
    %sign3A_336 = arith.constant 0 : i32
    %sign3A_337 = arith.cmpi slt, %jit3A_324, %sign3A_336 : i32
    %sign3A_338 = arith.extui %sign3A_337 : i1 to i32
    %sign3A_339 = arith.subi %sign3A_335, %sign3A_338 : i32
    %ne3A_340 = arith.cmpi ne, %sign3A_332, %sign3A_339 : i32
    %rem3A_341 = arith.remsi %mul3A_323, %jit3A_324 : i32
    %ne3A_342 = arith.constant 0 : i32
    %ne3A_343 = arith.cmpi ne, %rem3A_341, %ne3A_342 : i32
    %and3A_344 = arith.andi %ne3A_340, %ne3A_343 : i1
    %sub3A_345 = arith.constant 1 : i32
    %sub3A_346 = arith.subi %div3A_325, %sub3A_345 : i32
    %select_n3A_347 = arith.select %and3A_344, %sub3A_346, %div3A_325 : i32
    %mul3A_348 = arith.constant 50176 : i32
    %mul3A_349 = arith.muli %select_n3A_347, %mul3A_348 : i32
    %sub3A_350 = arith.subi %mul3A_323, %mul3A_349 : i32
    %dma_start3A_351 = tpu.memref_slice %arg3[%select_n3A_347, %sub3A_350] : memref<4x50176xi32, #tpu.memory_space<hbm>> -> memref<1x1792xi32, #tpu.memory_space<hbm>>
    %dma_start3A_352 = tpu.memref_squeeze %dma_start3A_351 : memref<1x1792xi32, #tpu.memory_space<hbm>> -> memref<1792xi32, #tpu.memory_space<hbm>>
    %dma_start3A_353 = tpu.memref_slice %arg3[%select_n3A_347, %sub3A_350] : memref<4x50176xi32, #tpu.memory_space<hbm>> -> memref<1x1792xi32, #tpu.memory_space<hbm>>
    %dma_start3A_354 = tpu.memref_squeeze %dma_start3A_353 : memref<1x1792xi32, #tpu.memory_space<hbm>> -> memref<1792xi32, #tpu.memory_space<hbm>>
    tpu.enqueue_dma source(%dma_start3A_354 : memref<1792xi32, #tpu.memory_space<hbm>>) target(%arg12 : memref<1792xi32, #tpu.memory_space<vmem>>) target_semaphore(%arg18 : memref<!tpu.dma_semaphore, #tpu.memory_space<semaphore_mem>>)
    %dma_start3A_355 = tpu.memref_slice %arg4[%select_n3A_347, %sub3A_350] : memref<4x50176xi32, #tpu.memory_space<hbm>> -> memref<1x1792xi32, #tpu.memory_space<hbm>>
    %dma_start3A_356 = tpu.memref_squeeze %dma_start3A_355 : memref<1x1792xi32, #tpu.memory_space<hbm>> -> memref<1792xi32, #tpu.memory_space<hbm>>
    %dma_start3A_357 = tpu.memref_slice %arg4[%select_n3A_347, %sub3A_350] : memref<4x50176xi32, #tpu.memory_space<hbm>> -> memref<1x1792xi32, #tpu.memory_space<hbm>>
    %dma_start3A_358 = tpu.memref_squeeze %dma_start3A_357 : memref<1x1792xi32, #tpu.memory_space<hbm>> -> memref<1792xi32, #tpu.memory_space<hbm>>
    tpu.enqueue_dma source(%dma_start3A_358 : memref<1792xi32, #tpu.memory_space<hbm>>) target(%arg13 : memref<1792xi32, #tpu.memory_space<vmem>>) target_semaphore(%arg19 : memref<!tpu.dma_semaphore, #tpu.memory_space<semaphore_mem>>)
    %dma_wait3A_359 = arith.constant 0 : i32
    %dma_wait3A_360 = tpu.memref_slice %arg23[%dma_wait3A_359] : memref<100352xi32, #tpu.memory_space<vmem_shared>> -> memref<896xi32, #tpu.memory_space<vmem_shared>>
    %dma_wait3A_361 = arith.constant 0 : i32
    %dma_wait3A_362 = tpu.memref_slice %arg23[%dma_wait3A_361] : memref<100352xi32, #tpu.memory_space<vmem_shared>> -> memref<896xi32, #tpu.memory_space<vmem_shared>>
    tpu.wait_dma2 semaphore(%arg22 : memref<!tpu.dma_semaphore, #tpu.memory_space<semaphore_mem>>) src(%arg14 : memref<896xi32, #tpu.memory_space<vmem>>) dst(%dma_wait3A_362 : memref<896xi32, #tpu.memory_space<vmem_shared>>)
    %parallel_loop3A_363 = arith.constant 0 : i32
    %parallel_loop3A_364 = arith.constant 896 : i32
    %parallel_loop3A_365 = arith.constant 16 : i32
    scf.for %parallel_loop3A_481 = %parallel_loop3A_363 to %parallel_loop3A_364 step %parallel_loop3A_365  : i32 {
      %parallel_loop3A_482 = arith.constant 2 : i32
      %parallel_loop3A_483 = arith.muli %parallel_loop3A_482, %parallel_loop3A_481 : i32
      %parallel_loop3A_484 = tpu.assume_multiple %parallel_loop3A_483, 32 : i32
      %parallel_loop3A_485 = arith.index_cast %parallel_loop3A_484 : i32 to index
      %parallel_loop3A_486 = tpu.vector_load %arg8[%parallel_loop3A_485] {strides = array<i32>} : memref<1792xi32, #tpu.memory_space<vmem>>, vector<16xi32>,
      %parallel_loop3A_487 = arith.constant 224 : i32
      %parallel_loop3A_488 = vector.broadcast %parallel_loop3A_487 : i32 to vector<16xi32>
      %parallel_loop3A_489 = arith.muli %parallel_loop3A_486, %parallel_loop3A_488 : vector<16xi32>
      %parallel_loop3A_490 = arith.index_cast %parallel_loop3A_484 : i32 to index
      %parallel_loop3A_491 = tpu.vector_load %arg9[%parallel_loop3A_490] {strides = array<i32>} : memref<1792xi32, #tpu.memory_space<vmem>>, vector<16xi32>,
      %parallel_loop3A_492 = arith.addi %parallel_loop3A_489, %parallel_loop3A_491 : vector<16xi32>
      %parallel_loop3A_493 = arith.constant 16 : i32
      %parallel_loop3A_494 = arith.addi %parallel_loop3A_484, %parallel_loop3A_493 : i32
      %parallel_loop3A_495 = arith.index_cast %parallel_loop3A_494 : i32 to index
      %parallel_loop3A_496 = tpu.vector_load %arg8[%parallel_loop3A_495] {strides = array<i32>} : memref<1792xi32, #tpu.memory_space<vmem>>, vector<16xi32>,
      %parallel_loop3A_497 = arith.constant 224 : i32
      %parallel_loop3A_498 = vector.broadcast %parallel_loop3A_497 : i32 to vector<16xi32>
      %parallel_loop3A_499 = arith.muli %parallel_loop3A_496, %parallel_loop3A_498 : vector<16xi32>
      %parallel_loop3A_500 = arith.constant 16 : i32
      %parallel_loop3A_501 = arith.addi %parallel_loop3A_484, %parallel_loop3A_500 : i32
      %parallel_loop3A_502 = arith.index_cast %parallel_loop3A_501 : i32 to index
      %parallel_loop3A_503 = tpu.vector_load %arg9[%parallel_loop3A_502] {strides = array<i32>} : memref<1792xi32, #tpu.memory_space<vmem>>, vector<16xi32>,
      %parallel_loop3A_504 = arith.addi %parallel_loop3A_499, %parallel_loop3A_503 : vector<16xi32>
      %parallel_loop3A_505 = arith.constant 16 : i32
      %parallel_loop3A_506 = vector.broadcast %parallel_loop3A_505 : i32 to vector<16xi32>
      %parallel_loop3A_507 = arith.shli %parallel_loop3A_504, %parallel_loop3A_506 : vector<16xi32>
      %parallel_loop3A_508 = arith.ori %parallel_loop3A_492, %parallel_loop3A_507 : vector<16xi32>
      %parallel_loop3A_509 = arith.index_cast %parallel_loop3A_481 : i32 to index
      %parallel_loop3A_510 = tpu.vector_load %arg14[%parallel_loop3A_509] {strides = array<i32>} : memref<896xi32, #tpu.memory_space<vmem>>, vector<16xi32>,
      tpu.vector_store %arg14[%parallel_loop3A_509], %parallel_loop3A_508 {strides = array<i32>} : memref<896xi32, #tpu.memory_space<vmem>>, vector<16xi32>,
    } {sc.loop_unroll_factor = 8 : i64, sc.parallel_access}
    %add3A_366 = arith.constant 64 : i32
    %add3A_367 = arith.addi %arg1, %add3A_366 : i32
    %mul3A_368 = arith.constant 896 : i32
    %mul3A_369 = arith.muli %add3A_367, %mul3A_368 : i32
    %multiple_of3A_370 = tpu.assume_multiple %mul3A_369, 896 : i32
    %dma_start3A_371 = tpu.memref_slice %arg23[%multiple_of3A_370] : memref<100352xi32, #tpu.memory_space<vmem_shared>> -> memref<896xi32, #tpu.memory_space<vmem_shared>>
    %dma_start3A_372 = tpu.memref_slice %arg23[%multiple_of3A_370] : memref<100352xi32, #tpu.memory_space<vmem_shared>> -> memref<896xi32, #tpu.memory_space<vmem_shared>>
    tpu.enqueue_dma source(%arg14 : memref<896xi32, #tpu.memory_space<vmem>>) target(%dma_start3A_372 : memref<896xi32, #tpu.memory_space<vmem_shared>>) target_semaphore(%arg22 : memref<!tpu.dma_semaphore, #tpu.memory_space<semaphore_mem>>)
    %dma_wait3A_373 = arith.constant 0 : i32
    %dma_wait3A_374 = arith.constant 0 : i32
    %dma_wait3A_375 = tpu.memref_slice %arg3[%dma_wait3A_373, %dma_wait3A_374] : memref<4x50176xi32, #tpu.memory_space<hbm>> -> memref<1x1792xi32, #tpu.memory_space<hbm>>
    %dma_wait3A_376 = tpu.memref_squeeze %dma_wait3A_375 : memref<1x1792xi32, #tpu.memory_space<hbm>> -> memref<1792xi32, #tpu.memory_space<hbm>>
    %dma_wait3A_377 = arith.constant 0 : i32
    %dma_wait3A_378 = tpu.memref_slice %arg3[%dma_wait3A_373, %dma_wait3A_377] : memref<4x50176xi32, #tpu.memory_space<hbm>> -> memref<1x1792xi32, #tpu.memory_space<hbm>>
    %dma_wait3A_379 = tpu.memref_squeeze %dma_wait3A_378 : memref<1x1792xi32, #tpu.memory_space<hbm>> -> memref<1792xi32, #tpu.memory_space<hbm>>
    tpu.wait_dma2 semaphore(%arg18 : memref<!tpu.dma_semaphore, #tpu.memory_space<semaphore_mem>>) src(%dma_wait3A_379 : memref<1792xi32, #tpu.memory_space<hbm>>) dst(%arg12 : memref<1792xi32, #tpu.memory_space<vmem>>)
    %dma_wait3A_380 = arith.constant 0 : i32
    %dma_wait3A_381 = arith.constant 0 : i32
    %dma_wait3A_382 = tpu.memref_slice %arg3[%dma_wait3A_380, %dma_wait3A_381] : memref<4x50176xi32, #tpu.memory_space<hbm>> -> memref<1x1792xi32, #tpu.memory_space<hbm>>
    %dma_wait3A_383 = tpu.memref_squeeze %dma_wait3A_382 : memref<1x1792xi32, #tpu.memory_space<hbm>> -> memref<1792xi32, #tpu.memory_space<hbm>>
    %dma_wait3A_384 = arith.constant 0 : i32
    %dma_wait3A_385 = tpu.memref_slice %arg3[%dma_wait3A_380, %dma_wait3A_384] : memref<4x50176xi32, #tpu.memory_space<hbm>> -> memref<1x1792xi32, #tpu.memory_space<hbm>>
    %dma_wait3A_386 = tpu.memref_squeeze %dma_wait3A_385 : memref<1x1792xi32, #tpu.memory_space<hbm>> -> memref<1792xi32, #tpu.memory_space<hbm>>
    tpu.wait_dma2 semaphore(%arg19 : memref<!tpu.dma_semaphore, #tpu.memory_space<semaphore_mem>>) src(%dma_wait3A_386 : memref<1792xi32, #tpu.memory_space<hbm>>) dst(%arg13 : memref<1792xi32, #tpu.memory_space<vmem>>)
    %add3A_387 = arith.constant 96 : i32
    %add3A_388 = arith.addi %arg1, %add3A_387 : i32
    %mul3A_389 = arith.constant 1792 : i32
    %mul3A_390 = arith.muli %add3A_388, %mul3A_389 : i32
    %jit3A_391 = arith.constant 50176 : i32
    %div3A_392 = arith.divsi %mul3A_390, %jit3A_391 : i32
    %sign3A_393 = arith.constant 0 : i32
    %sign3A_394 = arith.cmpi sgt, %mul3A_390, %sign3A_393 : i32
    %sign3A_395 = arith.extui %sign3A_394 : i1 to i32
    %sign3A_396 = arith.constant 0 : i32
    %sign3A_397 = arith.cmpi slt, %mul3A_390, %sign3A_396 : i32
    %sign3A_398 = arith.extui %sign3A_397 : i1 to i32
    %sign3A_399 = arith.subi %sign3A_395, %sign3A_398 : i32
    %sign3A_400 = arith.constant 0 : i32
    %sign3A_401 = arith.cmpi sgt, %jit3A_391, %sign3A_400 : i32
    %sign3A_402 = arith.extui %sign3A_401 : i1 to i32
    %sign3A_403 = arith.constant 0 : i32
    %sign3A_404 = arith.cmpi slt, %jit3A_391, %sign3A_403 : i32
    %sign3A_405 = arith.extui %sign3A_404 : i1 to i32
    %sign3A_406 = arith.subi %sign3A_402, %sign3A_405 : i32
    %ne3A_407 = arith.cmpi ne, %sign3A_399, %sign3A_406 : i32
    %rem3A_408 = arith.remsi %mul3A_390, %jit3A_391 : i32
    %ne3A_409 = arith.constant 0 : i32
    %ne3A_410 = arith.cmpi ne, %rem3A_408, %ne3A_409 : i32
    %and3A_411 = arith.andi %ne3A_407, %ne3A_410 : i1
    %sub3A_412 = arith.constant 1 : i32
    %sub3A_413 = arith.subi %div3A_392, %sub3A_412 : i32
    %select_n3A_414 = arith.select %and3A_411, %sub3A_413, %div3A_392 : i32
    %mul3A_415 = arith.constant 50176 : i32
    %mul3A_416 = arith.muli %select_n3A_414, %mul3A_415 : i32
    %sub3A_417 = arith.subi %mul3A_390, %mul3A_416 : i32
    %dma_start3A_418 = tpu.memref_slice %arg3[%select_n3A_414, %sub3A_417] : memref<4x50176xi32, #tpu.memory_space<hbm>> -> memref<1x1792xi32, #tpu.memory_space<hbm>>
    %dma_start3A_419 = tpu.memref_squeeze %dma_start3A_418 : memref<1x1792xi32, #tpu.memory_space<hbm>> -> memref<1792xi32, #tpu.memory_space<hbm>>
    %dma_start3A_420 = tpu.memref_slice %arg3[%select_n3A_414, %sub3A_417] : memref<4x50176xi32, #tpu.memory_space<hbm>> -> memref<1x1792xi32, #tpu.memory_space<hbm>>
    %dma_start3A_421 = tpu.memref_squeeze %dma_start3A_420 : memref<1x1792xi32, #tpu.memory_space<hbm>> -> memref<1792xi32, #tpu.memory_space<hbm>>
    tpu.enqueue_dma source(%dma_start3A_421 : memref<1792xi32, #tpu.memory_space<hbm>>) target(%arg8 : memref<1792xi32, #tpu.memory_space<vmem>>) target_semaphore(%arg16 : memref<!tpu.dma_semaphore, #tpu.memory_space<semaphore_mem>>)
    %dma_start3A_422 = tpu.memref_slice %arg4[%select_n3A_414, %sub3A_417] : memref<4x50176xi32, #tpu.memory_space<hbm>> -> memref<1x1792xi32, #tpu.memory_space<hbm>>
    %dma_start3A_423 = tpu.memref_squeeze %dma_start3A_422 : memref<1x1792xi32, #tpu.memory_space<hbm>> -> memref<1792xi32, #tpu.memory_space<hbm>>
    %dma_start3A_424 = tpu.memref_slice %arg4[%select_n3A_414, %sub3A_417] : memref<4x50176xi32, #tpu.memory_space<hbm>> -> memref<1x1792xi32, #tpu.memory_space<hbm>>
    %dma_start3A_425 = tpu.memref_squeeze %dma_start3A_424 : memref<1x1792xi32, #tpu.memory_space<hbm>> -> memref<1792xi32, #tpu.memory_space<hbm>>
    tpu.enqueue_dma source(%dma_start3A_425 : memref<1792xi32, #tpu.memory_space<hbm>>) target(%arg9 : memref<1792xi32, #tpu.memory_space<vmem>>) target_semaphore(%arg17 : memref<!tpu.dma_semaphore, #tpu.memory_space<semaphore_mem>>)
    %dma_wait3A_426 = arith.constant 0 : i32
    %dma_wait3A_427 = tpu.memref_slice %arg23[%dma_wait3A_426] : memref<100352xi32, #tpu.memory_space<vmem_shared>> -> memref<896xi32, #tpu.memory_space<vmem_shared>>
    %dma_wait3A_428 = arith.constant 0 : i32
    %dma_wait3A_429 = tpu.memref_slice %arg23[%dma_wait3A_428] : memref<100352xi32, #tpu.memory_space<vmem_shared>> -> memref<896xi32, #tpu.memory_space<vmem_shared>>
    tpu.wait_dma2 semaphore(%arg22 : memref<!tpu.dma_semaphore, #tpu.memory_space<semaphore_mem>>) src(%arg15 : memref<896xi32, #tpu.memory_space<vmem>>) dst(%dma_wait3A_429 : memref<896xi32, #tpu.memory_space<vmem_shared>>)
    %parallel_loop3A_430 = arith.constant 0 : i32
    %parallel_loop3A_431 = arith.constant 896 : i32
    %parallel_loop3A_432 = arith.constant 16 : i32
    scf.for %parallel_loop3A_481 = %parallel_loop3A_430 to %parallel_loop3A_431 step %parallel_loop3A_432  : i32 {
      %parallel_loop3A_482 = arith.constant 2 : i32
      %parallel_loop3A_483 = arith.muli %parallel_loop3A_482, %parallel_loop3A_481 : i32
      %parallel_loop3A_484 = tpu.assume_multiple %parallel_loop3A_483, 32 : i32
      %parallel_loop3A_485 = arith.index_cast %parallel_loop3A_484 : i32 to index
      %parallel_loop3A_486 = tpu.vector_load %arg12[%parallel_loop3A_485] {strides = array<i32>} : memref<1792xi32, #tpu.memory_space<vmem>>, vector<16xi32>,
      %parallel_loop3A_487 = arith.constant 224 : i32
      %parallel_loop3A_488 = vector.broadcast %parallel_loop3A_487 : i32 to vector<16xi32>
      %parallel_loop3A_489 = arith.muli %parallel_loop3A_486, %parallel_loop3A_488 : vector<16xi32>
      %parallel_loop3A_490 = arith.index_cast %parallel_loop3A_484 : i32 to index
      %parallel_loop3A_491 = tpu.vector_load %arg13[%parallel_loop3A_490] {strides = array<i32>} : memref<1792xi32, #tpu.memory_space<vmem>>, vector<16xi32>,
      %parallel_loop3A_492 = arith.addi %parallel_loop3A_489, %parallel_loop3A_491 : vector<16xi32>
      %parallel_loop3A_493 = arith.constant 16 : i32
      %parallel_loop3A_494 = arith.addi %parallel_loop3A_484, %parallel_loop3A_493 : i32
      %parallel_loop3A_495 = arith.index_cast %parallel_loop3A_494 : i32 to index
      %parallel_loop3A_496 = tpu.vector_load %arg12[%parallel_loop3A_495] {strides = array<i32>} : memref<1792xi32, #tpu.memory_space<vmem>>, vector<16xi32>,
      %parallel_loop3A_497 = arith.constant 224 : i32
      %parallel_loop3A_498 = vector.broadcast %parallel_loop3A_497 : i32 to vector<16xi32>
      %parallel_loop3A_499 = arith.muli %parallel_loop3A_496, %parallel_loop3A_498 : vector<16xi32>
      %parallel_loop3A_500 = arith.constant 16 : i32
      %parallel_loop3A_501 = arith.addi %parallel_loop3A_484, %parallel_loop3A_500 : i32
      %parallel_loop3A_502 = arith.index_cast %parallel_loop3A_501 : i32 to index
      %parallel_loop3A_503 = tpu.vector_load %arg13[%parallel_loop3A_502] {strides = array<i32>} : memref<1792xi32, #tpu.memory_space<vmem>>, vector<16xi32>,
      %parallel_loop3A_504 = arith.addi %parallel_loop3A_499, %parallel_loop3A_503 : vector<16xi32>
      %parallel_loop3A_505 = arith.constant 16 : i32
      %parallel_loop3A_506 = vector.broadcast %parallel_loop3A_505 : i32 to vector<16xi32>
      %parallel_loop3A_507 = arith.shli %parallel_loop3A_504, %parallel_loop3A_506 : vector<16xi32>
      %parallel_loop3A_508 = arith.ori %parallel_loop3A_492, %parallel_loop3A_507 : vector<16xi32>
      %parallel_loop3A_509 = arith.index_cast %parallel_loop3A_481 : i32 to index
      %parallel_loop3A_510 = tpu.vector_load %arg15[%parallel_loop3A_509] {strides = array<i32>} : memref<896xi32, #tpu.memory_space<vmem>>, vector<16xi32>,
      tpu.vector_store %arg15[%parallel_loop3A_509], %parallel_loop3A_508 {strides = array<i32>} : memref<896xi32, #tpu.memory_space<vmem>>, vector<16xi32>,
    } {sc.loop_unroll_factor = 8 : i64, sc.parallel_access}
    %add3A_433 = arith.constant 80 : i32
    %add3A_434 = arith.addi %arg1, %add3A_433 : i32
    %mul3A_435 = arith.constant 896 : i32
    %mul3A_436 = arith.muli %add3A_434, %mul3A_435 : i32
    %multiple_of3A_437 = tpu.assume_multiple %mul3A_436, 896 : i32
    %dma_start3A_438 = tpu.memref_slice %arg23[%multiple_of3A_437] : memref<100352xi32, #tpu.memory_space<vmem_shared>> -> memref<896xi32, #tpu.memory_space<vmem_shared>>
    %dma_start3A_439 = tpu.memref_slice %arg23[%multiple_of3A_437] : memref<100352xi32, #tpu.memory_space<vmem_shared>> -> memref<896xi32, #tpu.memory_space<vmem_shared>>
    tpu.enqueue_dma source(%arg15 : memref<896xi32, #tpu.memory_space<vmem>>) target(%dma_start3A_439 : memref<896xi32, #tpu.memory_space<vmem_shared>>) target_semaphore(%arg22 : memref<!tpu.dma_semaphore, #tpu.memory_space<semaphore_mem>>)
    %dma_wait3A_440 = arith.constant 0 : i32
    %dma_wait3A_441 = arith.constant 0 : i32
    %dma_wait3A_442 = tpu.memref_slice %arg3[%dma_wait3A_440, %dma_wait3A_441] : memref<4x50176xi32, #tpu.memory_space<hbm>> -> memref<1x1792xi32, #tpu.memory_space<hbm>>
    %dma_wait3A_443 = tpu.memref_squeeze %dma_wait3A_442 : memref<1x1792xi32, #tpu.memory_space<hbm>> -> memref<1792xi32, #tpu.memory_space<hbm>>
    %dma_wait3A_444 = arith.constant 0 : i32
    %dma_wait3A_445 = tpu.memref_slice %arg3[%dma_wait3A_440, %dma_wait3A_444] : memref<4x50176xi32, #tpu.memory_space<hbm>> -> memref<1x1792xi32, #tpu.memory_space<hbm>>
    %dma_wait3A_446 = tpu.memref_squeeze %dma_wait3A_445 : memref<1x1792xi32, #tpu.memory_space<hbm>> -> memref<1792xi32, #tpu.memory_space<hbm>>
    tpu.wait_dma2 semaphore(%arg16 : memref<!tpu.dma_semaphore, #tpu.memory_space<semaphore_mem>>) src(%dma_wait3A_446 : memref<1792xi32, #tpu.memory_space<hbm>>) dst(%arg8 : memref<1792xi32, #tpu.memory_space<vmem>>)
    %dma_wait3A_447 = arith.constant 0 : i32
    %dma_wait3A_448 = arith.constant 0 : i32
    %dma_wait3A_449 = tpu.memref_slice %arg3[%dma_wait3A_447, %dma_wait3A_448] : memref<4x50176xi32, #tpu.memory_space<hbm>> -> memref<1x1792xi32, #tpu.memory_space<hbm>>
    %dma_wait3A_450 = tpu.memref_squeeze %dma_wait3A_449 : memref<1x1792xi32, #tpu.memory_space<hbm>> -> memref<1792xi32, #tpu.memory_space<hbm>>
    %dma_wait3A_451 = arith.constant 0 : i32
    %dma_wait3A_452 = tpu.memref_slice %arg3[%dma_wait3A_447, %dma_wait3A_451] : memref<4x50176xi32, #tpu.memory_space<hbm>> -> memref<1x1792xi32, #tpu.memory_space<hbm>>
    %dma_wait3A_453 = tpu.memref_squeeze %dma_wait3A_452 : memref<1x1792xi32, #tpu.memory_space<hbm>> -> memref<1792xi32, #tpu.memory_space<hbm>>
    tpu.wait_dma2 semaphore(%arg17 : memref<!tpu.dma_semaphore, #tpu.memory_space<semaphore_mem>>) src(%dma_wait3A_453 : memref<1792xi32, #tpu.memory_space<hbm>>) dst(%arg9 : memref<1792xi32, #tpu.memory_space<vmem>>)
    %dma_wait3A_454 = arith.constant 0 : i32
    %dma_wait3A_455 = tpu.memref_slice %arg23[%dma_wait3A_454] : memref<100352xi32, #tpu.memory_space<vmem_shared>> -> memref<896xi32, #tpu.memory_space<vmem_shared>>
    %dma_wait3A_456 = arith.constant 0 : i32
    %dma_wait3A_457 = tpu.memref_slice %arg23[%dma_wait3A_456] : memref<100352xi32, #tpu.memory_space<vmem_shared>> -> memref<896xi32, #tpu.memory_space<vmem_shared>>
    tpu.wait_dma2 semaphore(%arg22 : memref<!tpu.dma_semaphore, #tpu.memory_space<semaphore_mem>>) src(%arg14 : memref<896xi32, #tpu.memory_space<vmem>>) dst(%dma_wait3A_457 : memref<896xi32, #tpu.memory_space<vmem_shared>>)
    %parallel_loop3A_458 = arith.constant 0 : i32
    %parallel_loop3A_459 = arith.constant 896 : i32
    %parallel_loop3A_460 = arith.constant 16 : i32
    scf.for %parallel_loop3A_481 = %parallel_loop3A_458 to %parallel_loop3A_459 step %parallel_loop3A_460  : i32 {
      %parallel_loop3A_482 = arith.constant 2 : i32
      %parallel_loop3A_483 = arith.muli %parallel_loop3A_482, %parallel_loop3A_481 : i32
      %parallel_loop3A_484 = tpu.assume_multiple %parallel_loop3A_483, 32 : i32
      %parallel_loop3A_485 = arith.index_cast %parallel_loop3A_484 : i32 to index
      %parallel_loop3A_486 = tpu.vector_load %arg8[%parallel_loop3A_485] {strides = array<i32>} : memref<1792xi32, #tpu.memory_space<vmem>>, vector<16xi32>,
      %parallel_loop3A_487 = arith.constant 224 : i32
      %parallel_loop3A_488 = vector.broadcast %parallel_loop3A_487 : i32 to vector<16xi32>
      %parallel_loop3A_489 = arith.muli %parallel_loop3A_486, %parallel_loop3A_488 : vector<16xi32>
      %parallel_loop3A_490 = arith.index_cast %parallel_loop3A_484 : i32 to index
      %parallel_loop3A_491 = tpu.vector_load %arg9[%parallel_loop3A_490] {strides = array<i32>} : memref<1792xi32, #tpu.memory_space<vmem>>, vector<16xi32>,
      %parallel_loop3A_492 = arith.addi %parallel_loop3A_489, %parallel_loop3A_491 : vector<16xi32>
      %parallel_loop3A_493 = arith.constant 16 : i32
      %parallel_loop3A_494 = arith.addi %parallel_loop3A_484, %parallel_loop3A_493 : i32
      %parallel_loop3A_495 = arith.index_cast %parallel_loop3A_494 : i32 to index
      %parallel_loop3A_496 = tpu.vector_load %arg8[%parallel_loop3A_495] {strides = array<i32>} : memref<1792xi32, #tpu.memory_space<vmem>>, vector<16xi32>,
      %parallel_loop3A_497 = arith.constant 224 : i32
      %parallel_loop3A_498 = vector.broadcast %parallel_loop3A_497 : i32 to vector<16xi32>
      %parallel_loop3A_499 = arith.muli %parallel_loop3A_496, %parallel_loop3A_498 : vector<16xi32>
      %parallel_loop3A_500 = arith.constant 16 : i32
      %parallel_loop3A_501 = arith.addi %parallel_loop3A_484, %parallel_loop3A_500 : i32
      %parallel_loop3A_502 = arith.index_cast %parallel_loop3A_501 : i32 to index
      %parallel_loop3A_503 = tpu.vector_load %arg9[%parallel_loop3A_502] {strides = array<i32>} : memref<1792xi32, #tpu.memory_space<vmem>>, vector<16xi32>,
      %parallel_loop3A_504 = arith.addi %parallel_loop3A_499, %parallel_loop3A_503 : vector<16xi32>
      %parallel_loop3A_505 = arith.constant 16 : i32
      %parallel_loop3A_506 = vector.broadcast %parallel_loop3A_505 : i32 to vector<16xi32>
      %parallel_loop3A_507 = arith.shli %parallel_loop3A_504, %parallel_loop3A_506 : vector<16xi32>
      %parallel_loop3A_508 = arith.ori %parallel_loop3A_492, %parallel_loop3A_507 : vector<16xi32>
      %parallel_loop3A_509 = arith.index_cast %parallel_loop3A_481 : i32 to index
      %parallel_loop3A_510 = tpu.vector_load %arg14[%parallel_loop3A_509] {strides = array<i32>} : memref<896xi32, #tpu.memory_space<vmem>>, vector<16xi32>,
      tpu.vector_store %arg14[%parallel_loop3A_509], %parallel_loop3A_508 {strides = array<i32>} : memref<896xi32, #tpu.memory_space<vmem>>, vector<16xi32>,
    } {sc.loop_unroll_factor = 8 : i64, sc.parallel_access}
    %add3A_461 = arith.constant 96 : i32
    %add3A_462 = arith.addi %arg1, %add3A_461 : i32
    %mul3A_463 = arith.constant 896 : i32
    %mul3A_464 = arith.muli %add3A_462, %mul3A_463 : i32
    %multiple_of3A_465 = tpu.assume_multiple %mul3A_464, 896 : i32
    %dma_start3A_466 = tpu.memref_slice %arg23[%multiple_of3A_465] : memref<100352xi32, #tpu.memory_space<vmem_shared>> -> memref<896xi32, #tpu.memory_space<vmem_shared>>
    %dma_start3A_467 = tpu.memref_slice %arg23[%multiple_of3A_465] : memref<100352xi32, #tpu.memory_space<vmem_shared>> -> memref<896xi32, #tpu.memory_space<vmem_shared>>
    tpu.enqueue_dma source(%arg14 : memref<896xi32, #tpu.memory_space<vmem>>) target(%dma_start3A_467 : memref<896xi32, #tpu.memory_space<vmem_shared>>) target_semaphore(%arg22 : memref<!tpu.dma_semaphore, #tpu.memory_space<semaphore_mem>>)
    %dma_wait3A_468 = arith.constant 0 : i32
    %dma_wait3A_469 = tpu.memref_slice %arg23[%dma_wait3A_468] : memref<100352xi32, #tpu.memory_space<vmem_shared>> -> memref<896xi32, #tpu.memory_space<vmem_shared>>
    %dma_wait3A_470 = arith.constant 0 : i32
    %dma_wait3A_471 = tpu.memref_slice %arg23[%dma_wait3A_470] : memref<100352xi32, #tpu.memory_space<vmem_shared>> -> memref<896xi32, #tpu.memory_space<vmem_shared>>
    tpu.wait_dma2 semaphore(%arg22 : memref<!tpu.dma_semaphore, #tpu.memory_space<semaphore_mem>>) src(%arg14 : memref<896xi32, #tpu.memory_space<vmem>>) dst(%dma_wait3A_471 : memref<896xi32, #tpu.memory_space<vmem_shared>>)
    %dma_wait3A_472 = arith.constant 0 : i32
    %dma_wait3A_473 = tpu.memref_slice %arg23[%dma_wait3A_472] : memref<100352xi32, #tpu.memory_space<vmem_shared>> -> memref<896xi32, #tpu.memory_space<vmem_shared>>
    %dma_wait3A_474 = arith.constant 0 : i32
    %dma_wait3A_475 = tpu.memref_slice %arg23[%dma_wait3A_474] : memref<100352xi32, #tpu.memory_space<vmem_shared>> -> memref<896xi32, #tpu.memory_space<vmem_shared>>
    tpu.wait_dma2 semaphore(%arg22 : memref<!tpu.dma_semaphore, #tpu.memory_space<semaphore_mem>>) src(%arg14 : memref<896xi32, #tpu.memory_space<vmem>>) dst(%dma_wait3A_475 : memref<896xi32, #tpu.memory_space<vmem_shared>>)
    %barrier3A = arith.constant 0 : index
    tpu.barrier barrier_id(%barrier3A)
    %scan3A = arith.constant 0 : i32
    %scan3A_476 = arith.constant 0 : i32
    %scan3A_477 = arith.constant 3 : i32
    %scan3A_478 = arith.addi %scan3A_476, %scan3A_477 : i32
    %scan3A_479 = arith.constant 1 : i32
    scf.for %scan3A_481 = %scan3A_476 to %scan3A_478 step %scan3A_479  : i32 {
      %mul3A_482 = arith.constant 6 : i32
      %mul3A_483 = arith.muli %add3A, %mul3A_482 : i32
      %mul3A_484 = arith.constant 2 : i32
      %mul3A_485 = arith.muli %mul3A_484, %scan3A_481 : i32
      %add3A_486 = arith.addi %mul3A_483, %mul3A_485 : i32
      %add3A_487 = arith.constant 1 : i32
      %add3A_488 = arith.addi %add3A_486, %add3A_487 : i32
      %dma_wait3A_489 = arith.constant 0 : i32
      %dma_wait3A_490 = tpu.memref_slice %arg2[%add3A_486, %dma_wait3A_489] : memref<192x50176xf32, #tpu.memory_space<hbm>> -> memref<1x50176xf32, #tpu.memory_space<hbm>>
      %dma_wait3A_491 = tpu.memref_squeeze %dma_wait3A_490 : memref<1x50176xf32, #tpu.memory_space<hbm>> -> memref<50176xf32, #tpu.memory_space<hbm>>
      %dma_wait3A_492 = arith.constant 0 : i32
      %dma_wait3A_493 = tpu.memref_slice %arg2[%add3A_486, %dma_wait3A_492] : memref<192x50176xf32, #tpu.memory_space<hbm>> -> memref<1x50176xf32, #tpu.memory_space<hbm>>
      %dma_wait3A_494 = tpu.memref_squeeze %dma_wait3A_493 : memref<1x50176xf32, #tpu.memory_space<hbm>> -> memref<50176xf32, #tpu.memory_space<hbm>>
      tpu.wait_dma2 semaphore(%arg20 : memref<!tpu.dma_semaphore, #tpu.memory_space<semaphore_mem>>) src(%dma_wait3A_494 : memref<50176xf32, #tpu.memory_space<hbm>>) dst(%arg6 : memref<50176xf32, #tpu.memory_space<vmem>>)
      %dma_wait3A_495 = arith.constant 0 : i32
      %dma_wait3A_496 = tpu.memref_slice %arg2[%add3A_488, %dma_wait3A_495] : memref<192x50176xf32, #tpu.memory_space<hbm>> -> memref<1x50176xf32, #tpu.memory_space<hbm>>
      %dma_wait3A_497 = tpu.memref_squeeze %dma_wait3A_496 : memref<1x50176xf32, #tpu.memory_space<hbm>> -> memref<50176xf32, #tpu.memory_space<hbm>>
      %dma_wait3A_498 = arith.constant 0 : i32
      %dma_wait3A_499 = tpu.memref_slice %arg2[%add3A_488, %dma_wait3A_498] : memref<192x50176xf32, #tpu.memory_space<hbm>> -> memref<1x50176xf32, #tpu.memory_space<hbm>>
      %dma_wait3A_500 = tpu.memref_squeeze %dma_wait3A_499 : memref<1x50176xf32, #tpu.memory_space<hbm>> -> memref<50176xf32, #tpu.memory_space<hbm>>
      tpu.wait_dma2 semaphore(%arg21 : memref<!tpu.dma_semaphore, #tpu.memory_space<semaphore_mem>>) src(%dma_wait3A_500 : memref<50176xf32, #tpu.memory_space<hbm>>) dst(%arg7 : memref<50176xf32, #tpu.memory_space<vmem>>)
      %jit3A_501 = arith.constant 96 : i32
      %div3A_502 = arith.divsi %add3A_486, %jit3A_501 : i32
      %sign3A_503 = arith.constant 0 : i32
      %sign3A_504 = arith.cmpi sgt, %add3A_486, %sign3A_503 : i32
      %sign3A_505 = arith.extui %sign3A_504 : i1 to i32
      %sign3A_506 = arith.constant 0 : i32
      %sign3A_507 = arith.cmpi slt, %add3A_486, %sign3A_506 : i32
      %sign3A_508 = arith.extui %sign3A_507 : i1 to i32
      %sign3A_509 = arith.subi %sign3A_505, %sign3A_508 : i32
      %sign3A_510 = arith.constant 0 : i32
      %sign3A_511 = arith.cmpi sgt, %jit3A_501, %sign3A_510 : i32
      %sign3A_512 = arith.extui %sign3A_511 : i1 to i32
      %sign3A_513 = arith.constant 0 : i32
      %sign3A_514 = arith.cmpi slt, %jit3A_501, %sign3A_513 : i32
      %sign3A_515 = arith.extui %sign3A_514 : i1 to i32
      %sign3A_516 = arith.subi %sign3A_512, %sign3A_515 : i32
      %ne3A_517 = arith.cmpi ne, %sign3A_509, %sign3A_516 : i32
      %rem3A_518 = arith.remsi %add3A_486, %jit3A_501 : i32
      %ne3A_519 = arith.constant 0 : i32
      %ne3A_520 = arith.cmpi ne, %rem3A_518, %ne3A_519 : i32
      %and3A_521 = arith.andi %ne3A_517, %ne3A_520 : i1
      %sub3A_522 = arith.constant 1 : i32
      %sub3A_523 = arith.subi %div3A_502, %sub3A_522 : i32
      %select_n3A_524 = arith.select %and3A_521, %sub3A_523, %div3A_502 : i32
      %mul3A_525 = arith.constant 96 : i32
      %mul3A_526 = arith.muli %select_n3A_524, %mul3A_525 : i32
      %sub3A_527 = arith.subi %add3A_486, %mul3A_526 : i32
      %mul3A_528 = arith.constant 384 : i32
      %mul3A_529 = arith.muli %select_n3A_524, %mul3A_528 : i32
      %add3A_530 = arith.addi %mul3A_529, %sub3A_527 : i32
      %dma_start3A_531 = arith.constant 0 : i32
      %dma_start3A_532 = tpu.memref_slice %arg23[%dma_start3A_531] : memref<100352xi32, #tpu.memory_space<vmem_shared>> -> memref<1792xi32, #tpu.memory_space<vmem_shared>>
      %dma_start3A_533 = arith.constant 0 : i32
      %dma_start3A_534 = tpu.memref_slice %arg23[%dma_start3A_533] : memref<100352xi32, #tpu.memory_space<vmem_shared>> -> memref<1792xi32, #tpu.memory_space<vmem_shared>>
      tpu.enqueue_dma source(%dma_start3A_534 : memref<1792xi32, #tpu.memory_space<vmem_shared>>) target(%arg8 : memref<1792xi32, #tpu.memory_space<vmem>>) target_semaphore(%arg16 : memref<!tpu.dma_semaphore, #tpu.memory_space<semaphore_mem>>)
      %dma_start3A_535 = arith.constant 1792 : i32
      %dma_start3A_536 = tpu.memref_slice %arg23[%dma_start3A_535] : memref<100352xi32, #tpu.memory_space<vmem_shared>> -> memref<1792xi32, #tpu.memory_space<vmem_shared>>
      %dma_start3A_537 = arith.constant 1792 : i32
      %dma_start3A_538 = tpu.memref_slice %arg23[%dma_start3A_537] : memref<100352xi32, #tpu.memory_space<vmem_shared>> -> memref<1792xi32, #tpu.memory_space<vmem_shared>>
      tpu.enqueue_dma source(%dma_start3A_538 : memref<1792xi32, #tpu.memory_space<vmem_shared>>) target(%arg9 : memref<1792xi32, #tpu.memory_space<vmem>>) target_semaphore(%arg17 : memref<!tpu.dma_semaphore, #tpu.memory_space<semaphore_mem>>)
      %scan3A_539 = arith.constant 0 : i32
      %scan3A_540 = arith.constant 28 : i32
      %scan3A_541 = arith.addi %scan3A_539, %scan3A_540 : i32
      %scan3A_542 = arith.constant 1 : i32
      scf.for %scan3A_560 = %scan3A_539 to %scan3A_541 step %scan3A_542  : i32 {
        %mul3A_561 = arith.constant 2 : i32
        %mul3A_562 = arith.muli %scan3A_560, %mul3A_561 : i32
        %add3A_563 = arith.constant 0 : i32
        %add3A_564 = arith.addi %mul3A_562, %add3A_563 : i32
        %jit3A_565 = arith.constant 14 : i32
        %div3A_566 = arith.divsi %add3A_564, %jit3A_565 : i32
        %sign3A_567 = arith.constant 0 : i32
        %sign3A_568 = arith.cmpi sgt, %add3A_564, %sign3A_567 : i32
        %sign3A_569 = arith.extui %sign3A_568 : i1 to i32
        %sign3A_570 = arith.constant 0 : i32
        %sign3A_571 = arith.cmpi slt, %add3A_564, %sign3A_570 : i32
        %sign3A_572 = arith.extui %sign3A_571 : i1 to i32
        %sign3A_573 = arith.subi %sign3A_569, %sign3A_572 : i32
        %sign3A_574 = arith.constant 0 : i32
        %sign3A_575 = arith.cmpi sgt, %jit3A_565, %sign3A_574 : i32
        %sign3A_576 = arith.extui %sign3A_575 : i1 to i32
        %sign3A_577 = arith.constant 0 : i32
        %sign3A_578 = arith.cmpi slt, %jit3A_565, %sign3A_577 : i32
        %sign3A_579 = arith.extui %sign3A_578 : i1 to i32
        %sign3A_580 = arith.subi %sign3A_576, %sign3A_579 : i32
        %ne3A_581 = arith.cmpi ne, %sign3A_573, %sign3A_580 : i32
        %rem3A_582 = arith.remsi %add3A_564, %jit3A_565 : i32
        %ne3A_583 = arith.constant 0 : i32
        %ne3A_584 = arith.cmpi ne, %rem3A_582, %ne3A_583 : i32
        %and3A_585 = arith.andi %ne3A_581, %ne3A_584 : i1
        %sub3A_586 = arith.constant 1 : i32
        %sub3A_587 = arith.subi %div3A_566, %sub3A_586 : i32
        %select_n3A_588 = arith.select %and3A_585, %sub3A_587, %div3A_566 : i32
        %mul3A_589 = arith.constant 14 : i32
        %mul3A_590 = arith.muli %select_n3A_588, %mul3A_589 : i32
        %sub3A_591 = arith.subi %add3A_564, %mul3A_590 : i32
        %mul3A_592 = arith.constant 3584 : i32
        %mul3A_593 = arith.muli %sub3A_591, %mul3A_592 : i32
        %mul3A_594 = arith.constant 96 : i32
        %mul3A_595 = arith.muli %select_n3A_588, %mul3A_594 : i32
        %add3A_596 = arith.addi %add3A_530, %mul3A_595 : i32
        %dma_wait3A_597 = arith.constant 0 : i32
        %dma_wait3A_598 = tpu.memref_slice %arg23[%dma_wait3A_597] : memref<100352xi32, #tpu.memory_space<vmem_shared>> -> memref<1792xi32, #tpu.memory_space<vmem_shared>>
        %dma_wait3A_599 = arith.constant 0 : i32
        %dma_wait3A_600 = tpu.memref_slice %arg23[%dma_wait3A_599] : memref<100352xi32, #tpu.memory_space<vmem_shared>> -> memref<1792xi32, #tpu.memory_space<vmem_shared>>
        tpu.wait_dma2 semaphore(%arg16 : memref<!tpu.dma_semaphore, #tpu.memory_space<semaphore_mem>>) src(%dma_wait3A_600 : memref<1792xi32, #tpu.memory_space<vmem_shared>>) dst(%arg8 : memref<1792xi32, #tpu.memory_space<vmem>>)
        %ge3A = arith.constant 2 : i32
        %ge3A_601 = arith.cmpi sge, %add3A_564, %ge3A : i32
        %convert_element_type3A_602 = arith.extui %ge3A_601 : i1 to i32
        %cond3A_603 = arith.constant 0 : i32
        %cond3A_604 = arith.cmpi ne, %convert_element_type3A_602, %cond3A_603 : i32
        scf.if %cond3A_604 {
          %dma_wait3A_674 = arith.constant 0 : i32
          %dma_wait3A_675 = tpu.memref_slice %arg5[%add3A_596, %dma_wait3A_674] : memref<768x50176xf32, #tpu.memory_space<hbm>> -> memref<2x3584xf32, #tpu.memory_space<hbm>>
          %dma_wait3A_676 = arith.constant 0 : i32
          %dma_wait3A_677 = tpu.memref_slice %arg5[%add3A_596, %dma_wait3A_676] : memref<768x50176xf32, #tpu.memory_space<hbm>> -> memref<2x3584xf32, #tpu.memory_space<hbm>>
          tpu.wait_dma2 semaphore(%arg18 : memref<!tpu.dma_semaphore, #tpu.memory_space<semaphore_mem>>) src(%arg10 : memref<2x3584xf32, #tpu.memory_space<vmem>>) dst(%dma_wait3A_677 : memref<2x3584xf32, #tpu.memory_space<hbm>>)
        } else {
        }
        %parallel_loop3A_605 = arith.constant 0 : i32
        %parallel_loop3A_606 = arith.constant 1792 : i32
        %parallel_loop3A_607 = arith.constant 16 : i32
        scf.for %parallel_loop3A_674 = %parallel_loop3A_605 to %parallel_loop3A_606 step %parallel_loop3A_607  : i32 {
          %parallel_loop3A_675 = arith.constant 2 : i32
          %parallel_loop3A_676 = arith.muli %parallel_loop3A_675, %parallel_loop3A_674 : i32
          %parallel_loop3A_677 = tpu.assume_multiple %parallel_loop3A_676, 32 : i32
          %parallel_loop3A_678 = arith.index_cast %parallel_loop3A_674 : i32 to index
          %parallel_loop3A_679 = tpu.vector_load %arg8[%parallel_loop3A_678] {strides = array<i32>} : memref<1792xi32, #tpu.memory_space<vmem>>, vector<16xi32>,
          %parallel_loop3A_680 = arith.constant 65535 : i32
          %parallel_loop3A_681 = vector.broadcast %parallel_loop3A_680 : i32 to vector<16xi32>
          %parallel_loop3A_682 = arith.andi %parallel_loop3A_679, %parallel_loop3A_681 : vector<16xi32>
          %parallel_loop3A_683 = arith.constant 16 : i32
          %parallel_loop3A_684 = vector.broadcast %parallel_loop3A_683 : i32 to vector<16xi32>
          %parallel_loop3A_685 = arith.shrui %parallel_loop3A_679, %parallel_loop3A_684 : vector<16xi32>
          %parallel_loop3A_686 = tpu.vector_load_idx %arg6[%parallel_loop3A_682] : memref<50176xf32, #tpu.memory_space<vmem>>[vector<16xi32>], vector<16xf32>,
          %parallel_loop3A_687 = arith.constant 0 : i32
          %parallel_loop3A_688 = arith.index_cast %parallel_loop3A_687 : i32 to index
          %parallel_loop3A_689 = arith.index_cast %parallel_loop3A_677 : i32 to index
          %parallel_loop3A_690 = tpu.vector_load %arg10[%parallel_loop3A_688, %parallel_loop3A_689] {strides = array<i32>} : memref<2x3584xf32, #tpu.memory_space<vmem>>, vector<16xf32>,
          tpu.vector_store %arg10[%parallel_loop3A_688, %parallel_loop3A_689], %parallel_loop3A_686 {strides = array<i32>} : memref<2x3584xf32, #tpu.memory_space<vmem>>, vector<16xf32>,
          %parallel_loop3A_691 = tpu.vector_load_idx %arg6[%parallel_loop3A_685] : memref<50176xf32, #tpu.memory_space<vmem>>[vector<16xi32>], vector<16xf32>,
          %parallel_loop3A_692 = arith.constant 16 : i32
          %parallel_loop3A_693 = arith.addi %parallel_loop3A_677, %parallel_loop3A_692 : i32
          %parallel_loop3A_694 = arith.constant 0 : i32
          %parallel_loop3A_695 = arith.index_cast %parallel_loop3A_694 : i32 to index
          %parallel_loop3A_696 = arith.index_cast %parallel_loop3A_693 : i32 to index
          %parallel_loop3A_697 = tpu.vector_load %arg10[%parallel_loop3A_695, %parallel_loop3A_696] {strides = array<i32>} : memref<2x3584xf32, #tpu.memory_space<vmem>>, vector<16xf32>,
          tpu.vector_store %arg10[%parallel_loop3A_695, %parallel_loop3A_696], %parallel_loop3A_691 {strides = array<i32>} : memref<2x3584xf32, #tpu.memory_space<vmem>>, vector<16xf32>,
          %parallel_loop3A_698 = tpu.vector_load_idx %arg7[%parallel_loop3A_682] : memref<50176xf32, #tpu.memory_space<vmem>>[vector<16xi32>], vector<16xf32>,
          %parallel_loop3A_699 = arith.constant 1 : i32
          %parallel_loop3A_700 = arith.index_cast %parallel_loop3A_699 : i32 to index
          %parallel_loop3A_701 = arith.index_cast %parallel_loop3A_677 : i32 to index
          %parallel_loop3A_702 = tpu.vector_load %arg10[%parallel_loop3A_700, %parallel_loop3A_701] {strides = array<i32>} : memref<2x3584xf32, #tpu.memory_space<vmem>>, vector<16xf32>,
          tpu.vector_store %arg10[%parallel_loop3A_700, %parallel_loop3A_701], %parallel_loop3A_698 {strides = array<i32>} : memref<2x3584xf32, #tpu.memory_space<vmem>>, vector<16xf32>,
          %parallel_loop3A_703 = tpu.vector_load_idx %arg7[%parallel_loop3A_685] : memref<50176xf32, #tpu.memory_space<vmem>>[vector<16xi32>], vector<16xf32>,
          %parallel_loop3A_704 = arith.constant 16 : i32
          %parallel_loop3A_705 = arith.addi %parallel_loop3A_677, %parallel_loop3A_704 : i32
          %parallel_loop3A_706 = arith.constant 1 : i32
          %parallel_loop3A_707 = arith.index_cast %parallel_loop3A_706 : i32 to index
          %parallel_loop3A_708 = arith.index_cast %parallel_loop3A_705 : i32 to index
          %parallel_loop3A_709 = tpu.vector_load %arg10[%parallel_loop3A_707, %parallel_loop3A_708] {strides = array<i32>} : memref<2x3584xf32, #tpu.memory_space<vmem>>, vector<16xf32>,
          tpu.vector_store %arg10[%parallel_loop3A_707, %parallel_loop3A_708], %parallel_loop3A_703 {strides = array<i32>} : memref<2x3584xf32, #tpu.memory_space<vmem>>, vector<16xf32>,
        } {sc.loop_unroll_factor = 8 : i64, sc.parallel_access}
        %dma_start3A_608 = tpu.memref_slice %arg5[%add3A_596, %mul3A_593] : memref<768x50176xf32, #tpu.memory_space<hbm>> -> memref<2x3584xf32, #tpu.memory_space<hbm>>
        %dma_start3A_609 = tpu.memref_slice %arg5[%add3A_596, %mul3A_593] : memref<768x50176xf32, #tpu.memory_space<hbm>> -> memref<2x3584xf32, #tpu.memory_space<hbm>>
        tpu.enqueue_dma source(%arg10 : memref<2x3584xf32, #tpu.memory_space<vmem>>) target(%dma_start3A_609 : memref<2x3584xf32, #tpu.memory_space<hbm>>) target_semaphore(%arg18 : memref<!tpu.dma_semaphore, #tpu.memory_space<semaphore_mem>>)
        %add3A_610 = arith.constant 2 : i32
        %add3A_611 = arith.addi %add3A_564, %add3A_610 : i32
        %lt3A_612 = arith.constant 56 : i32
        %lt3A_613 = arith.cmpi slt, %add3A_611, %lt3A_612 : i32
        %convert_element_type3A_614 = arith.extui %lt3A_613 : i1 to i32
        %cond3A_615 = arith.constant 0 : i32
        %cond3A_616 = arith.cmpi ne, %convert_element_type3A_614, %cond3A_615 : i32
        scf.if %cond3A_616 {
          %add3A_674 = arith.constant 2 : i32
          %add3A_675 = arith.addi %add3A_564, %add3A_674 : i32
          %mul3A_676 = arith.constant 1792 : i32
          %mul3A_677 = arith.muli %add3A_675, %mul3A_676 : i32
          %multiple_of3A_678 = tpu.assume_multiple %mul3A_677, 1792 : i32
          %dma_start3A_679 = tpu.memref_slice %arg23[%multiple_of3A_678] : memref<100352xi32, #tpu.memory_space<vmem_shared>> -> memref<1792xi32, #tpu.memory_space<vmem_shared>>
          %dma_start3A_680 = tpu.memref_slice %arg23[%multiple_of3A_678] : memref<100352xi32, #tpu.memory_space<vmem_shared>> -> memref<1792xi32, #tpu.memory_space<vmem_shared>>
          tpu.enqueue_dma source(%dma_start3A_680 : memref<1792xi32, #tpu.memory_space<vmem_shared>>) target(%arg8 : memref<1792xi32, #tpu.memory_space<vmem>>) target_semaphore(%arg16 : memref<!tpu.dma_semaphore, #tpu.memory_space<semaphore_mem>>)
        } else {
        }
        %mul3A_617 = arith.constant 2 : i32
        %mul3A_618 = arith.muli %scan3A_560, %mul3A_617 : i32
        %add3A_619 = arith.constant 1 : i32
        %add3A_620 = arith.addi %mul3A_618, %add3A_619 : i32
        %jit3A_621 = arith.constant 14 : i32
        %div3A_622 = arith.divsi %add3A_620, %jit3A_621 : i32
        %sign3A_623 = arith.constant 0 : i32
        %sign3A_624 = arith.cmpi sgt, %add3A_620, %sign3A_623 : i32
        %sign3A_625 = arith.extui %sign3A_624 : i1 to i32
        %sign3A_626 = arith.constant 0 : i32
        %sign3A_627 = arith.cmpi slt, %add3A_620, %sign3A_626 : i32
        %sign3A_628 = arith.extui %sign3A_627 : i1 to i32
        %sign3A_629 = arith.subi %sign3A_625, %sign3A_628 : i32
        %sign3A_630 = arith.constant 0 : i32
        %sign3A_631 = arith.cmpi sgt, %jit3A_621, %sign3A_630 : i32
        %sign3A_632 = arith.extui %sign3A_631 : i1 to i32
        %sign3A_633 = arith.constant 0 : i32
        %sign3A_634 = arith.cmpi slt, %jit3A_621, %sign3A_633 : i32
        %sign3A_635 = arith.extui %sign3A_634 : i1 to i32
        %sign3A_636 = arith.subi %sign3A_632, %sign3A_635 : i32
        %ne3A_637 = arith.cmpi ne, %sign3A_629, %sign3A_636 : i32
        %rem3A_638 = arith.remsi %add3A_620, %jit3A_621 : i32
        %ne3A_639 = arith.constant 0 : i32
        %ne3A_640 = arith.cmpi ne, %rem3A_638, %ne3A_639 : i32
        %and3A_641 = arith.andi %ne3A_637, %ne3A_640 : i1
        %sub3A_642 = arith.constant 1 : i32
        %sub3A_643 = arith.subi %div3A_622, %sub3A_642 : i32
        %select_n3A_644 = arith.select %and3A_641, %sub3A_643, %div3A_622 : i32
        %mul3A_645 = arith.constant 14 : i32
        %mul3A_646 = arith.muli %select_n3A_644, %mul3A_645 : i32
        %sub3A_647 = arith.subi %add3A_620, %mul3A_646 : i32
        %mul3A_648 = arith.constant 3584 : i32
        %mul3A_649 = arith.muli %sub3A_647, %mul3A_648 : i32
        %mul3A_650 = arith.constant 96 : i32
        %mul3A_651 = arith.muli %select_n3A_644, %mul3A_650 : i32
        %add3A_652 = arith.addi %add3A_530, %mul3A_651 : i32
        %dma_wait3A_653 = arith.constant 0 : i32
        %dma_wait3A_654 = tpu.memref_slice %arg23[%dma_wait3A_653] : memref<100352xi32, #tpu.memory_space<vmem_shared>> -> memref<1792xi32, #tpu.memory_space<vmem_shared>>
        %dma_wait3A_655 = arith.constant 0 : i32
        %dma_wait3A_656 = tpu.memref_slice %arg23[%dma_wait3A_655] : memref<100352xi32, #tpu.memory_space<vmem_shared>> -> memref<1792xi32, #tpu.memory_space<vmem_shared>>
        tpu.wait_dma2 semaphore(%arg17 : memref<!tpu.dma_semaphore, #tpu.memory_space<semaphore_mem>>) src(%dma_wait3A_656 : memref<1792xi32, #tpu.memory_space<vmem_shared>>) dst(%arg9 : memref<1792xi32, #tpu.memory_space<vmem>>)
        %ge3A_657 = arith.constant 2 : i32
        %ge3A_658 = arith.cmpi sge, %add3A_620, %ge3A_657 : i32
        %convert_element_type3A_659 = arith.extui %ge3A_658 : i1 to i32
        %cond3A_660 = arith.constant 0 : i32
        %cond3A_661 = arith.cmpi ne, %convert_element_type3A_659, %cond3A_660 : i32
        scf.if %cond3A_661 {
          %dma_wait3A_674 = arith.constant 0 : i32
          %dma_wait3A_675 = tpu.memref_slice %arg5[%add3A_652, %dma_wait3A_674] : memref<768x50176xf32, #tpu.memory_space<hbm>> -> memref<2x3584xf32, #tpu.memory_space<hbm>>
          %dma_wait3A_676 = arith.constant 0 : i32
          %dma_wait3A_677 = tpu.memref_slice %arg5[%add3A_652, %dma_wait3A_676] : memref<768x50176xf32, #tpu.memory_space<hbm>> -> memref<2x3584xf32, #tpu.memory_space<hbm>>
          tpu.wait_dma2 semaphore(%arg19 : memref<!tpu.dma_semaphore, #tpu.memory_space<semaphore_mem>>) src(%arg11 : memref<2x3584xf32, #tpu.memory_space<vmem>>) dst(%dma_wait3A_677 : memref<2x3584xf32, #tpu.memory_space<hbm>>)
        } else {
        }
        %parallel_loop3A_662 = arith.constant 0 : i32
        %parallel_loop3A_663 = arith.constant 1792 : i32
        %parallel_loop3A_664 = arith.constant 16 : i32
        scf.for %parallel_loop3A_674 = %parallel_loop3A_662 to %parallel_loop3A_663 step %parallel_loop3A_664  : i32 {
          %parallel_loop3A_675 = arith.constant 2 : i32
          %parallel_loop3A_676 = arith.muli %parallel_loop3A_675, %parallel_loop3A_674 : i32
          %parallel_loop3A_677 = tpu.assume_multiple %parallel_loop3A_676, 32 : i32
          %parallel_loop3A_678 = arith.index_cast %parallel_loop3A_674 : i32 to index
          %parallel_loop3A_679 = tpu.vector_load %arg9[%parallel_loop3A_678] {strides = array<i32>} : memref<1792xi32, #tpu.memory_space<vmem>>, vector<16xi32>,
          %parallel_loop3A_680 = arith.constant 65535 : i32
          %parallel_loop3A_681 = vector.broadcast %parallel_loop3A_680 : i32 to vector<16xi32>
          %parallel_loop3A_682 = arith.andi %parallel_loop3A_679, %parallel_loop3A_681 : vector<16xi32>
          %parallel_loop3A_683 = arith.constant 16 : i32
          %parallel_loop3A_684 = vector.broadcast %parallel_loop3A_683 : i32 to vector<16xi32>
          %parallel_loop3A_685 = arith.shrui %parallel_loop3A_679, %parallel_loop3A_684 : vector<16xi32>
          %parallel_loop3A_686 = tpu.vector_load_idx %arg6[%parallel_loop3A_682] : memref<50176xf32, #tpu.memory_space<vmem>>[vector<16xi32>], vector<16xf32>,
          %parallel_loop3A_687 = arith.constant 0 : i32
          %parallel_loop3A_688 = arith.index_cast %parallel_loop3A_687 : i32 to index
          %parallel_loop3A_689 = arith.index_cast %parallel_loop3A_677 : i32 to index
          %parallel_loop3A_690 = tpu.vector_load %arg11[%parallel_loop3A_688, %parallel_loop3A_689] {strides = array<i32>} : memref<2x3584xf32, #tpu.memory_space<vmem>>, vector<16xf32>,
          tpu.vector_store %arg11[%parallel_loop3A_688, %parallel_loop3A_689], %parallel_loop3A_686 {strides = array<i32>} : memref<2x3584xf32, #tpu.memory_space<vmem>>, vector<16xf32>,
          %parallel_loop3A_691 = tpu.vector_load_idx %arg6[%parallel_loop3A_685] : memref<50176xf32, #tpu.memory_space<vmem>>[vector<16xi32>], vector<16xf32>,
          %parallel_loop3A_692 = arith.constant 16 : i32
          %parallel_loop3A_693 = arith.addi %parallel_loop3A_677, %parallel_loop3A_692 : i32
          %parallel_loop3A_694 = arith.constant 0 : i32
          %parallel_loop3A_695 = arith.index_cast %parallel_loop3A_694 : i32 to index
          %parallel_loop3A_696 = arith.index_cast %parallel_loop3A_693 : i32 to index
          %parallel_loop3A_697 = tpu.vector_load %arg11[%parallel_loop3A_695, %parallel_loop3A_696] {strides = array<i32>} : memref<2x3584xf32, #tpu.memory_space<vmem>>, vector<16xf32>,
          tpu.vector_store %arg11[%parallel_loop3A_695, %parallel_loop3A_696], %parallel_loop3A_691 {strides = array<i32>} : memref<2x3584xf32, #tpu.memory_space<vmem>>, vector<16xf32>,
          %parallel_loop3A_698 = tpu.vector_load_idx %arg7[%parallel_loop3A_682] : memref<50176xf32, #tpu.memory_space<vmem>>[vector<16xi32>], vector<16xf32>,
          %parallel_loop3A_699 = arith.constant 1 : i32
          %parallel_loop3A_700 = arith.index_cast %parallel_loop3A_699 : i32 to index
          %parallel_loop3A_701 = arith.index_cast %parallel_loop3A_677 : i32 to index
          %parallel_loop3A_702 = tpu.vector_load %arg11[%parallel_loop3A_700, %parallel_loop3A_701] {strides = array<i32>} : memref<2x3584xf32, #tpu.memory_space<vmem>>, vector<16xf32>,
          tpu.vector_store %arg11[%parallel_loop3A_700, %parallel_loop3A_701], %parallel_loop3A_698 {strides = array<i32>} : memref<2x3584xf32, #tpu.memory_space<vmem>>, vector<16xf32>,
          %parallel_loop3A_703 = tpu.vector_load_idx %arg7[%parallel_loop3A_685] : memref<50176xf32, #tpu.memory_space<vmem>>[vector<16xi32>], vector<16xf32>,
          %parallel_loop3A_704 = arith.constant 16 : i32
          %parallel_loop3A_705 = arith.addi %parallel_loop3A_677, %parallel_loop3A_704 : i32
          %parallel_loop3A_706 = arith.constant 1 : i32
          %parallel_loop3A_707 = arith.index_cast %parallel_loop3A_706 : i32 to index
          %parallel_loop3A_708 = arith.index_cast %parallel_loop3A_705 : i32 to index
          %parallel_loop3A_709 = tpu.vector_load %arg11[%parallel_loop3A_707, %parallel_loop3A_708] {strides = array<i32>} : memref<2x3584xf32, #tpu.memory_space<vmem>>, vector<16xf32>,
          tpu.vector_store %arg11[%parallel_loop3A_707, %parallel_loop3A_708], %parallel_loop3A_703 {strides = array<i32>} : memref<2x3584xf32, #tpu.memory_space<vmem>>, vector<16xf32>,
        } {sc.loop_unroll_factor = 8 : i64, sc.parallel_access}
        %dma_start3A_665 = tpu.memref_slice %arg5[%add3A_652, %mul3A_649] : memref<768x50176xf32, #tpu.memory_space<hbm>> -> memref<2x3584xf32, #tpu.memory_space<hbm>>
        %dma_start3A_666 = tpu.memref_slice %arg5[%add3A_652, %mul3A_649] : memref<768x50176xf32, #tpu.memory_space<hbm>> -> memref<2x3584xf32, #tpu.memory_space<hbm>>
        tpu.enqueue_dma source(%arg11 : memref<2x3584xf32, #tpu.memory_space<vmem>>) target(%dma_start3A_666 : memref<2x3584xf32, #tpu.memory_space<hbm>>) target_semaphore(%arg19 : memref<!tpu.dma_semaphore, #tpu.memory_space<semaphore_mem>>)
        %add3A_667 = arith.constant 2 : i32
        %add3A_668 = arith.addi %add3A_620, %add3A_667 : i32
        %lt3A_669 = arith.constant 56 : i32
        %lt3A_670 = arith.cmpi slt, %add3A_668, %lt3A_669 : i32
        %convert_element_type3A_671 = arith.extui %lt3A_670 : i1 to i32
        %cond3A_672 = arith.constant 0 : i32
        %cond3A_673 = arith.cmpi ne, %convert_element_type3A_671, %cond3A_672 : i32
        scf.if %cond3A_673 {
          %add3A_674 = arith.constant 2 : i32
          %add3A_675 = arith.addi %add3A_620, %add3A_674 : i32
          %mul3A_676 = arith.constant 1792 : i32
          %mul3A_677 = arith.muli %add3A_675, %mul3A_676 : i32
          %multiple_of3A_678 = tpu.assume_multiple %mul3A_677, 1792 : i32
          %dma_start3A_679 = tpu.memref_slice %arg23[%multiple_of3A_678] : memref<100352xi32, #tpu.memory_space<vmem_shared>> -> memref<1792xi32, #tpu.memory_space<vmem_shared>>
          %dma_start3A_680 = tpu.memref_slice %arg23[%multiple_of3A_678] : memref<100352xi32, #tpu.memory_space<vmem_shared>> -> memref<1792xi32, #tpu.memory_space<vmem_shared>>
          tpu.enqueue_dma source(%dma_start3A_680 : memref<1792xi32, #tpu.memory_space<vmem_shared>>) target(%arg9 : memref<1792xi32, #tpu.memory_space<vmem>>) target_semaphore(%arg17 : memref<!tpu.dma_semaphore, #tpu.memory_space<semaphore_mem>>)
        } else {
        }
      }
      %scan3A_543 = arith.constant 28 : i32
      %add3A_544 = arith.constant 1 : i32
      %add3A_545 = arith.addi %scan3A_481, %add3A_544 : i32
      %lt3A = arith.constant 3 : i32
      %lt3A_546 = arith.cmpi slt, %add3A_545, %lt3A : i32
      %convert_element_type3A = arith.extui %lt3A_546 : i1 to i32
      %cond3A = arith.constant 0 : i32
      %cond3A_547 = arith.cmpi ne, %convert_element_type3A, %cond3A : i32
      scf.if %cond3A_547 {
        %add3A_560 = arith.constant 2 : i32
        %add3A_561 = arith.addi %add3A_486, %add3A_560 : i32
        %dma_start3A_562 = arith.constant 0 : i32
        %dma_start3A_563 = tpu.memref_slice %arg2[%add3A_561, %dma_start3A_562] : memref<192x50176xf32, #tpu.memory_space<hbm>> -> memref<1x50176xf32, #tpu.memory_space<hbm>>
        %dma_start3A_564 = tpu.memref_squeeze %dma_start3A_563 : memref<1x50176xf32, #tpu.memory_space<hbm>> -> memref<50176xf32, #tpu.memory_space<hbm>>
        %dma_start3A_565 = arith.constant 0 : i32
        %dma_start3A_566 = tpu.memref_slice %arg2[%add3A_561, %dma_start3A_565] : memref<192x50176xf32, #tpu.memory_space<hbm>> -> memref<1x50176xf32, #tpu.memory_space<hbm>>
        %dma_start3A_567 = tpu.memref_squeeze %dma_start3A_566 : memref<1x50176xf32, #tpu.memory_space<hbm>> -> memref<50176xf32, #tpu.memory_space<hbm>>
        tpu.enqueue_dma source(%dma_start3A_567 : memref<50176xf32, #tpu.memory_space<hbm>>) target(%arg6 : memref<50176xf32, #tpu.memory_space<vmem>>) target_semaphore(%arg20 : memref<!tpu.dma_semaphore, #tpu.memory_space<semaphore_mem>>)
        %add3A_568 = arith.constant 2 : i32
        %add3A_569 = arith.addi %add3A_488, %add3A_568 : i32
        %dma_start3A_570 = arith.constant 0 : i32
        %dma_start3A_571 = tpu.memref_slice %arg2[%add3A_569, %dma_start3A_570] : memref<192x50176xf32, #tpu.memory_space<hbm>> -> memref<1x50176xf32, #tpu.memory_space<hbm>>
        %dma_start3A_572 = tpu.memref_squeeze %dma_start3A_571 : memref<1x50176xf32, #tpu.memory_space<hbm>> -> memref<50176xf32, #tpu.memory_space<hbm>>
        %dma_start3A_573 = arith.constant 0 : i32
        %dma_start3A_574 = tpu.memref_slice %arg2[%add3A_569, %dma_start3A_573] : memref<192x50176xf32, #tpu.memory_space<hbm>> -> memref<1x50176xf32, #tpu.memory_space<hbm>>
        %dma_start3A_575 = tpu.memref_squeeze %dma_start3A_574 : memref<1x50176xf32, #tpu.memory_space<hbm>> -> memref<50176xf32, #tpu.memory_space<hbm>>
        tpu.enqueue_dma source(%dma_start3A_575 : memref<50176xf32, #tpu.memory_space<hbm>>) target(%arg7 : memref<50176xf32, #tpu.memory_space<vmem>>) target_semaphore(%arg21 : memref<!tpu.dma_semaphore, #tpu.memory_space<semaphore_mem>>)
      } else {
      }
      %dma_wait3A_548 = arith.constant 0 : i32
      %dma_wait3A_549 = arith.constant 0 : i32
      %dma_wait3A_550 = tpu.memref_slice %arg5[%dma_wait3A_548, %dma_wait3A_549] : memref<768x50176xf32, #tpu.memory_space<hbm>> -> memref<2x3584xf32, #tpu.memory_space<hbm>>
      %dma_wait3A_551 = arith.constant 0 : i32
      %dma_wait3A_552 = arith.constant 0 : i32
      %dma_wait3A_553 = tpu.memref_slice %arg5[%dma_wait3A_551, %dma_wait3A_552] : memref<768x50176xf32, #tpu.memory_space<hbm>> -> memref<2x3584xf32, #tpu.memory_space<hbm>>
      tpu.wait_dma2 semaphore(%arg18 : memref<!tpu.dma_semaphore, #tpu.memory_space<semaphore_mem>>) src(%arg10 : memref<2x3584xf32, #tpu.memory_space<vmem>>) dst(%dma_wait3A_553 : memref<2x3584xf32, #tpu.memory_space<hbm>>)
      %dma_wait3A_554 = arith.constant 0 : i32
      %dma_wait3A_555 = arith.constant 0 : i32
      %dma_wait3A_556 = tpu.memref_slice %arg5[%dma_wait3A_554, %dma_wait3A_555] : memref<768x50176xf32, #tpu.memory_space<hbm>> -> memref<2x3584xf32, #tpu.memory_space<hbm>>
      %dma_wait3A_557 = arith.constant 0 : i32
      %dma_wait3A_558 = arith.constant 0 : i32
      %dma_wait3A_559 = tpu.memref_slice %arg5[%dma_wait3A_557, %dma_wait3A_558] : memref<768x50176xf32, #tpu.memory_space<hbm>> -> memref<2x3584xf32, #tpu.memory_space<hbm>>
      tpu.wait_dma2 semaphore(%arg19 : memref<!tpu.dma_semaphore, #tpu.memory_space<semaphore_mem>>) src(%arg11 : memref<2x3584xf32, #tpu.memory_space<vmem>>) dst(%dma_wait3A_559 : memref<2x3584xf32, #tpu.memory_space<hbm>>)
    }
    %scan3A_480 = arith.constant 3 : i32
    return
  }
}

</mosaic_0001>

<sc_bundles>
// kernel: kernel.3.cloned.1.call-start
scs
__scs_entry_jumppad:
0x0: {  	(pc) =	sbr.rel $0x88, $3  }
0x1: {  	(tag) =	ssettag $0x0;
	lr =	simm.s32 $0x1  }
0x2: {  	[smem:$0x3F9F] =	sst lr;
	_ =	strace $0xD0000000  }
0x3: {  	_ = 	snop  }
0x4: {  	_ = 	snop  }
0x5: {  	_ = 	snop  }
0x6: {  	_ = 	snop  }
0x7: {  	_ = 	snop  }
__scs_overlays_trampoline_lowered:
0x8: {  	[smem:$0x3FAE] =	sst s0  }
0x9: {  	[smem:$0x3FAF] =	sst s1  }
0xa: {  	[smem:$0x3FB0] =	sst s2  }
0xb: {  	[smem:$0x3FB1] =	sst s3  }
0xc: {  	[smem:$0x3FB2] =	sst s4  }
0xd: {  	[smem:$0x3FB3] =	sst s5  }
0xe: {  	[smem:$0x3FB4] =	sst s6  }
0xf: {  	[smem:$0x3FB5] =	sst s7  }
0x10: {  	[smem:$0x3FB6] =	sst s8  }
0x11: {  	[smem:$0x3FB7] =	sst s9;
	s0 =	simm.s32 @!p0 $0x0  }
0x12: {  	s1 =	sld [smem:$0x3F9D];
	s0 =	simm.s32 @p0 $0x1  }
0x13: {  	[smem:$0x3FB8] =	sst s0;
	s0 =	simm.s32 @!p1 $0x0  }
0x14: {  	s2 =	sld [smem:$0x3F9C];
	s0 =	simm.s32 @p1 $0x1  }
0x15: {  	[smem:$0x3FB9] =	sst s0;
	s0 =	simm.s32 @!p2 $0x0  }
0x16: {  	s3 =	sld [smem:$0x3FDB];
	s0 =	simm.s32 @p2 $0x1  }
0x17: {  	s4 =	simm.s32 $0x1BF5;
	[smem:$0x3FBB] =	sst s0  }
0x18: {  	s0 =	sld [smem:$0x3F9E];
	_ =	swait.ge [sflag:s4], $0x0  }
0x19: {  	s7 =	sld [smem:$0x3F9F]  }
0x1a: {  	s8 =	sadd.s32 $0xFFFFE003, lr  }
0x1b: {  	s9 =	sadd.s32 $0xFFFFFEF7, lr;
	s5 =	simm.s32 $0xFFFFFFFF;
	p2 =	slt.u32 s8, $0xFFFFF086  }
0x1c: {  	p1 =	slt.u32 s9, $0xF7A;
	s5 =	simm.s32 @!p2 $0x0  }
0x1d: {  	s5 =	simm.s32 @p1 $0x1;
	p0 =	seq.s32 s7, s2  }
0x1e: {  	s7 =	smul.u32 @!p0 $0xF7A, s2;
	p2 =	seq.s32 @!p0 s5, $0x0  }
0x1f: {  	s9 =	smul.u32 $0xF7A, s1;
	s8 =	simm.s32 @!p0 $0x1BF5;
	p2 =	por !p2, p0  }
0x20: {  	[sflag:s8] =	ssyncset.s32 @!p0 $0xFFFFF086;
	s6 =	sadd.s32 @!p0 s3, s7;
	s7 =	simm.s32 @!p0 $0x108  }
0x21: {  	s3 =	sadd.s32 s3, s9;
	s6 =	sadd.s32 @!p0 $0x88, s6;
	s7 =	simm.s32 @p2 $0x1082  }
0x22: {  	[simem:s7], [sflag:s8] =	dma.local @!p0 [hbm:s6], $0xF7A  }
0x23: {  	s9 =	sor.u32 $0xD0000000, s2;
	s6 =	simm.s32 $0x108;
	_ =	swait.ge @!p0 [sflag:s8], $0x0  }
0x24: {  	s3 =	sadd.s32 $0x88, s3;
	s6 =	simm.s32 @!p1 $0x1082;
	[sflag:s4] =	ssyncset.s32 $0xFFFFF086  }
0x25: {  	[simem:s6], [sflag:s4] =	dma.local [hbm:s3], $0xF7A  }
0x26: {  	[smem:$0x3F9F] =	sst s1;
	(tag) =	ssettag s2;
	_ =	strace s9  }
0x27: {  	s1 =	sld [smem:$0x3FAF]  }
0x28: {  	s2 =	sld [smem:$0x3FB0]  }
0x29: {  	s4 =	sld [smem:$0x3FB2]  }
0x2a: {  	p0 =	seq.s32 s5, $0x0;
	s5 =	sld [smem:$0x3FB3]  }
0x2b: {  	s6 =	sld [smem:$0x3FB4]  }
0x2c: {  	s7 =	sld [smem:$0x3FB5]  }
0x2d: {  	s3 =	simm.s32 $0x108;
	s8 =	sld [smem:$0x3FB6]  }
0x2e: {  	s3 =	simm.s32 @!p0 $0x1082;
	s9 =	sld [smem:$0x3FB7]  }
0x2f: {  	lr =	sadd.s32 s0, s3;
	s0 =	sld [smem:$0x3FAE]  }
0x30: {  	s3 =	sld [smem:$0x3FB1]  }
0x31: {  	[smem:$0x3FBA] =	sst s10  }
0x32: {  	s10 =	sld [smem:$0x3FB8];
	_ =	sdelay $0x3  }
0x33: {  	p0 =	seq.s32 s10, $0x1;
	s10 =	sld [smem:$0x3FBA];
	_ =	sdelay $0x3  }
0x34: {  	[smem:$0x3FBA] =	sst s10  }
0x35: {  	s10 =	sld [smem:$0x3FB9];
	_ =	sdelay $0x3  }
0x36: {  	p1 =	seq.s32 s10, $0x1;
	s10 =	sld [smem:$0x3FBA];
	_ =	sdelay $0x3  }
0x37: {  	[smem:$0x3FBA] =	sst s10  }
0x38: {  	s10 =	sld [smem:$0x3FBB]  }
0x39: {  	_ = 	snop;
	(pc) =	sbr.ind lr, $3  }
0x3a: {  	_ = 	snop  }
0x3b: {  	_ = 	snop  }
0x3c: {  	p2 =	seq.s32 s10, $0x1;
	s10 =	sld [smem:$0x3FBA]  }
0x3d: {  	_ =	shalt  }
0x3e: {  	_ =	shalt  }
0x3f: {  	_ =	shalt  }
0x40: {  	_ =	shalt  }
0x41: {  	_ =	shalt  }
0x42: {  	_ =	shalt  }
0x43: {  	_ =	shalt  }
0x44: {  	_ =	shalt  }
0x45: {  	_ =	shalt  }
0x46: {  	_ =	shalt  }
0x47: {  	_ =	shalt  }
0x48: {  	_ =	shalt  }
0x49: {  	_ =	shalt  }
0x4a: {  	_ =	shalt  }
0x4b: {  	_ =	shalt  }
0x4c: {  	_ =	shalt  }
0x4d: {  	_ =	shalt  }
0x4e: {  	_ =	shalt  }
0x4f: {  	_ =	shalt  }
0x50: {  	_ =	shalt  }
0x51: {  	_ =	shalt  }
0x52: {  	_ =	shalt  }
0x53: {  	_ =	shalt  }
0x54: {  	_ =	shalt  }
0x55: {  	_ =	shalt  }
0x56: {  	_ =	shalt  }
0x57: {  	_ =	shalt  }
0x58: {  	_ =	shalt  }
0x59: {  	_ =	shalt  }
0x5a: {  	_ =	shalt  }
0x5b: {  	_ =	shalt  }
0x5c: {  	_ =	shalt  }
0x5d: {  	_ =	shalt  }
0x5e: {  	_ =	shalt  }
0x5f: {  	_ =	shalt  }
0x60: {  	_ =	shalt  }
0x61: {  	_ =	shalt  }
0x62: {  	_ =	shalt  }
0x63: {  	_ =	shalt  }
0x64: {  	_ =	shalt  }
0x65: {  	_ =	shalt  }
0x66: {  	_ =	shalt  }
0x67: {  	_ =	shalt  }
0x68: {  	_ =	shalt  }
0x69: {  	_ =	shalt  }
0x6a: {  	_ =	shalt  }
0x6b: {  	_ =	shalt  }
0x6c: {  	_ =	shalt  }
0x6d: {  	_ =	shalt  }
0x6e: {  	_ =	shalt  }
0x6f: {  	_ =	shalt  }
0x70: {  	_ =	shalt  }
0x71: {  	_ =	shalt  }
0x72: {  	_ =	shalt  }
0x73: {  	_ =	shalt  }
0x74: {  	_ =	shalt  }
0x75: {  	_ =	shalt  }
0x76: {  	_ =	shalt  }
0x77: {  	_ =	shalt  }
0x78: {  	_ =	shalt  }
0x79: {  	_ =	shalt  }
0x7a: {  	_ =	shalt  }
0x7b: {  	_ =	shalt  }
0x7c: {  	_ =	shalt  }
0x7d: {  	_ =	shalt  }
0x7e: {  	_ =	shalt  }
0x7f: {  	_ =	shalt  }
0x80: {  	_ =	shalt  }
0x81: {  	_ =	shalt  }
0x82: {  	_ =	shalt  }
0x83: {  	_ =	shalt  }
0x84: {  	_ =	shalt  }
0x85: {  	_ =	shalt  }
0x86: {  	_ =	shalt  }
0x87: {  	_ =	shalt  }
.Lfunc_end0:
.L_simem_size_0:
called_computation_lowered:
.L_overlay_start_0:
0x88: {  	s2 =	sld [smem:$0x3FD9]  }
0x89: {  	s3 =	sld [smem:$0x3FFE];
	_ =	sdelay $0x1  }
0x8a: {  	s1 =	srdreg.scid  }
0x8b: {  	s0 =	sand.u32 $0x1, s1  }
0x8c: {  	s17 =	sshll.u32 s0, $0xA;
	s2 =	sadd.s32 s3, s2  }
0x8d: {  	s2 =	sadd.s32 s2, s17  }
0x8e: {  	[smem:$0x3FC6] =	sst s2  }
0x8f: {  	_ = 	snop  }
0x90: {  	s2 =	sld [smem:$0x3FD0];
	(tm) =	ssettm $0x1  }
0x91: {  	s18 =	sld [smem:$0x3FFB];
	_ =	sdelay $0x3  }
0x92: {  	_ =	strace s18  }
0x93: {  	s3 =	sld [smem:$0x3FFC];
	_ =	sdelay $0x3  }
0x94: {  	_ =	strace s3  }
0x95: {  	s3 =	sld [smem:$0x3FFD];
	_ =	sdelay $0x3  }
0x96: {  	_ =	strace s3  }
0x97: {  	_ =	strace $0x8FFFFFFF  }
0x98: {  	s19 =	sld [smem:$0x3FDB];
	_ =	sdelay $0x1  }
0x99: {  	s4 =	simm.s32 $_scs_section_size  }
0x9a: {  	s5 =	simm.s32 $_size__tile_overlayer_lowered;
	s6 =	simm.s32 $_tile_overlayer_lowered  }
0x9b: {  	s22 =	simm.s32 $0x1BFF;
	s21 =	sshll.u32 s6, $0x1;
	s3 =	sadd.s32 s4, s19  }
0x9c: {  	s7 =	simm.s32 $0x0;
	s20 =	sshll.u32 s5, $0x1;
	s5 =	sadd.s32 s21, s3  }
0x9d: {  	[timem:s7], [sflag:s22] =	dma.local [hbm:s5], s20  }
0x9e: {  	_ =	swait.ge [sflag:s22], s20  }
0x9f: {  	s4 =	ssub.s32 $0x0, s20;
	[sflag:s22] =	ssyncset.done $0x0  }
0xa0: {  	[sflag:s22] =	ssyncadd.s32 s4;
	_ =	sdelay $0x1  }
0xa1: {  	s23 =	simm.s32 $0x1B8B  }
0xa2: {  	_ =	swait.ge [sflag:s23], $0x1  }
0xa3: {  	[sflag:s23] =	ssyncset.done $0x0  }
0xa4: {  	s25 =	simm.s32 $0x1B8E;
	s24 =	sld [smem:$0x3FFE];
	[sflag:s23] =	ssyncadd.s32 $0xFFFFFFFF  }
0xa5: {  	s26 =	simm.s32 $execute0_lowered;
	[smem:$0x3FD2] =	sst s25  }
0xa6: {  	s5 =	sshll.u32 s26, $0x1;
	_ =	strace $0x80000046;
	[dreg:$0x1] =	wrdreg $0xFFFFFFFF  }
0xa7: {  	s28 =	simm.s32 $_size_execute0_lowered;
	s3 =	sadd.s32 s3, s5;
	[dreg:$0x0] =	wrdreg $0x0  }
0xa8: {  	s5 =	sshll.u32 s28, $0x1;
	[dreg:$0x2] =	wrdreg s3  }
0xa9: {  	[dreg:$0x3] =	wrdreg s5  }
0xaa: {  	[dreg:$0x4] =	wrdreg $0xC0  }
0xab: {  	_ =	task [dreg:s7], $0x5FFFF  }
0xac: {  	[dreg:$0x1] =	wrdreg $0xFFFFFFFF  }
0xad: {  	[dreg:$0x0] =	wrdreg $0x60  }
0xae: {  	[dreg:$0x2] =	wrdreg s24  }
0xaf: {  	[dreg:$0x3] =	wrdreg s2  }
0xb0: {  	[dreg:$0x4] =	wrdreg $0x1E3000  }
0xb1: {  	[dreg:$0x5] =	wrdreg $0x9  }
0xb2: {  	_ =	task.clear_ibuf [dreg:s7], $0x6FFFF;
	_ =	strace $0x90000046  }
0xb3: {  	s29 =	simm.s32 $0x9;
	_ =	strace $0x80000048  }
0xb4: {  	_ =	swait.ge [sflag:s29], $0x1  }
0xb5: {  	[sflag:s29] =	ssyncadd.s32 $0xFFFFFFFF  }
0xb6: {  	_ =	strace $0x90000048  }
0xb7: {  	_ =	sfence  }
0xb8: {  	s30 =	sld [smem:$0x0];
	_ =	sdelay $0x2  }
0xb9: {  	s31 =	sshll.u32 s1, $0xD;
	s1 =	sshrl.u32 s1, $0x2  }
0xba: {  	s3 =	sand.u32 $0x4000, s31;
	s1 =	sadd.s32 s1, s30  }
0xbb: {  	s0 =	sor.u32 s3, s0;
	s1 =	sshll.u32 s1, $0x11  }
0xbc: {  	s0 =	sor.u32 s1, s0  }
0xbd: {  	s0 =	sadd.s32 $0x8F2B, s0  }
0xbe: {  	[sflag:s0] =	ssyncadd.remote.s32 $0x1  }
0xbf: {  	_ =	sfence.sel $0xFFFF  }
0xc0: {  	[dreg:$0x0] =	wrdreg $0xFFFFFFFF;
	(pc) =	sbr.abs _section_cstart, $3  }
0xc1: {  	[dreg:$0x1] =	wrdreg $0xFFFFFFFF  }
0xc2: {  	_ =	task.clear_ibuf [dreg:s7], $0x2FFFF;
	_ =	strace $0x9FFFFFFF  }
0xc3: {  	(tm) =	ssettm $0x7FFFFFFF  }
tec
execute0_lowered:
.L_overlay_start_1:
0x0: {  	(tag) =	ssettag $0x1  }
0x1: {  	s0 =	srdreg.scid  }
0x2: {  	s18 =	stileid.u32;
	s3 =	rddreg [dreg:$0x0]  }
0x3: {  	s9 =	simm.s32 $0x3FFF3C00;
	s28 =	simm.s32 $0x1D500;
	s29 =	simm.s32 $0x1DC00  }
0x4: {  	s30 =	simm.s32 $0x1DF80;
	s0 =	sand.u32 $0x1, s0;
	s1 =	sshll.u32 s18, $0x1  }
0x5: {  	s6 =	sadd.s32 $0x126800, s3;
	s15 =	smul.u32 $0x380, s18;
	s16 =	sor.u32 $0x10, s18  }
0x6: {  	s13 =	sor.u32 $0x20, s18;
	s4 =	sor.u32 s0, s1;
	s10 =	smul.u32 $0x700, s16  }
0x7: {  	s1 =	simm.s32 $0x0;
	s0 =	ssub.s32 $0x2, s0;
	s17 =	smul.u32 $0x1C00, s13  }
0x8: {  	p0 =	sgt.u32 s16, $0x1B;
	s2 =	smul.u32 $0x6, s4;
	[smem:$0x7FF] =	sst s1  }
0x9: {  	s7 =	smul.u32 $0x300, s4;
	s4 =	sadd.s32 $0x12CA00, s3;
	s8 =	sshrl.u32 s0, $0x1  }
0xa: {  	s9 =	simm.s32 @!p0 $0x0;
	s0 =	ssub.s32 s0, s8;
	s11 =	sadd.s32 s4, s15  }
0xb: {  	s9 =	sadd.s32 s10, s9;
	s8 =	smul.u32 $0xE00, s16;
	s16 =	sor.u32 $0x50, s18  }
0xc: {  	s10 =	simm.s32 $0x80;
	s5 =	sshrl.u32 s2, $0x3;
	s22 =	smul.u32 $0x93, s16  }
0xd: {  	s7 =	sand.u32 $0x300, s7;
	[dreg:$0x4] =	wrdreg s11;
	s31 =	smul.u32 $0x700, s16  }
0xe: {  	s11 =	sor.u32 $0x30, s18;
	s9 =	sshll.u32 s9, $0x2;
	s5 =	smul.u32 $0x62000, s5  }
0xf: {  	s10 =	simm.s32 @!p0 $0x0;
	s0 =	smax.u32 s0, $0x1;
	s12 =	smul.u32 $0x25, s11  }
0x10: {  	s9 =	sor.u32 s10, s9;
	s21 =	smul.u32 $0x700, s11;
	s10 =	sadd.s32 $0xFFFCF080, s17  }
0x11: {  	s17 =	sor.u32 $0x40, s18;
	s19 =	sshrl.u32 s9, $0x3;
	s10 =	sshrl.u32 s10, $0x3  }
0x12: {  	s23 =	smul.u32 $0x1C00, s17;
	s5 =	sor.u32 s7, s5;
	s7 =	sadd.s32 s6, s15  }
0x13: {  	s9 =	sshrl.u32 s22, $0xC;
	s14 =	sadd.s32 s4, s19;
	[dreg:$0x5] =	wrdreg s7  }
0x14: {  	s12 =	sshrl.u32 s12, $0xA;
	s24 =	sadd.s32 s4, s10;
	[dreg:$0x6] =	wrdreg s14  }
0x15: {  	s25 =	smul.u32 $0x3FFF3C00, s9;
	s10 =	sadd.s32 s6, s10;
	[dreg:$0x8] =	wrdreg s24  }
0x16: {  	s9 =	sshll.u32 s9, $0x7;
	s20 =	smul.u32 $0x3FFF3C00, s12;
	[dreg:$0x9] =	wrdreg s10  }
0x17: {  	s7 =	sadd.s32 s6, s19;
	s12 =	sshll.u32 s12, $0x7;
	s14 =	rddreg [dreg:$0x1]  }
0x18: {  	[dreg:$0x7] =	wrdreg s7;
	s10 =	sadd.s32 s31, s25;
	s7 =	sadd.s32 s21, s20  }
0x19: {  	s24 =	smul.u32 $0xE00, s18;
	s10 =	sshll.u32 s10, $0x2;
	s7 =	sshll.u32 s7, $0x2  }
0x1a: {  	s25 =	sshrl.u32 s5, $0x3;
	s9 =	sor.u32 s9, s10;
	s7 =	sor.u32 s12, s7  }
0x1b: {  	s12 =	sadd.s32 $0xFFF9E100, s23;
	s9 =	sshrl.u32 s9, $0x3;
	s7 =	sshrl.u32 s7, $0x3  }
0x1c: {  	s12 =	sshrl.u32 s12, $0x3;
	s22 =	sadd.s32 s4, s9;
	s9 =	sadd.s32 s6, s9  }
0x1d: {  	s26 =	sadd.s32 s4, s7;
	s7 =	sadd.s32 s6, s7;
	[dreg:$0xe] =	wrdreg s22  }
0x1e: {  	s19 =	sadd.s32 s4, s12;
	s20 =	sadd.s32 s6, s12;
	[dreg:$0xf] =	wrdreg s9  }
0x1f: {  	s12 =	sshrl.u32 s8, $0x2;
	[dreg:$0xb] =	wrdreg s7;
	s7 =	smul.u32 $0xE00, s13  }
0x20: {  	s8 =	simm.s32 $0x1;
	[dreg:$0xa] =	wrdreg s26;
	s26 =	smul.u32 $0xE00, s11  }
0x21: {  	s9 =	simm.s32 $0x2;
	[dreg:$0xc] =	wrdreg s19;
	s11 =	smul.u32 $0xE00, s17  }
0x22: {  	s13 =	sor.u32 $0x60, s18;
	[dreg:$0xd] =	wrdreg s20;
	s17 =	smul.u32 $0xE00, s16  }
0x23: {  	s20 =	sadd.s32 $0x800, s3;
	s16 =	simm.s32 $0x3;
	s15 =	smul.u32 $0x1C00, s13  }
0x24: {  	s31 =	sadd.s32 s20, s25;
	s18 =	smul.u32 $0xE00, s13;
	s13 =	simm.s32 $0x80  }
0x25: {  	s7 =	sshrl.u32 s7, $0x2;
	s5 =	sshrl.u32 s26, $0x2;
	s21 =	sadd.s32 $0xFFF6D180, s15  }
0x26: {  	s22 =	sshrl.u32 s11, $0x2;
	s15 =	rddreg [dreg:$0x2];
	s10 =	sshrl.u32 s21, $0x3  }
0x27: {  	s19 =	sadd.s32 s7, s15;
	s21 =	sadd.s32 s5, s15;
	s4 =	sadd.s32 s4, s10  }
0x28: {  	s23 =	sadd.s32 s6, s10;
	s10 =	sshrl.u32 s24, $0x2;
	[dreg:$0x10] =	wrdreg s4  }
0x29: {  	s7 =	simm.s32 $0x18F00;
	[dreg:$0x11] =	wrdreg s23;
	s3 =	sadd.s32 s10, s15  }
0x2a: {  	s24 =	sshrl.u32 s18, $0x2;
	_ =	strace $0x80000047;
	[dreg:$0x13] =	wrdreg s3  }
0x2b: {  	s18 =	simm.s32 $0x200;
	s6 =	simm.s32 $0x18800;
	[dreg:$0x15] =	wrdreg s19  }
0x2c: {  	s23 =	sshrl.u32 s17, $0x2;
	s26 =	sadd.s32 s24, s15;
	[dreg:$0x16] =	wrdreg s21  }
0x2d: {  	s4 =	simm.s32 $0xC400;
	s17 =	simm.s32 $0x4;
	[dreg:$0x19] =	wrdreg s26  }
0x2e: {  	s24 =	simm.s32 $0x100;
	s10 =	simm.s32 $0x0;
	[dreg:$0x1a] =	wrdreg s0  }
0x2f: {  	s3 =	sadd.s32 s12, s15;
	s25 =	sadd.s32 s23, s15;
	[dreg:$0x12] =	wrdreg s31  }
.Ltmp0:
0x30: {  	s31 =	sadd.s32 $0x10, s31;
	s0 =	sadd.s32 $0x700, s15;
	(pc) =	sbr.rel .LBB2_1-.Ltmp0, $4  }
0x31: {  	s21 =	simm.s32 $0x1CE00;
	s19 =	simm.s32 $0x7;
	[dreg:$0x14] =	wrdreg s3  }
0x32: {  	s23 =	simm.s32 $0x6;
	s26 =	simm.s32 $0x1B200;
	[dreg:$0x18] =	wrdreg s25  }
0x33: {  	s3 =	sadd.s32 s22, s15;
	[dreg:$0x1b] =	wrdreg s31;
	s22 =	simm.s32 $0x5  }
0x34: {  	s25 =	simm.s32 $0x19600;
	[dreg:$0x17] =	wrdreg s3;
	s3 =	simm.s32 $0x400  }
.LBB2_24:
0x35: {  	s10 =	rddreg [dreg:$0x1c]  }
0x36: {  	s5 =	rddreg [dreg:$0x1a];
	s10 =	sadd.s32 $0x1, s10  }
0x37: {  	p0 =	sne.s32 s10, s5  }
.Ltmp1:
0x38: {  	_ = 	snop;
	(pc) =	sbr.rel @!p0 .LBB2_25-.Ltmp1, $3  }
0x39: {  	_ =	sdelay $0x1  }
0x3a: {  	s18 =	simm.s32 $0x200;
	s21 =	simm.s32 $0x1CE00  }
0x3b: {  	s28 =	simm.s32 $0x1D500;
	s29 =	simm.s32 $0x1DC00;
	s30 =	simm.s32 $0x1DF80  }
.LBB2_1:
0x3c: {  	[dreg:$0x1c] =	wrdreg s10  }
0x3d: {  	s5 =	rddreg [dreg:$0x12]  }
0x3e: {  	[tilespmem:s1], [sflag:$0x5] =	stream.strided.gather [hbm4b:s5+s13], $0xC400, s3, s13, $0x38;
	[tilespmem:$0x1FB80] =	vst v63  }
0x3f: {  	s12 =	rddreg [dreg:$0x1b]  }
0x40: {  	[tilespmem:s4], [sflag:$0x6] =	stream.strided.gather [hbm4b:s12+s13], $0xC400, s3, s13, $0x38;
	[tilespmem:$0x1FB80] =	vst v63  }
0x41: {  	s31 =	rddreg [dreg:$0x4]  }
0x42: {  	[tilespmem:s6], [sflag:$0x1] =	stream.strided.gather [hbm4b:s31+s13], $0x700, s18, s13, $0x38;
	[tilespmem:$0x1FB80] =	vst v63  }
0x43: {  	s10 =	rddreg [dreg:$0x5]  }
0x44: {  	[tilespmem:s7], [sflag:$0x2] =	stream.strided.gather [hbm4b:s10+s13], $0x700, s18, s13, $0x38;
	[tilespmem:$0x1FB80] =	vst v63  }
0x45: {  	_ =	swait.ge [sflag:s8], $0x700  }
0x46: {  	[sflag:s8] =	ssyncset.done $0x0  }
0x47: {  	[sflag:s8] =	ssyncadd.s32 $0xFFFFF900  }
0x48: {  	_ =	swait.ge [sflag:s9], $0x700  }
0x49: {  	[sflag:s9] =	ssyncset.done $0x0  }
0x4a: {  	s11 =	rddreg [dreg:$0x6];
	[sflag:s9] =	ssyncadd.s32 $0xFFFFF900  }
0x4b: {  	[tilespmem:s21], [sflag:$0x3] =	stream.strided.gather [hbm4b:s11+s13], $0x700, s18, s13, $0x38;
	[tilespmem:$0x1FB80] =	vst v63  }
0x4c: {  	s31 =	simm.s32 $0x18880;
	s12 =	rddreg [dreg:$0x7]  }
0x4d: {  	[tilespmem:s28], [sflag:$0x4] =	stream.strided.gather [hbm4b:s12+s13], $0x700, s18, s13, $0x38;
	[tilespmem:$0x1FB80] =	vst v63  }
0x4e: {  	v0 =	vld [tilespmem:s31+$0x70]  }
0x4f: {  	s10 =	simm.s32 $0x18F80;
	v1 =	vld [tilespmem:s31+$0x60]  }
0x50: {  	v2 =	vld [tilespmem:s10+$0x70]  }
0x51: {  	v3 =	vld [tilespmem:s10+$0x60]  }
0x52: {  	v4 =	vld [tilespmem:s31+$0xFFFFFF90]  }
0x53: {  	v5 =	vld [tilespmem:s31+$0xFFFFFFB0]  }
0x54: {  	v6 =	vld [tilespmem:s31+$0xFFFFFFD0]  }
0x55: {  	v7 =	vld [tilespmem:s31+$0xFFFFFFF0]  }
0x56: {  	v8 =	vld [tilespmem:s31+$0x10]  }
0x57: {  	v9 =	vld [tilespmem:s31+$0x30]  }
0x58: {  	v10 =	vld [tilespmem:s31+$0x50]  }
0x59: {  	v11 =	vld [tilespmem:s31+$0xFFFFFFA0]  }
0x5a: {  	v12 =	vld [tilespmem:s31+$0xFFFFFFC0]  }
0x5b: {  	v13 =	vld [tilespmem:s31+$0xFFFFFFE0]  }
0x5c: {  	v14 =	vld [tilespmem:s31+$0x0]  }
0x5d: {  	v15 =	vld [tilespmem:s31+$0x20]  }
0x5e: {  	v16 =	vld [tilespmem:s31+$0x40]  }
0x5f: {  	v17 =	vld [tilespmem:s31+$0xFFFFFF80]  }
0x60: {  	v18 =	vld [tilespmem:s10+$0xFFFFFF90];
	v0 =	vmul.u32 $0xE0, v0  }
0x61: {  	v19 =	vld [tilespmem:s10+$0xFFFFFFD0]  }
0x62: {  	v1 =	vmul.u32 $0xE0, v1;
	v8 =	vmul.u32 $0xE0, v8;
	v0 =	vadd.s32 v2, v0;
	v2 =	vld [tilespmem:s10+$0xFFFFFFB0]  }
0x63: {  	v21 =	vld [tilespmem:s10+$0x30];
	v9 =	vmul.u32 $0xE0, v9;
	v22 =	vmul.u32 $0xE0, v10;
	v23 =	vmul.u32 $0xE0, v11  }
0x64: {  	v11 =	vld [tilespmem:s10+$0x50];
	v1 =	vadd.s32 v3, v1;
	v3 =	vmul.u32 $0xE0, v4;
	v0 =	vshll.u32 v0, $0x10  }
0x65: {  	v20 =	vor.u32 v1, v0;
	v0 =	vld [tilespmem:s10+$0xFFFFFFF0];
	v1 =	vmul.u32 $0xE0, v5;
	v5 =	vmul.u32 $0xE0, v6  }
0x66: {  	v4 =	vmul.u32 $0xE0, v12;
	v6 =	vmul.u32 $0xE0, v7;
	v7 =	vld [tilespmem:s10+$0x10];
	v18 =	vadd.s32 v18, v3  }
0x67: {  	v3 =	vmul.u32 $0xE0, v13;
	v5 =	vadd.s32 v19, v5;
	v19 =	vld [tilespmem:s10+$0xFFFFFF80];
	v10 =	vadd.s32 v2, v1  }
0x68: {  	v2 =	vmul.u32 $0xE0, v14;
	v1 =	vmul.u32 $0xE0, v15;
	v15 =	vld [tilespmem:s10+$0xFFFFFFA0];
	v14 =	vmul.u32 $0xE0, v17  }
0x69: {  	v13 =	vld [tilespmem:s10+$0xFFFFFFC0];
	v17 =	vadd.s32 v21, v9;
	v9 =	vshll.u32 v5, $0x10;
	v10 =	vshll.u32 v10, $0x10  }
0x6a: {  	v12 =	vld [tilespmem:s10+$0xFFFFFFE0];
	v5 =	vshll.u32 v17, $0x10;
	v6 =	vadd.s32 v0, v6;
	v0 =	vmul.u32 $0xE0, v16  }
0x6b: {  	v8 =	vadd.s32 v7, v8;
	v7 =	vshll.u32 v6, $0x10;
	v6 =	vadd.s32 v11, v22;
	v11 =	vld [tilespmem:s10+$0x0]  }
0x6c: {  	s11 =	simm.s32 $0x1DC40;
	v16 =	vshll.u32 v18, $0x10;
	v8 =	vshll.u32 v8, $0x10;
	v17 =	vadd.s32 v19, v14;
	v14 =	vld [tilespmem:s10+$0x20]  }
0x6d: {  	s5 =	simm.s32 $0x0;
	s12 =	simm.s32 $0x18980;
	[tilespmem:s11+$0x30] =	vst v20;
	v6 =	vshll.u32 v6, $0x10;
	v16 =	vor.u32 v17, v16;
	v17 =	vadd.s32 v15, v23;
	v15 =	vld [tilespmem:s10+$0x40]  }
.LBB2_2:
0x6e: {  	v18 =	vld [tilespmem:s12+$0x70];
	s5 =	sadd.s32 $0x80, s5;
	[tilespmem:s11+$0xFFFFFFC0] =	vst v16;
	v10 =	vor.u32 v17, v10;
	v4 =	vadd.s32 v13, v4  }
0x6f: {  	s10 =	sadd.s32 $0x100, s10;
	v13 =	vld [tilespmem:s12+$0x60];
	p0 =	slt.u32 s5, $0x300;
	[tilespmem:s11+$0xFFFFFFD0] =	vst v10;
	v4 =	vor.u32 v4, v9;
	v3 =	vadd.s32 v12, v3  }
0x70: {  	v9 =	vld [tilespmem:s10+$0x70];
	[tilespmem:s11+$0xFFFFFFE0] =	vst v4;
	v3 =	vor.u32 v3, v7;
	v2 =	vadd.s32 v11, v2  }
0x71: {  	v4 =	vld [tilespmem:s10+$0x60];
	[tilespmem:s11+$0xFFFFFFF0] =	vst v3;
	v2 =	vor.u32 v2, v8;
	v1 =	vadd.s32 v14, v1  }
0x72: {  	v3 =	vld [tilespmem:s12+$0xFFFFFF90];
	[tilespmem:s11+$0x0] =	vst v2;
	v1 =	vor.u32 v1, v5;
	v0 =	vadd.s32 v15, v0  }
0x73: {  	v2 =	vld [tilespmem:s12+$0xFFFFFFB0];
	v5 =	vmul.u32 $0xE0, v18;
	[tilespmem:s11+$0x10] =	vst v1;
	v0 =	vor.u32 v0, v6  }
0x74: {  	v1 =	vld [tilespmem:s12+$0xFFFFFFD0];
	v6 =	vmul.u32 $0xE0, v13;
	[tilespmem:s11+$0x20] =	vst v0  }
0x75: {  	v0 =	vld [tilespmem:s12+$0xFFFFFFF0];
	v5 =	vadd.s32 v9, v5  }
0x76: {  	v7 =	vld [tilespmem:s12+$0x10];
	v4 =	vadd.s32 v4, v6;
	v5 =	vshll.u32 v5, $0x10  }
0x77: {  	s11 =	sadd.s32 $0x80, s11;
	v6 =	vmul.u32 $0xE0, v3;
	v3 =	vld [tilespmem:s12+$0x30];
	v4 =	vor.u32 v4, v5  }
0x78: {  	v5 =	vmul.u32 $0xE0, v2;
	v2 =	vld [tilespmem:s12+$0x50];
	[tilespmem:s11+$0x30] =	vst v4  }
0x79: {  	v4 =	vld [tilespmem:s12+$0xFFFFFFA0];
	v8 =	vmul.u32 $0xE0, v1  }
0x7a: {  	v1 =	vld [tilespmem:s12+$0xFFFFFFC0];
	v11 =	vmul.u32 $0xE0, v0  }
0x7b: {  	v0 =	vld [tilespmem:s12+$0xFFFFFFE0];
	v12 =	vmul.u32 $0xE0, v7  }
0x7c: {  	v7 =	vld [tilespmem:s12+$0x0];
	v14 =	vmul.u32 $0xE0, v3  }
0x7d: {  	v9 =	vld [tilespmem:s12+$0x20];
	v15 =	vmul.u32 $0xE0, v2  }
0x7e: {  	v17 =	vmul.u32 $0xE0, v4;
	v10 =	vld [tilespmem:s12+$0x40]  }
0x7f: {  	v13 =	vld [tilespmem:s12+$0xFFFFFF80];
	v4 =	vmul.u32 $0xE0, v1  }
0x80: {  	v16 =	vld [tilespmem:s10+$0xFFFFFF90];
	v3 =	vmul.u32 $0xE0, v0  }
0x81: {  	v18 =	vld [tilespmem:s10+$0xFFFFFFB0];
	v2 =	vmul.u32 $0xE0, v7  }
0x82: {  	v7 =	vld [tilespmem:s10+$0xFFFFFFD0];
	v1 =	vmul.u32 $0xE0, v9  }
0x83: {  	v19 =	vld [tilespmem:s10+$0xFFFFFFF0];
	v0 =	vmul.u32 $0xE0, v10  }
0x84: {  	v20 =	vmul.u32 $0xE0, v13;
	v21 =	vld [tilespmem:s10+$0x10]  }
0x85: {  	v6 =	vadd.s32 v16, v6;
	v16 =	vld [tilespmem:s10+$0x30]  }
0x86: {  	v22 =	vshll.u32 v6, $0x10;
	v5 =	vadd.s32 v18, v5;
	v6 =	vld [tilespmem:s10+$0x50]  }
0x87: {  	v18 =	vld [tilespmem:s10+$0xFFFFFF80];
	v10 =	vshll.u32 v5, $0x10;
	v5 =	vadd.s32 v7, v8  }
0x88: {  	v23 =	vld [tilespmem:s10+$0xFFFFFFA0];
	v9 =	vshll.u32 v5, $0x10;
	v5 =	vadd.s32 v19, v11  }
.Ltmp2:
0x89: {  	v13 =	vld [tilespmem:s10+$0xFFFFFFC0];
	v7 =	vshll.u32 v5, $0x10;
	v5 =	vadd.s32 v21, v12;
	(pc) =	sbr.rel @p0 .LBB2_2-.Ltmp2, $4  }
0x8a: {  	v12 =	vld [tilespmem:s10+$0xFFFFFFE0];
	v8 =	vshll.u32 v5, $0x10;
	v5 =	vadd.s32 v16, v14  }
0x8b: {  	v11 =	vld [tilespmem:s10+$0x0];
	v5 =	vshll.u32 v5, $0x10;
	v6 =	vadd.s32 v6, v15  }
0x8c: {  	v15 =	vadd.s32 v18, v20;
	v14 =	vld [tilespmem:s10+$0x20];
	v6 =	vshll.u32 v6, $0x10  }
0x8d: {  	s12 =	sadd.s32 $0x100, s12;
	v16 =	vor.u32 v15, v22;
	v17 =	vadd.s32 v23, v17;
	v15 =	vld [tilespmem:s10+$0x40]  }
0x8e: {  	[tilespmem:s11+$0xFFFFFFC0] =	vst v16;
	v10 =	vor.u32 v17, v10;
	v4 =	vadd.s32 v13, v4  }
0x8f: {  	[tilespmem:s11+$0xFFFFFFD0] =	vst v10;
	v4 =	vor.u32 v4, v9;
	v3 =	vadd.s32 v12, v3  }
0x90: {  	[tilespmem:s11+$0xFFFFFFE0] =	vst v4;
	v3 =	vor.u32 v3, v7;
	v2 =	vadd.s32 v11, v2  }
0x91: {  	[tilespmem:s11+$0xFFFFFFF0] =	vst v3;
	v2 =	vor.u32 v2, v8;
	v1 =	vadd.s32 v14, v1  }
0x92: {  	[tilespmem:s11+$0x0] =	vst v2;
	v1 =	vor.u32 v1, v5;
	v0 =	vadd.s32 v15, v0  }
0x93: {  	[tilespmem:s11+$0x10] =	vst v1;
	v0 =	vor.u32 v0, v6  }
0x94: {  	[tilespmem:s11+$0x20] =	vst v0  }
0x95: {  	s5 =	rddreg [dreg:$0x13]  }
0x96: {  	[spmem:s5] =	stream.linear.scatter [tilespmem:s29], [sflag:$0x7], $0x380, $0x38;
	[tilespmem:$0x1FB80] =	vst v63  }
0x97: {  	_ =	swait.ge [sflag:s16], $0x700  }
0x98: {  	[sflag:s16] =	ssyncset.done $0x0  }
0x99: {  	[sflag:s16] =	ssyncadd.s32 $0xFFFFF900  }
0x9a: {  	_ =	swait.ge [sflag:s17], $0x700  }
0x9b: {  	[sflag:s17] =	ssyncset.done $0x0  }
0x9c: {  	s11 =	rddreg [dreg:$0x8];
	[sflag:s17] =	ssyncadd.s32 $0xFFFFF900  }
0x9d: {  	[tilespmem:s6], [sflag:$0x1] =	stream.strided.gather [hbm4b:s11+s13], $0x700, s18, s13, $0x38;
	[tilespmem:$0x1FB80] =	vst v63  }
0x9e: {  	s31 =	simm.s32 $0x1CE80;
	s12 =	rddreg [dreg:$0x9]  }
0x9f: {  	[tilespmem:s7], [sflag:$0x2] =	stream.strided.gather [hbm4b:s12+s13], $0x700, s18, s13, $0x38;
	[tilespmem:$0x1FB80] =	vst v63  }
0xa0: {  	v0 =	vld [tilespmem:s31+$0x70]  }
0xa1: {  	s10 =	simm.s32 $0x1D580;
	v1 =	vld [tilespmem:s31+$0x60]  }
0xa2: {  	v2 =	vld [tilespmem:s10+$0x70]  }
0xa3: {  	v3 =	vld [tilespmem:s10+$0x60]  }
0xa4: {  	v4 =	vld [tilespmem:s31+$0xFFFFFF90]  }
0xa5: {  	v5 =	vld [tilespmem:s31+$0xFFFFFFB0]  }
0xa6: {  	v6 =	vld [tilespmem:s31+$0xFFFFFFD0]  }
0xa7: {  	v7 =	vld [tilespmem:s31+$0xFFFFFFF0]  }
0xa8: {  	v8 =	vld [tilespmem:s31+$0x10]  }
0xa9: {  	v9 =	vld [tilespmem:s31+$0x30]  }
0xaa: {  	v10 =	vld [tilespmem:s31+$0x50]  }
0xab: {  	v11 =	vld [tilespmem:s31+$0xFFFFFFA0]  }
0xac: {  	v12 =	vld [tilespmem:s31+$0xFFFFFFC0]  }
0xad: {  	v13 =	vld [tilespmem:s31+$0xFFFFFFE0]  }
0xae: {  	v14 =	vld [tilespmem:s31+$0x0]  }
0xaf: {  	v15 =	vld [tilespmem:s31+$0x20]  }
0xb0: {  	v16 =	vld [tilespmem:s31+$0x40]  }
0xb1: {  	v17 =	vld [tilespmem:s31+$0xFFFFFF80]  }
0xb2: {  	v18 =	vld [tilespmem:s10+$0xFFFFFF90];
	v0 =	vmul.u32 $0xE0, v0  }
0xb3: {  	v19 =	vld [tilespmem:s10+$0xFFFFFFD0]  }
0xb4: {  	v1 =	vmul.u32 $0xE0, v1;
	v8 =	vmul.u32 $0xE0, v8;
	v0 =	vadd.s32 v2, v0;
	v2 =	vld [tilespmem:s10+$0xFFFFFFB0]  }
0xb5: {  	v21 =	vld [tilespmem:s10+$0x30];
	v9 =	vmul.u32 $0xE0, v9;
	v22 =	vmul.u32 $0xE0, v10;
	v23 =	vmul.u32 $0xE0, v11  }
0xb6: {  	v11 =	vld [tilespmem:s10+$0x50];
	v1 =	vadd.s32 v3, v1;
	v3 =	vmul.u32 $0xE0, v4;
	v0 =	vshll.u32 v0, $0x10  }
0xb7: {  	v20 =	vor.u32 v1, v0;
	v0 =	vld [tilespmem:s10+$0xFFFFFFF0];
	v1 =	vmul.u32 $0xE0, v5;
	v5 =	vmul.u32 $0xE0, v6  }
0xb8: {  	v4 =	vmul.u32 $0xE0, v12;
	v6 =	vmul.u32 $0xE0, v7;
	v7 =	vld [tilespmem:s10+$0x10];
	v18 =	vadd.s32 v18, v3  }
0xb9: {  	v3 =	vmul.u32 $0xE0, v13;
	v5 =	vadd.s32 v19, v5;
	v19 =	vld [tilespmem:s10+$0xFFFFFF80];
	v10 =	vadd.s32 v2, v1  }
0xba: {  	v2 =	vmul.u32 $0xE0, v14;
	v1 =	vmul.u32 $0xE0, v15;
	v15 =	vld [tilespmem:s10+$0xFFFFFFA0];
	v14 =	vmul.u32 $0xE0, v17  }
0xbb: {  	v13 =	vld [tilespmem:s10+$0xFFFFFFC0];
	v17 =	vadd.s32 v21, v9;
	v9 =	vshll.u32 v5, $0x10;
	v10 =	vshll.u32 v10, $0x10  }
0xbc: {  	v12 =	vld [tilespmem:s10+$0xFFFFFFE0];
	v5 =	vshll.u32 v17, $0x10;
	v6 =	vadd.s32 v0, v6;
	v0 =	vmul.u32 $0xE0, v16  }
0xbd: {  	v8 =	vadd.s32 v7, v8;
	v7 =	vshll.u32 v6, $0x10;
	v6 =	vadd.s32 v11, v22;
	v11 =	vld [tilespmem:s10+$0x0]  }
0xbe: {  	s11 =	simm.s32 $0x1DFC0;
	v16 =	vshll.u32 v18, $0x10;
	v8 =	vshll.u32 v8, $0x10;
	v17 =	vadd.s32 v19, v14;
	v14 =	vld [tilespmem:s10+$0x20]  }
0xbf: {  	s5 =	simm.s32 $0x0;
	s12 =	simm.s32 $0x1CF80;
	[tilespmem:s11+$0x30] =	vst v20;
	v6 =	vshll.u32 v6, $0x10;
	v16 =	vor.u32 v17, v16;
	v17 =	vadd.s32 v15, v23;
	v15 =	vld [tilespmem:s10+$0x40]  }
.LBB2_4:
0xc0: {  	v18 =	vld [tilespmem:s12+$0x70];
	s5 =	sadd.s32 $0x80, s5;
	[tilespmem:s11+$0xFFFFFFC0] =	vst v16;
	v10 =	vor.u32 v17, v10;
	v4 =	vadd.s32 v13, v4  }
0xc1: {  	s10 =	sadd.s32 $0x100, s10;
	v13 =	vld [tilespmem:s12+$0x60];
	p0 =	slt.u32 s5, $0x300;
	[tilespmem:s11+$0xFFFFFFD0] =	vst v10;
	v4 =	vor.u32 v4, v9;
	v3 =	vadd.s32 v12, v3  }
0xc2: {  	v9 =	vld [tilespmem:s10+$0x70];
	[tilespmem:s11+$0xFFFFFFE0] =	vst v4;
	v3 =	vor.u32 v3, v7;
	v2 =	vadd.s32 v11, v2  }
0xc3: {  	v4 =	vld [tilespmem:s10+$0x60];
	[tilespmem:s11+$0xFFFFFFF0] =	vst v3;
	v2 =	vor.u32 v2, v8;
	v1 =	vadd.s32 v14, v1  }
0xc4: {  	v3 =	vld [tilespmem:s12+$0xFFFFFF90];
	[tilespmem:s11+$0x0] =	vst v2;
	v1 =	vor.u32 v1, v5;
	v0 =	vadd.s32 v15, v0  }
0xc5: {  	v2 =	vld [tilespmem:s12+$0xFFFFFFB0];
	v5 =	vmul.u32 $0xE0, v18;
	[tilespmem:s11+$0x10] =	vst v1;
	v0 =	vor.u32 v0, v6  }
0xc6: {  	v1 =	vld [tilespmem:s12+$0xFFFFFFD0];
	v6 =	vmul.u32 $0xE0, v13;
	[tilespmem:s11+$0x20] =	vst v0  }
0xc7: {  	v0 =	vld [tilespmem:s12+$0xFFFFFFF0];
	v5 =	vadd.s32 v9, v5  }
0xc8: {  	v7 =	vld [tilespmem:s12+$0x10];
	v4 =	vadd.s32 v4, v6;
	v5 =	vshll.u32 v5, $0x10  }
0xc9: {  	s11 =	sadd.s32 $0x80, s11;
	v6 =	vmul.u32 $0xE0, v3;
	v3 =	vld [tilespmem:s12+$0x30];
	v4 =	vor.u32 v4, v5  }
0xca: {  	v5 =	vmul.u32 $0xE0, v2;
	v2 =	vld [tilespmem:s12+$0x50];
	[tilespmem:s11+$0x30] =	vst v4  }
0xcb: {  	v4 =	vld [tilespmem:s12+$0xFFFFFFA0];
	v8 =	vmul.u32 $0xE0, v1  }
0xcc: {  	v1 =	vld [tilespmem:s12+$0xFFFFFFC0];
	v11 =	vmul.u32 $0xE0, v0  }
0xcd: {  	v0 =	vld [tilespmem:s12+$0xFFFFFFE0];
	v12 =	vmul.u32 $0xE0, v7  }
0xce: {  	v7 =	vld [tilespmem:s12+$0x0];
	v14 =	vmul.u32 $0xE0, v3  }
0xcf: {  	v9 =	vld [tilespmem:s12+$0x20];
	v15 =	vmul.u32 $0xE0, v2  }
0xd0: {  	v17 =	vmul.u32 $0xE0, v4;
	v10 =	vld [tilespmem:s12+$0x40]  }
0xd1: {  	v13 =	vld [tilespmem:s12+$0xFFFFFF80];
	v4 =	vmul.u32 $0xE0, v1  }
0xd2: {  	v16 =	vld [tilespmem:s10+$0xFFFFFF90];
	v3 =	vmul.u32 $0xE0, v0  }
0xd3: {  	v18 =	vld [tilespmem:s10+$0xFFFFFFB0];
	v2 =	vmul.u32 $0xE0, v7  }
0xd4: {  	v7 =	vld [tilespmem:s10+$0xFFFFFFD0];
	v1 =	vmul.u32 $0xE0, v9  }
0xd5: {  	v19 =	vld [tilespmem:s10+$0xFFFFFFF0];
	v0 =	vmul.u32 $0xE0, v10  }
0xd6: {  	v20 =	vmul.u32 $0xE0, v13;
	v21 =	vld [tilespmem:s10+$0x10]  }
0xd7: {  	v6 =	vadd.s32 v16, v6;
	v16 =	vld [tilespmem:s10+$0x30]  }
0xd8: {  	v22 =	vshll.u32 v6, $0x10;
	v5 =	vadd.s32 v18, v5;
	v6 =	vld [tilespmem:s10+$0x50]  }
0xd9: {  	v18 =	vld [tilespmem:s10+$0xFFFFFF80];
	v10 =	vshll.u32 v5, $0x10;
	v5 =	vadd.s32 v7, v8  }
0xda: {  	v23 =	vld [tilespmem:s10+$0xFFFFFFA0];
	v9 =	vshll.u32 v5, $0x10;
	v5 =	vadd.s32 v19, v11  }
.Ltmp3:
0xdb: {  	v13 =	vld [tilespmem:s10+$0xFFFFFFC0];
	v7 =	vshll.u32 v5, $0x10;
	v5 =	vadd.s32 v21, v12;
	(pc) =	sbr.rel @p0 .LBB2_4-.Ltmp3, $4  }
0xdc: {  	v12 =	vld [tilespmem:s10+$0xFFFFFFE0];
	v8 =	vshll.u32 v5, $0x10;
	v5 =	vadd.s32 v16, v14  }
0xdd: {  	v11 =	vld [tilespmem:s10+$0x0];
	v5 =	vshll.u32 v5, $0x10;
	v6 =	vadd.s32 v6, v15  }
0xde: {  	v15 =	vadd.s32 v18, v20;
	v14 =	vld [tilespmem:s10+$0x20];
	v6 =	vshll.u32 v6, $0x10  }
0xdf: {  	s12 =	sadd.s32 $0x100, s12;
	v16 =	vor.u32 v15, v22;
	v17 =	vadd.s32 v23, v17;
	v15 =	vld [tilespmem:s10+$0x40]  }
0xe0: {  	[tilespmem:s11+$0xFFFFFFC0] =	vst v16;
	v10 =	vor.u32 v17, v10;
	v4 =	vadd.s32 v13, v4  }
0xe1: {  	[tilespmem:s11+$0xFFFFFFD0] =	vst v10;
	v4 =	vor.u32 v4, v9;
	v3 =	vadd.s32 v12, v3  }
0xe2: {  	[tilespmem:s11+$0xFFFFFFE0] =	vst v4;
	v3 =	vor.u32 v3, v7;
	v2 =	vadd.s32 v11, v2  }
0xe3: {  	[tilespmem:s11+$0xFFFFFFF0] =	vst v3;
	v2 =	vor.u32 v2, v8;
	v1 =	vadd.s32 v14, v1  }
0xe4: {  	[tilespmem:s11+$0x0] =	vst v2;
	v1 =	vor.u32 v1, v5;
	v0 =	vadd.s32 v15, v0  }
0xe5: {  	[tilespmem:s11+$0x10] =	vst v1;
	v0 =	vor.u32 v0, v6  }
0xe6: {  	[tilespmem:s11+$0x20] =	vst v0  }
0xe7: {  	s5 =	rddreg [dreg:$0x14]  }
0xe8: {  	[spmem:s5] =	stream.linear.scatter [tilespmem:s30], [sflag:$0x7], $0x380, $0x38;
	[tilespmem:$0x1FB80] =	vst v63  }
0xe9: {  	_ =	swait.ge [sflag:s8], $0x700  }
0xea: {  	[sflag:s8] =	ssyncset.done $0x0  }
0xeb: {  	[sflag:s8] =	ssyncadd.s32 $0xFFFFF900  }
0xec: {  	_ =	swait.ge [sflag:s9], $0x700  }
0xed: {  	[sflag:s9] =	ssyncset.done $0x0  }
0xee: {  	s11 =	rddreg [dreg:$0xa];
	[sflag:s9] =	ssyncadd.s32 $0xFFFFF900  }
0xef: {  	[tilespmem:s21], [sflag:$0x3] =	stream.strided.gather [hbm4b:s11+s13], $0x700, s18, s13, $0x38;
	[tilespmem:$0x1FB80] =	vst v63  }
0xf0: {  	s12 =	rddreg [dreg:$0xb]  }
0xf1: {  	[tilespmem:s28], [sflag:$0x4] =	stream.strided.gather [hbm4b:s12+s13], $0x700, s18, s13, $0x38;
	[tilespmem:$0x1FB80] =	vst v63  }
0xf2: {  	_ =	swait.ge [sflag:s19], $0x380  }
0xf3: {  	[sflag:s19] =	ssyncset.done $0x0  }
0xf4: {  	s31 =	simm.s32 $0x18880;
	[sflag:s19] =	ssyncadd.s32 $0xFFFFFC80  }
0xf5: {  	v0 =	vld [tilespmem:s31+$0x70]  }
0xf6: {  	s10 =	simm.s32 $0x18F80;
	v1 =	vld [tilespmem:s31+$0x60]  }
0xf7: {  	v2 =	vld [tilespmem:s10+$0x70]  }
0xf8: {  	v3 =	vld [tilespmem:s10+$0x60]  }
0xf9: {  	v4 =	vld [tilespmem:s31+$0xFFFFFF90]  }
0xfa: {  	v5 =	vld [tilespmem:s31+$0xFFFFFFB0]  }
0xfb: {  	v6 =	vld [tilespmem:s31+$0xFFFFFFD0]  }
0xfc: {  	v7 =	vld [tilespmem:s31+$0xFFFFFFF0]  }
0xfd: {  	v8 =	vld [tilespmem:s31+$0x10]  }
0xfe: {  	v9 =	vld [tilespmem:s31+$0x30]  }
0xff: {  	v10 =	vld [tilespmem:s31+$0x50]  }
0x100: {  	v11 =	vld [tilespmem:s31+$0xFFFFFFA0]  }
0x101: {  	v12 =	vld [tilespmem:s31+$0xFFFFFFC0]  }
0x102: {  	v13 =	vld [tilespmem:s31+$0xFFFFFFE0]  }
0x103: {  	v14 =	vld [tilespmem:s31+$0x0]  }
0x104: {  	v15 =	vld [tilespmem:s31+$0x20]  }
0x105: {  	v16 =	vld [tilespmem:s31+$0x40]  }
0x106: {  	v17 =	vld [tilespmem:s31+$0xFFFFFF80]  }
0x107: {  	v18 =	vld [tilespmem:s10+$0xFFFFFF90];
	v0 =	vmul.u32 $0xE0, v0  }
0x108: {  	v19 =	vld [tilespmem:s10+$0xFFFFFFD0]  }
0x109: {  	v1 =	vmul.u32 $0xE0, v1;
	v8 =	vmul.u32 $0xE0, v8;
	v0 =	vadd.s32 v2, v0;
	v2 =	vld [tilespmem:s10+$0xFFFFFFB0]  }
0x10a: {  	v21 =	vld [tilespmem:s10+$0x30];
	v9 =	vmul.u32 $0xE0, v9;
	v22 =	vmul.u32 $0xE0, v10;
	v23 =	vmul.u32 $0xE0, v11  }
0x10b: {  	v11 =	vld [tilespmem:s10+$0x50];
	v1 =	vadd.s32 v3, v1;
	v3 =	vmul.u32 $0xE0, v4;
	v0 =	vshll.u32 v0, $0x10  }
0x10c: {  	v20 =	vor.u32 v1, v0;
	v0 =	vld [tilespmem:s10+$0xFFFFFFF0];
	v1 =	vmul.u32 $0xE0, v5;
	v5 =	vmul.u32 $0xE0, v6  }
0x10d: {  	v4 =	vmul.u32 $0xE0, v12;
	v6 =	vmul.u32 $0xE0, v7;
	v7 =	vld [tilespmem:s10+$0x10];
	v18 =	vadd.s32 v18, v3  }
0x10e: {  	v3 =	vmul.u32 $0xE0, v13;
	v5 =	vadd.s32 v19, v5;
	v19 =	vld [tilespmem:s10+$0xFFFFFF80];
	v10 =	vadd.s32 v2, v1  }
0x10f: {  	v2 =	vmul.u32 $0xE0, v14;
	v1 =	vmul.u32 $0xE0, v15;
	v15 =	vld [tilespmem:s10+$0xFFFFFFA0];
	v14 =	vmul.u32 $0xE0, v17  }
0x110: {  	v13 =	vld [tilespmem:s10+$0xFFFFFFC0];
	v17 =	vadd.s32 v21, v9;
	v9 =	vshll.u32 v5, $0x10;
	v10 =	vshll.u32 v10, $0x10  }
0x111: {  	v12 =	vld [tilespmem:s10+$0xFFFFFFE0];
	v5 =	vshll.u32 v17, $0x10;
	v6 =	vadd.s32 v0, v6;
	v0 =	vmul.u32 $0xE0, v16  }
0x112: {  	v8 =	vadd.s32 v7, v8;
	v7 =	vshll.u32 v6, $0x10;
	v6 =	vadd.s32 v11, v22;
	v11 =	vld [tilespmem:s10+$0x0]  }
0x113: {  	s11 =	simm.s32 $0x1DC40;
	v16 =	vshll.u32 v18, $0x10;
	v8 =	vshll.u32 v8, $0x10;
	v17 =	vadd.s32 v19, v14;
	v14 =	vld [tilespmem:s10+$0x20]  }
0x114: {  	s5 =	simm.s32 $0x0;
	s12 =	simm.s32 $0x18980;
	[tilespmem:s11+$0x30] =	vst v20;
	v6 =	vshll.u32 v6, $0x10;
	v16 =	vor.u32 v17, v16;
	v17 =	vadd.s32 v15, v23;
	v15 =	vld [tilespmem:s10+$0x40]  }
.LBB2_6:
0x115: {  	v18 =	vld [tilespmem:s12+$0x70];
	s5 =	sadd.s32 $0x80, s5;
	[tilespmem:s11+$0xFFFFFFC0] =	vst v16;
	v10 =	vor.u32 v17, v10;
	v4 =	vadd.s32 v13, v4  }
0x116: {  	s10 =	sadd.s32 $0x100, s10;
	v13 =	vld [tilespmem:s12+$0x60];
	p0 =	slt.u32 s5, $0x300;
	[tilespmem:s11+$0xFFFFFFD0] =	vst v10;
	v4 =	vor.u32 v4, v9;
	v3 =	vadd.s32 v12, v3  }
0x117: {  	v9 =	vld [tilespmem:s10+$0x70];
	[tilespmem:s11+$0xFFFFFFE0] =	vst v4;
	v3 =	vor.u32 v3, v7;
	v2 =	vadd.s32 v11, v2  }
0x118: {  	v4 =	vld [tilespmem:s10+$0x60];
	[tilespmem:s11+$0xFFFFFFF0] =	vst v3;
	v2 =	vor.u32 v2, v8;
	v1 =	vadd.s32 v14, v1  }
0x119: {  	v3 =	vld [tilespmem:s12+$0xFFFFFF90];
	[tilespmem:s11+$0x0] =	vst v2;
	v1 =	vor.u32 v1, v5;
	v0 =	vadd.s32 v15, v0  }
0x11a: {  	v2 =	vld [tilespmem:s12+$0xFFFFFFB0];
	v5 =	vmul.u32 $0xE0, v18;
	[tilespmem:s11+$0x10] =	vst v1;
	v0 =	vor.u32 v0, v6  }
0x11b: {  	v1 =	vld [tilespmem:s12+$0xFFFFFFD0];
	v6 =	vmul.u32 $0xE0, v13;
	[tilespmem:s11+$0x20] =	vst v0  }
0x11c: {  	v0 =	vld [tilespmem:s12+$0xFFFFFFF0];
	v5 =	vadd.s32 v9, v5  }
0x11d: {  	v7 =	vld [tilespmem:s12+$0x10];
	v4 =	vadd.s32 v4, v6;
	v5 =	vshll.u32 v5, $0x10  }
0x11e: {  	s11 =	sadd.s32 $0x80, s11;
	v6 =	vmul.u32 $0xE0, v3;
	v3 =	vld [tilespmem:s12+$0x30];
	v4 =	vor.u32 v4, v5  }
0x11f: {  	v5 =	vmul.u32 $0xE0, v2;
	v2 =	vld [tilespmem:s12+$0x50];
	[tilespmem:s11+$0x30] =	vst v4  }
0x120: {  	v4 =	vld [tilespmem:s12+$0xFFFFFFA0];
	v8 =	vmul.u32 $0xE0, v1  }
0x121: {  	v1 =	vld [tilespmem:s12+$0xFFFFFFC0];
	v11 =	vmul.u32 $0xE0, v0  }
0x122: {  	v0 =	vld [tilespmem:s12+$0xFFFFFFE0];
	v12 =	vmul.u32 $0xE0, v7  }
0x123: {  	v7 =	vld [tilespmem:s12+$0x0];
	v14 =	vmul.u32 $0xE0, v3  }
0x124: {  	v9 =	vld [tilespmem:s12+$0x20];
	v15 =	vmul.u32 $0xE0, v2  }
0x125: {  	v17 =	vmul.u32 $0xE0, v4;
	v10 =	vld [tilespmem:s12+$0x40]  }
0x126: {  	v13 =	vld [tilespmem:s12+$0xFFFFFF80];
	v4 =	vmul.u32 $0xE0, v1  }
0x127: {  	v16 =	vld [tilespmem:s10+$0xFFFFFF90];
	v3 =	vmul.u32 $0xE0, v0  }
0x128: {  	v18 =	vld [tilespmem:s10+$0xFFFFFFB0];
	v2 =	vmul.u32 $0xE0, v7  }
0x129: {  	v7 =	vld [tilespmem:s10+$0xFFFFFFD0];
	v1 =	vmul.u32 $0xE0, v9  }
0x12a: {  	v19 =	vld [tilespmem:s10+$0xFFFFFFF0];
	v0 =	vmul.u32 $0xE0, v10  }
0x12b: {  	v20 =	vmul.u32 $0xE0, v13;
	v21 =	vld [tilespmem:s10+$0x10]  }
0x12c: {  	v6 =	vadd.s32 v16, v6;
	v16 =	vld [tilespmem:s10+$0x30]  }
0x12d: {  	v22 =	vshll.u32 v6, $0x10;
	v5 =	vadd.s32 v18, v5;
	v6 =	vld [tilespmem:s10+$0x50]  }
0x12e: {  	v18 =	vld [tilespmem:s10+$0xFFFFFF80];
	v10 =	vshll.u32 v5, $0x10;
	v5 =	vadd.s32 v7, v8  }
0x12f: {  	v23 =	vld [tilespmem:s10+$0xFFFFFFA0];
	v9 =	vshll.u32 v5, $0x10;
	v5 =	vadd.s32 v19, v11  }
.Ltmp4:
0x130: {  	v13 =	vld [tilespmem:s10+$0xFFFFFFC0];
	v7 =	vshll.u32 v5, $0x10;
	v5 =	vadd.s32 v21, v12;
	(pc) =	sbr.rel @p0 .LBB2_6-.Ltmp4, $4  }
0x131: {  	v12 =	vld [tilespmem:s10+$0xFFFFFFE0];
	v8 =	vshll.u32 v5, $0x10;
	v5 =	vadd.s32 v16, v14  }
0x132: {  	v11 =	vld [tilespmem:s10+$0x0];
	v5 =	vshll.u32 v5, $0x10;
	v6 =	vadd.s32 v6, v15  }
0x133: {  	v15 =	vadd.s32 v18, v20;
	v14 =	vld [tilespmem:s10+$0x20];
	v6 =	vshll.u32 v6, $0x10  }
0x134: {  	s12 =	sadd.s32 $0x100, s12;
	v16 =	vor.u32 v15, v22;
	v17 =	vadd.s32 v23, v17;
	v15 =	vld [tilespmem:s10+$0x40]  }
0x135: {  	[tilespmem:s11+$0xFFFFFFC0] =	vst v16;
	v10 =	vor.u32 v17, v10;
	v4 =	vadd.s32 v13, v4  }
0x136: {  	[tilespmem:s11+$0xFFFFFFD0] =	vst v10;
	v4 =	vor.u32 v4, v9;
	v3 =	vadd.s32 v12, v3  }
0x137: {  	[tilespmem:s11+$0xFFFFFFE0] =	vst v4;
	v3 =	vor.u32 v3, v7;
	v2 =	vadd.s32 v11, v2  }
0x138: {  	[tilespmem:s11+$0xFFFFFFF0] =	vst v3;
	v2 =	vor.u32 v2, v8;
	v1 =	vadd.s32 v14, v1  }
0x139: {  	[tilespmem:s11+$0x0] =	vst v2;
	v1 =	vor.u32 v1, v5;
	v0 =	vadd.s32 v15, v0  }
0x13a: {  	[tilespmem:s11+$0x10] =	vst v1;
	v0 =	vor.u32 v0, v6  }
0x13b: {  	[tilespmem:s11+$0x20] =	vst v0  }
0x13c: {  	s5 =	rddreg [dreg:$0x15]  }
0x13d: {  	[spmem:s5] =	stream.linear.scatter [tilespmem:s29], [sflag:$0x7], $0x380, $0x38;
	[tilespmem:$0x1FB80] =	vst v63  }
0x13e: {  	_ =	swait.ge [sflag:s16], $0x700  }
0x13f: {  	[sflag:s16] =	ssyncset.done $0x0  }
0x140: {  	[sflag:s16] =	ssyncadd.s32 $0xFFFFF900  }
0x141: {  	_ =	swait.ge [sflag:s17], $0x700  }
0x142: {  	[sflag:s17] =	ssyncset.done $0x0  }
0x143: {  	s11 =	rddreg [dreg:$0xc];
	[sflag:s17] =	ssyncadd.s32 $0xFFFFF900  }
0x144: {  	[tilespmem:s6], [sflag:$0x1] =	stream.strided.gather [hbm4b:s11+s13], $0x700, s18, s13, $0x38;
	[tilespmem:$0x1FB80] =	vst v63  }
0x145: {  	s12 =	rddreg [dreg:$0xd]  }
0x146: {  	[tilespmem:s7], [sflag:$0x2] =	stream.strided.gather [hbm4b:s12+s13], $0x700, s18, s13, $0x38;
	[tilespmem:$0x1FB80] =	vst v63  }
0x147: {  	_ =	swait.ge [sflag:s19], $0x380  }
0x148: {  	[sflag:s19] =	ssyncset.done $0x0  }
0x149: {  	s31 =	simm.s32 $0x1CE80;
	[sflag:s19] =	ssyncadd.s32 $0xFFFFFC80  }
0x14a: {  	v0 =	vld [tilespmem:s31+$0x70]  }
0x14b: {  	s10 =	simm.s32 $0x1D580;
	v1 =	vld [tilespmem:s31+$0x60]  }
0x14c: {  	v2 =	vld [tilespmem:s10+$0x70]  }
0x14d: {  	v3 =	vld [tilespmem:s10+$0x60]  }
0x14e: {  	v4 =	vld [tilespmem:s31+$0xFFFFFF90]  }
0x14f: {  	v5 =	vld [tilespmem:s31+$0xFFFFFFB0]  }
0x150: {  	v6 =	vld [tilespmem:s31+$0xFFFFFFD0]  }
0x151: {  	v7 =	vld [tilespmem:s31+$0xFFFFFFF0]  }
0x152: {  	v8 =	vld [tilespmem:s31+$0x10]  }
0x153: {  	v9 =	vld [tilespmem:s31+$0x30]  }
0x154: {  	v10 =	vld [tilespmem:s31+$0x50]  }
0x155: {  	v11 =	vld [tilespmem:s31+$0xFFFFFFA0]  }
0x156: {  	v12 =	vld [tilespmem:s31+$0xFFFFFFC0]  }
0x157: {  	v13 =	vld [tilespmem:s31+$0xFFFFFFE0]  }
0x158: {  	v14 =	vld [tilespmem:s31+$0x0]  }
0x159: {  	v15 =	vld [tilespmem:s31+$0x20]  }
0x15a: {  	v16 =	vld [tilespmem:s31+$0x40]  }
0x15b: {  	v17 =	vld [tilespmem:s31+$0xFFFFFF80]  }
0x15c: {  	v18 =	vld [tilespmem:s10+$0xFFFFFF90];
	v0 =	vmul.u32 $0xE0, v0  }
0x15d: {  	v19 =	vld [tilespmem:s10+$0xFFFFFFD0]  }
0x15e: {  	v1 =	vmul.u32 $0xE0, v1;
	v8 =	vmul.u32 $0xE0, v8;
	v0 =	vadd.s32 v2, v0;
	v2 =	vld [tilespmem:s10+$0xFFFFFFB0]  }
0x15f: {  	v21 =	vld [tilespmem:s10+$0x30];
	v9 =	vmul.u32 $0xE0, v9;
	v22 =	vmul.u32 $0xE0, v10;
	v23 =	vmul.u32 $0xE0, v11  }
0x160: {  	v11 =	vld [tilespmem:s10+$0x50];
	v1 =	vadd.s32 v3, v1;
	v3 =	vmul.u32 $0xE0, v4;
	v0 =	vshll.u32 v0, $0x10  }
0x161: {  	v20 =	vor.u32 v1, v0;
	v0 =	vld [tilespmem:s10+$0xFFFFFFF0];
	v1 =	vmul.u32 $0xE0, v5;
	v5 =	vmul.u32 $0xE0, v6  }
0x162: {  	v4 =	vmul.u32 $0xE0, v12;
	v6 =	vmul.u32 $0xE0, v7;
	v7 =	vld [tilespmem:s10+$0x10];
	v18 =	vadd.s32 v18, v3  }
0x163: {  	v3 =	vmul.u32 $0xE0, v13;
	v5 =	vadd.s32 v19, v5;
	v19 =	vld [tilespmem:s10+$0xFFFFFF80];
	v10 =	vadd.s32 v2, v1  }
0x164: {  	v2 =	vmul.u32 $0xE0, v14;
	v1 =	vmul.u32 $0xE0, v15;
	v15 =	vld [tilespmem:s10+$0xFFFFFFA0];
	v14 =	vmul.u32 $0xE0, v17  }
0x165: {  	v13 =	vld [tilespmem:s10+$0xFFFFFFC0];
	v17 =	vadd.s32 v21, v9;
	v9 =	vshll.u32 v5, $0x10;
	v10 =	vshll.u32 v10, $0x10  }
0x166: {  	v12 =	vld [tilespmem:s10+$0xFFFFFFE0];
	v5 =	vshll.u32 v17, $0x10;
	v6 =	vadd.s32 v0, v6;
	v0 =	vmul.u32 $0xE0, v16  }
0x167: {  	v8 =	vadd.s32 v7, v8;
	v7 =	vshll.u32 v6, $0x10;
	v6 =	vadd.s32 v11, v22;
	v11 =	vld [tilespmem:s10+$0x0]  }
0x168: {  	s11 =	simm.s32 $0x1DFC0;
	v16 =	vshll.u32 v18, $0x10;
	v8 =	vshll.u32 v8, $0x10;
	v17 =	vadd.s32 v19, v14;
	v14 =	vld [tilespmem:s10+$0x20]  }
0x169: {  	s5 =	simm.s32 $0x0;
	s12 =	simm.s32 $0x1CF80;
	[tilespmem:s11+$0x30] =	vst v20;
	v6 =	vshll.u32 v6, $0x10;
	v16 =	vor.u32 v17, v16;
	v17 =	vadd.s32 v15, v23;
	v15 =	vld [tilespmem:s10+$0x40]  }
.LBB2_8:
0x16a: {  	v18 =	vld [tilespmem:s12+$0x70];
	s5 =	sadd.s32 $0x80, s5;
	[tilespmem:s11+$0xFFFFFFC0] =	vst v16;
	v10 =	vor.u32 v17, v10;
	v4 =	vadd.s32 v13, v4  }
0x16b: {  	s10 =	sadd.s32 $0x100, s10;
	v13 =	vld [tilespmem:s12+$0x60];
	p0 =	slt.u32 s5, $0x300;
	[tilespmem:s11+$0xFFFFFFD0] =	vst v10;
	v4 =	vor.u32 v4, v9;
	v3 =	vadd.s32 v12, v3  }
0x16c: {  	v9 =	vld [tilespmem:s10+$0x70];
	[tilespmem:s11+$0xFFFFFFE0] =	vst v4;
	v3 =	vor.u32 v3, v7;
	v2 =	vadd.s32 v11, v2  }
0x16d: {  	v4 =	vld [tilespmem:s10+$0x60];
	[tilespmem:s11+$0xFFFFFFF0] =	vst v3;
	v2 =	vor.u32 v2, v8;
	v1 =	vadd.s32 v14, v1  }
0x16e: {  	v3 =	vld [tilespmem:s12+$0xFFFFFF90];
	[tilespmem:s11+$0x0] =	vst v2;
	v1 =	vor.u32 v1, v5;
	v0 =	vadd.s32 v15, v0  }
0x16f: {  	v2 =	vld [tilespmem:s12+$0xFFFFFFB0];
	v5 =	vmul.u32 $0xE0, v18;
	[tilespmem:s11+$0x10] =	vst v1;
	v0 =	vor.u32 v0, v6  }
0x170: {  	v1 =	vld [tilespmem:s12+$0xFFFFFFD0];
	v6 =	vmul.u32 $0xE0, v13;
	[tilespmem:s11+$0x20] =	vst v0  }
0x171: {  	v0 =	vld [tilespmem:s12+$0xFFFFFFF0];
	v5 =	vadd.s32 v9, v5  }
0x172: {  	v7 =	vld [tilespmem:s12+$0x10];
	v4 =	vadd.s32 v4, v6;
	v5 =	vshll.u32 v5, $0x10  }
0x173: {  	s11 =	sadd.s32 $0x80, s11;
	v6 =	vmul.u32 $0xE0, v3;
	v3 =	vld [tilespmem:s12+$0x30];
	v4 =	vor.u32 v4, v5  }
0x174: {  	v5 =	vmul.u32 $0xE0, v2;
	v2 =	vld [tilespmem:s12+$0x50];
	[tilespmem:s11+$0x30] =	vst v4  }
0x175: {  	v4 =	vld [tilespmem:s12+$0xFFFFFFA0];
	v8 =	vmul.u32 $0xE0, v1  }
0x176: {  	v1 =	vld [tilespmem:s12+$0xFFFFFFC0];
	v11 =	vmul.u32 $0xE0, v0  }
0x177: {  	v0 =	vld [tilespmem:s12+$0xFFFFFFE0];
	v12 =	vmul.u32 $0xE0, v7  }
0x178: {  	v7 =	vld [tilespmem:s12+$0x0];
	v14 =	vmul.u32 $0xE0, v3  }
0x179: {  	v9 =	vld [tilespmem:s12+$0x20];
	v15 =	vmul.u32 $0xE0, v2  }
0x17a: {  	v17 =	vmul.u32 $0xE0, v4;
	v10 =	vld [tilespmem:s12+$0x40]  }
0x17b: {  	v13 =	vld [tilespmem:s12+$0xFFFFFF80];
	v4 =	vmul.u32 $0xE0, v1  }
0x17c: {  	v16 =	vld [tilespmem:s10+$0xFFFFFF90];
	v3 =	vmul.u32 $0xE0, v0  }
0x17d: {  	v18 =	vld [tilespmem:s10+$0xFFFFFFB0];
	v2 =	vmul.u32 $0xE0, v7  }
0x17e: {  	v7 =	vld [tilespmem:s10+$0xFFFFFFD0];
	v1 =	vmul.u32 $0xE0, v9  }
0x17f: {  	v19 =	vld [tilespmem:s10+$0xFFFFFFF0];
	v0 =	vmul.u32 $0xE0, v10  }
0x180: {  	v20 =	vmul.u32 $0xE0, v13;
	v21 =	vld [tilespmem:s10+$0x10]  }
0x181: {  	v6 =	vadd.s32 v16, v6;
	v16 =	vld [tilespmem:s10+$0x30]  }
0x182: {  	v22 =	vshll.u32 v6, $0x10;
	v5 =	vadd.s32 v18, v5;
	v6 =	vld [tilespmem:s10+$0x50]  }
0x183: {  	v18 =	vld [tilespmem:s10+$0xFFFFFF80];
	v10 =	vshll.u32 v5, $0x10;
	v5 =	vadd.s32 v7, v8  }
0x184: {  	v23 =	vld [tilespmem:s10+$0xFFFFFFA0];
	v9 =	vshll.u32 v5, $0x10;
	v5 =	vadd.s32 v19, v11  }
.Ltmp5:
0x185: {  	v13 =	vld [tilespmem:s10+$0xFFFFFFC0];
	v7 =	vshll.u32 v5, $0x10;
	v5 =	vadd.s32 v21, v12;
	(pc) =	sbr.rel @p0 .LBB2_8-.Ltmp5, $4  }
0x186: {  	v12 =	vld [tilespmem:s10+$0xFFFFFFE0];
	v8 =	vshll.u32 v5, $0x10;
	v5 =	vadd.s32 v16, v14  }
0x187: {  	v11 =	vld [tilespmem:s10+$0x0];
	v5 =	vshll.u32 v5, $0x10;
	v6 =	vadd.s32 v6, v15  }
0x188: {  	v15 =	vadd.s32 v18, v20;
	v14 =	vld [tilespmem:s10+$0x20];
	v6 =	vshll.u32 v6, $0x10  }
0x189: {  	s12 =	sadd.s32 $0x100, s12;
	v16 =	vor.u32 v15, v22;
	v17 =	vadd.s32 v23, v17;
	v15 =	vld [tilespmem:s10+$0x40]  }
0x18a: {  	[tilespmem:s11+$0xFFFFFFC0] =	vst v16;
	v10 =	vor.u32 v17, v10;
	v4 =	vadd.s32 v13, v4  }
0x18b: {  	[tilespmem:s11+$0xFFFFFFD0] =	vst v10;
	v4 =	vor.u32 v4, v9;
	v3 =	vadd.s32 v12, v3  }
0x18c: {  	[tilespmem:s11+$0xFFFFFFE0] =	vst v4;
	v3 =	vor.u32 v3, v7;
	v2 =	vadd.s32 v11, v2  }
0x18d: {  	[tilespmem:s11+$0xFFFFFFF0] =	vst v3;
	v2 =	vor.u32 v2, v8;
	v1 =	vadd.s32 v14, v1  }
0x18e: {  	[tilespmem:s11+$0x0] =	vst v2;
	v1 =	vor.u32 v1, v5;
	v0 =	vadd.s32 v15, v0  }
0x18f: {  	[tilespmem:s11+$0x10] =	vst v1;
	v0 =	vor.u32 v0, v6  }
0x190: {  	[tilespmem:s11+$0x20] =	vst v0  }
0x191: {  	s5 =	rddreg [dreg:$0x16]  }
0x192: {  	[spmem:s5] =	stream.linear.scatter [tilespmem:s30], [sflag:$0x7], $0x380, $0x38;
	[tilespmem:$0x1FB80] =	vst v63  }
0x193: {  	_ =	swait.ge [sflag:s8], $0x700  }
0x194: {  	[sflag:s8] =	ssyncset.done $0x0  }
0x195: {  	[sflag:s8] =	ssyncadd.s32 $0xFFFFF900  }
0x196: {  	_ =	swait.ge [sflag:s9], $0x700  }
0x197: {  	[sflag:s9] =	ssyncset.done $0x0  }
0x198: {  	s12 =	rddreg [dreg:$0xe];
	[sflag:s9] =	ssyncadd.s32 $0xFFFFF900  }
0x199: {  	[tilespmem:s21], [sflag:$0x3] =	stream.strided.gather [hbm4b:s12+s13], $0x700, s18, s13, $0x38;
	[tilespmem:$0x1FB80] =	vst v63  }
0x19a: {  	s21 =	rddreg [dreg:$0xf]  }
0x19b: {  	[tilespmem:s28], [sflag:$0x4] =	stream.strided.gather [hbm4b:s21+s13], $0x700, s18, s13, $0x38;
	[tilespmem:$0x1FB80] =	vst v63  }
0x19c: {  	_ =	swait.ge [sflag:s19], $0x380  }
0x19d: {  	[sflag:s19] =	ssyncset.done $0x0  }
0x19e: {  	s31 =	simm.s32 $0x18880;
	[sflag:s19] =	ssyncadd.s32 $0xFFFFFC80  }
0x19f: {  	v0 =	vld [tilespmem:s31+$0x70]  }
0x1a0: {  	s10 =	simm.s32 $0x18F80;
	v1 =	vld [tilespmem:s31+$0x60]  }
0x1a1: {  	v2 =	vld [tilespmem:s10+$0x70]  }
0x1a2: {  	v3 =	vld [tilespmem:s10+$0x60]  }
0x1a3: {  	v4 =	vld [tilespmem:s31+$0xFFFFFF90]  }
0x1a4: {  	v5 =	vld [tilespmem:s31+$0xFFFFFFB0]  }
0x1a5: {  	v6 =	vld [tilespmem:s31+$0xFFFFFFD0]  }
0x1a6: {  	v7 =	vld [tilespmem:s31+$0xFFFFFFF0]  }
0x1a7: {  	v8 =	vld [tilespmem:s31+$0x10]  }
0x1a8: {  	v9 =	vld [tilespmem:s31+$0x30]  }
0x1a9: {  	v10 =	vld [tilespmem:s31+$0x50]  }
0x1aa: {  	v11 =	vld [tilespmem:s31+$0xFFFFFFA0]  }
0x1ab: {  	v12 =	vld [tilespmem:s31+$0xFFFFFFC0]  }
0x1ac: {  	v13 =	vld [tilespmem:s31+$0xFFFFFFE0]  }
0x1ad: {  	v14 =	vld [tilespmem:s31+$0x0]  }
0x1ae: {  	v15 =	vld [tilespmem:s31+$0x20]  }
0x1af: {  	v16 =	vld [tilespmem:s31+$0x40]  }
0x1b0: {  	v17 =	vld [tilespmem:s31+$0xFFFFFF80]  }
0x1b1: {  	v18 =	vld [tilespmem:s10+$0xFFFFFF90];
	v0 =	vmul.u32 $0xE0, v0  }
0x1b2: {  	v19 =	vld [tilespmem:s10+$0xFFFFFFD0]  }
0x1b3: {  	v1 =	vmul.u32 $0xE0, v1;
	v8 =	vmul.u32 $0xE0, v8;
	v0 =	vadd.s32 v2, v0;
	v2 =	vld [tilespmem:s10+$0xFFFFFFB0]  }
0x1b4: {  	v21 =	vld [tilespmem:s10+$0x30];
	v9 =	vmul.u32 $0xE0, v9;
	v22 =	vmul.u32 $0xE0, v10;
	v23 =	vmul.u32 $0xE0, v11  }
0x1b5: {  	v11 =	vld [tilespmem:s10+$0x50];
	v1 =	vadd.s32 v3, v1;
	v3 =	vmul.u32 $0xE0, v4;
	v0 =	vshll.u32 v0, $0x10  }
0x1b6: {  	v20 =	vor.u32 v1, v0;
	v0 =	vld [tilespmem:s10+$0xFFFFFFF0];
	v1 =	vmul.u32 $0xE0, v5;
	v5 =	vmul.u32 $0xE0, v6  }
0x1b7: {  	v4 =	vmul.u32 $0xE0, v12;
	v6 =	vmul.u32 $0xE0, v7;
	v7 =	vld [tilespmem:s10+$0x10];
	v18 =	vadd.s32 v18, v3  }
0x1b8: {  	v3 =	vmul.u32 $0xE0, v13;
	v5 =	vadd.s32 v19, v5;
	v19 =	vld [tilespmem:s10+$0xFFFFFF80];
	v10 =	vadd.s32 v2, v1  }
0x1b9: {  	v2 =	vmul.u32 $0xE0, v14;
	v1 =	vmul.u32 $0xE0, v15;
	v15 =	vld [tilespmem:s10+$0xFFFFFFA0];
	v14 =	vmul.u32 $0xE0, v17  }
0x1ba: {  	v13 =	vld [tilespmem:s10+$0xFFFFFFC0];
	v17 =	vadd.s32 v21, v9;
	v9 =	vshll.u32 v5, $0x10;
	v10 =	vshll.u32 v10, $0x10  }
0x1bb: {  	v12 =	vld [tilespmem:s10+$0xFFFFFFE0];
	v5 =	vshll.u32 v17, $0x10;
	v6 =	vadd.s32 v0, v6;
	v0 =	vmul.u32 $0xE0, v16  }
0x1bc: {  	v8 =	vadd.s32 v7, v8;
	v7 =	vshll.u32 v6, $0x10;
	v6 =	vadd.s32 v11, v22;
	v11 =	vld [tilespmem:s10+$0x0]  }
0x1bd: {  	s11 =	simm.s32 $0x1DC40;
	v16 =	vshll.u32 v18, $0x10;
	v8 =	vshll.u32 v8, $0x10;
	v17 =	vadd.s32 v19, v14;
	v14 =	vld [tilespmem:s10+$0x20]  }
0x1be: {  	s5 =	simm.s32 $0x0;
	s12 =	simm.s32 $0x18980;
	[tilespmem:s11+$0x30] =	vst v20;
	v6 =	vshll.u32 v6, $0x10;
	v16 =	vor.u32 v17, v16;
	v17 =	vadd.s32 v15, v23;
	v15 =	vld [tilespmem:s10+$0x40]  }
.LBB2_10:
0x1bf: {  	v18 =	vld [tilespmem:s12+$0x70];
	s5 =	sadd.s32 $0x80, s5;
	[tilespmem:s11+$0xFFFFFFC0] =	vst v16;
	v10 =	vor.u32 v17, v10;
	v4 =	vadd.s32 v13, v4  }
0x1c0: {  	s10 =	sadd.s32 $0x100, s10;
	v13 =	vld [tilespmem:s12+$0x60];
	p0 =	slt.u32 s5, $0x300;
	[tilespmem:s11+$0xFFFFFFD0] =	vst v10;
	v4 =	vor.u32 v4, v9;
	v3 =	vadd.s32 v12, v3  }
0x1c1: {  	v9 =	vld [tilespmem:s10+$0x70];
	[tilespmem:s11+$0xFFFFFFE0] =	vst v4;
	v3 =	vor.u32 v3, v7;
	v2 =	vadd.s32 v11, v2  }
0x1c2: {  	v4 =	vld [tilespmem:s10+$0x60];
	[tilespmem:s11+$0xFFFFFFF0] =	vst v3;
	v2 =	vor.u32 v2, v8;
	v1 =	vadd.s32 v14, v1  }
0x1c3: {  	v3 =	vld [tilespmem:s12+$0xFFFFFF90];
	[tilespmem:s11+$0x0] =	vst v2;
	v1 =	vor.u32 v1, v5;
	v0 =	vadd.s32 v15, v0  }
0x1c4: {  	v2 =	vld [tilespmem:s12+$0xFFFFFFB0];
	v5 =	vmul.u32 $0xE0, v18;
	[tilespmem:s11+$0x10] =	vst v1;
	v0 =	vor.u32 v0, v6  }
0x1c5: {  	v1 =	vld [tilespmem:s12+$0xFFFFFFD0];
	v6 =	vmul.u32 $0xE0, v13;
	[tilespmem:s11+$0x20] =	vst v0  }
0x1c6: {  	v0 =	vld [tilespmem:s12+$0xFFFFFFF0];
	v5 =	vadd.s32 v9, v5  }
0x1c7: {  	v7 =	vld [tilespmem:s12+$0x10];
	v4 =	vadd.s32 v4, v6;
	v5 =	vshll.u32 v5, $0x10  }
0x1c8: {  	s11 =	sadd.s32 $0x80, s11;
	v6 =	vmul.u32 $0xE0, v3;
	v3 =	vld [tilespmem:s12+$0x30];
	v4 =	vor.u32 v4, v5  }
0x1c9: {  	v5 =	vmul.u32 $0xE0, v2;
	v2 =	vld [tilespmem:s12+$0x50];
	[tilespmem:s11+$0x30] =	vst v4  }
0x1ca: {  	v4 =	vld [tilespmem:s12+$0xFFFFFFA0];
	v8 =	vmul.u32 $0xE0, v1  }
0x1cb: {  	v1 =	vld [tilespmem:s12+$0xFFFFFFC0];
	v11 =	vmul.u32 $0xE0, v0  }
0x1cc: {  	v0 =	vld [tilespmem:s12+$0xFFFFFFE0];
	v12 =	vmul.u32 $0xE0, v7  }
0x1cd: {  	v7 =	vld [tilespmem:s12+$0x0];
	v14 =	vmul.u32 $0xE0, v3  }
0x1ce: {  	v9 =	vld [tilespmem:s12+$0x20];
	v15 =	vmul.u32 $0xE0, v2  }
0x1cf: {  	v17 =	vmul.u32 $0xE0, v4;
	v10 =	vld [tilespmem:s12+$0x40]  }
0x1d0: {  	v13 =	vld [tilespmem:s12+$0xFFFFFF80];
	v4 =	vmul.u32 $0xE0, v1  }
0x1d1: {  	v16 =	vld [tilespmem:s10+$0xFFFFFF90];
	v3 =	vmul.u32 $0xE0, v0  }
0x1d2: {  	v18 =	vld [tilespmem:s10+$0xFFFFFFB0];
	v2 =	vmul.u32 $0xE0, v7  }
0x1d3: {  	v7 =	vld [tilespmem:s10+$0xFFFFFFD0];
	v1 =	vmul.u32 $0xE0, v9  }
0x1d4: {  	v19 =	vld [tilespmem:s10+$0xFFFFFFF0];
	v0 =	vmul.u32 $0xE0, v10  }
0x1d5: {  	v20 =	vmul.u32 $0xE0, v13;
	v21 =	vld [tilespmem:s10+$0x10]  }
0x1d6: {  	v6 =	vadd.s32 v16, v6;
	v16 =	vld [tilespmem:s10+$0x30]  }
0x1d7: {  	v22 =	vshll.u32 v6, $0x10;
	v5 =	vadd.s32 v18, v5;
	v6 =	vld [tilespmem:s10+$0x50]  }
0x1d8: {  	v18 =	vld [tilespmem:s10+$0xFFFFFF80];
	v10 =	vshll.u32 v5, $0x10;
	v5 =	vadd.s32 v7, v8  }
0x1d9: {  	v23 =	vld [tilespmem:s10+$0xFFFFFFA0];
	v9 =	vshll.u32 v5, $0x10;
	v5 =	vadd.s32 v19, v11  }
.Ltmp6:
0x1da: {  	v13 =	vld [tilespmem:s10+$0xFFFFFFC0];
	v7 =	vshll.u32 v5, $0x10;
	v5 =	vadd.s32 v21, v12;
	(pc) =	sbr.rel @p0 .LBB2_10-.Ltmp6, $4  }
0x1db: {  	v12 =	vld [tilespmem:s10+$0xFFFFFFE0];
	v8 =	vshll.u32 v5, $0x10;
	v5 =	vadd.s32 v16, v14  }
0x1dc: {  	v11 =	vld [tilespmem:s10+$0x0];
	v5 =	vshll.u32 v5, $0x10;
	v6 =	vadd.s32 v6, v15  }
0x1dd: {  	v15 =	vadd.s32 v18, v20;
	v14 =	vld [tilespmem:s10+$0x20];
	v6 =	vshll.u32 v6, $0x10  }
0x1de: {  	s12 =	sadd.s32 $0x100, s12;
	v16 =	vor.u32 v15, v22;
	v17 =	vadd.s32 v23, v17;
	v15 =	vld [tilespmem:s10+$0x40]  }
0x1df: {  	[tilespmem:s11+$0xFFFFFFC0] =	vst v16;
	v10 =	vor.u32 v17, v10;
	v4 =	vadd.s32 v13, v4  }
0x1e0: {  	[tilespmem:s11+$0xFFFFFFD0] =	vst v10;
	v4 =	vor.u32 v4, v9;
	v3 =	vadd.s32 v12, v3  }
0x1e1: {  	[tilespmem:s11+$0xFFFFFFE0] =	vst v4;
	v3 =	vor.u32 v3, v7;
	v2 =	vadd.s32 v11, v2  }
0x1e2: {  	[tilespmem:s11+$0xFFFFFFF0] =	vst v3;
	v2 =	vor.u32 v2, v8;
	v1 =	vadd.s32 v14, v1  }
0x1e3: {  	[tilespmem:s11+$0x0] =	vst v2;
	v1 =	vor.u32 v1, v5;
	v0 =	vadd.s32 v15, v0  }
0x1e4: {  	[tilespmem:s11+$0x10] =	vst v1;
	v0 =	vor.u32 v0, v6  }
0x1e5: {  	[tilespmem:s11+$0x20] =	vst v0  }
0x1e6: {  	s5 =	rddreg [dreg:$0x17]  }
0x1e7: {  	[spmem:s5] =	stream.linear.scatter [tilespmem:s29], [sflag:$0x7], $0x380, $0x38;
	[tilespmem:$0x1FB80] =	vst v63  }
0x1e8: {  	_ =	swait.ge [sflag:s16], $0x700  }
0x1e9: {  	[sflag:s16] =	ssyncset.done $0x0  }
0x1ea: {  	[sflag:s16] =	ssyncadd.s32 $0xFFFFF900  }
0x1eb: {  	_ =	swait.ge [sflag:s17], $0x700  }
0x1ec: {  	[sflag:s17] =	ssyncset.done $0x0  }
0x1ed: {  	s21 =	rddreg [dreg:$0x10];
	[sflag:s17] =	ssyncadd.s32 $0xFFFFF900  }
0x1ee: {  	[tilespmem:s6], [sflag:$0x1] =	stream.strided.gather [hbm4b:s21+s13], $0x700, s18, s13, $0x38;
	[tilespmem:$0x1FB80] =	vst v63  }
0x1ef: {  	s28 =	rddreg [dreg:$0x11]  }
0x1f0: {  	[tilespmem:s7], [sflag:$0x2] =	stream.strided.gather [hbm4b:s28+s13], $0x700, s18, s13, $0x38;
	[tilespmem:$0x1FB80] =	vst v63  }
0x1f1: {  	_ =	swait.ge [sflag:s19], $0x380  }
0x1f2: {  	[sflag:s19] =	ssyncset.done $0x0  }
0x1f3: {  	s31 =	simm.s32 $0x1CE80;
	[sflag:s19] =	ssyncadd.s32 $0xFFFFFC80  }
0x1f4: {  	v0 =	vld [tilespmem:s31+$0x70]  }
0x1f5: {  	s10 =	simm.s32 $0x1D580;
	v1 =	vld [tilespmem:s31+$0x60]  }
0x1f6: {  	v2 =	vld [tilespmem:s10+$0x70]  }
0x1f7: {  	v3 =	vld [tilespmem:s10+$0x60]  }
0x1f8: {  	v4 =	vld [tilespmem:s31+$0xFFFFFF90]  }
0x1f9: {  	v5 =	vld [tilespmem:s31+$0xFFFFFFB0]  }
0x1fa: {  	v6 =	vld [tilespmem:s31+$0xFFFFFFD0]  }
0x1fb: {  	v7 =	vld [tilespmem:s31+$0xFFFFFFF0]  }
0x1fc: {  	v8 =	vld [tilespmem:s31+$0x10]  }
0x1fd: {  	v9 =	vld [tilespmem:s31+$0x30]  }
0x1fe: {  	v10 =	vld [tilespmem:s31+$0x50]  }
0x1ff: {  	v11 =	vld [tilespmem:s31+$0xFFFFFFA0]  }
0x200: {  	v12 =	vld [tilespmem:s31+$0xFFFFFFC0]  }
0x201: {  	v13 =	vld [tilespmem:s31+$0xFFFFFFE0]  }
0x202: {  	v14 =	vld [tilespmem:s31+$0x0]  }
0x203: {  	v15 =	vld [tilespmem:s31+$0x20]  }
0x204: {  	v16 =	vld [tilespmem:s31+$0x40]  }
0x205: {  	v17 =	vld [tilespmem:s31+$0xFFFFFF80]  }
0x206: {  	v18 =	vld [tilespmem:s10+$0xFFFFFF90];
	v0 =	vmul.u32 $0xE0, v0  }
0x207: {  	v19 =	vld [tilespmem:s10+$0xFFFFFFD0]  }
0x208: {  	v1 =	vmul.u32 $0xE0, v1;
	v8 =	vmul.u32 $0xE0, v8;
	v0 =	vadd.s32 v2, v0;
	v2 =	vld [tilespmem:s10+$0xFFFFFFB0]  }
0x209: {  	v21 =	vld [tilespmem:s10+$0x30];
	v9 =	vmul.u32 $0xE0, v9;
	v22 =	vmul.u32 $0xE0, v10;
	v23 =	vmul.u32 $0xE0, v11  }
0x20a: {  	v11 =	vld [tilespmem:s10+$0x50];
	v1 =	vadd.s32 v3, v1;
	v3 =	vmul.u32 $0xE0, v4;
	v0 =	vshll.u32 v0, $0x10  }
0x20b: {  	v20 =	vor.u32 v1, v0;
	v0 =	vld [tilespmem:s10+$0xFFFFFFF0];
	v1 =	vmul.u32 $0xE0, v5;
	v5 =	vmul.u32 $0xE0, v6  }
0x20c: {  	v4 =	vmul.u32 $0xE0, v12;
	v6 =	vmul.u32 $0xE0, v7;
	v7 =	vld [tilespmem:s10+$0x10];
	v18 =	vadd.s32 v18, v3  }
0x20d: {  	v3 =	vmul.u32 $0xE0, v13;
	v5 =	vadd.s32 v19, v5;
	v19 =	vld [tilespmem:s10+$0xFFFFFF80];
	v10 =	vadd.s32 v2, v1  }
0x20e: {  	v2 =	vmul.u32 $0xE0, v14;
	v1 =	vmul.u32 $0xE0, v15;
	v15 =	vld [tilespmem:s10+$0xFFFFFFA0];
	v14 =	vmul.u32 $0xE0, v17  }
0x20f: {  	v13 =	vld [tilespmem:s10+$0xFFFFFFC0];
	v17 =	vadd.s32 v21, v9;
	v9 =	vshll.u32 v5, $0x10;
	v10 =	vshll.u32 v10, $0x10  }
0x210: {  	v12 =	vld [tilespmem:s10+$0xFFFFFFE0];
	v5 =	vshll.u32 v17, $0x10;
	v6 =	vadd.s32 v0, v6;
	v0 =	vmul.u32 $0xE0, v16  }
0x211: {  	v8 =	vadd.s32 v7, v8;
	v7 =	vshll.u32 v6, $0x10;
	v6 =	vadd.s32 v11, v22;
	v11 =	vld [tilespmem:s10+$0x0]  }
0x212: {  	s11 =	simm.s32 $0x1DFC0;
	v16 =	vshll.u32 v18, $0x10;
	v8 =	vshll.u32 v8, $0x10;
	v17 =	vadd.s32 v19, v14;
	v14 =	vld [tilespmem:s10+$0x20]  }
0x213: {  	s12 =	simm.s32 $0x1CF80;
	s5 =	simm.s32 $0x0;
	[tilespmem:s11+$0x30] =	vst v20;
	v6 =	vshll.u32 v6, $0x10;
	v16 =	vor.u32 v17, v16;
	v17 =	vadd.s32 v15, v23;
	v15 =	vld [tilespmem:s10+$0x40]  }
.LBB2_12:
0x214: {  	v18 =	vld [tilespmem:s12+$0x70];
	s5 =	sadd.s32 $0x80, s5;
	[tilespmem:s11+$0xFFFFFFC0] =	vst v16;
	v10 =	vor.u32 v17, v10;
	v4 =	vadd.s32 v13, v4  }
0x215: {  	s10 =	sadd.s32 $0x100, s10;
	v13 =	vld [tilespmem:s12+$0x60];
	p0 =	slt.u32 s5, $0x300;
	[tilespmem:s11+$0xFFFFFFD0] =	vst v10;
	v4 =	vor.u32 v4, v9;
	v3 =	vadd.s32 v12, v3  }
0x216: {  	v9 =	vld [tilespmem:s10+$0x70];
	[tilespmem:s11+$0xFFFFFFE0] =	vst v4;
	v3 =	vor.u32 v3, v7;
	v2 =	vadd.s32 v11, v2  }
0x217: {  	v4 =	vld [tilespmem:s10+$0x60];
	[tilespmem:s11+$0xFFFFFFF0] =	vst v3;
	v2 =	vor.u32 v2, v8;
	v1 =	vadd.s32 v14, v1  }
0x218: {  	v3 =	vld [tilespmem:s12+$0xFFFFFF90];
	[tilespmem:s11+$0x0] =	vst v2;
	v1 =	vor.u32 v1, v5;
	v0 =	vadd.s32 v15, v0  }
0x219: {  	v2 =	vld [tilespmem:s12+$0xFFFFFFB0];
	v5 =	vmul.u32 $0xE0, v18;
	[tilespmem:s11+$0x10] =	vst v1;
	v0 =	vor.u32 v0, v6  }
0x21a: {  	v1 =	vld [tilespmem:s12+$0xFFFFFFD0];
	v6 =	vmul.u32 $0xE0, v13;
	[tilespmem:s11+$0x20] =	vst v0  }
0x21b: {  	v0 =	vld [tilespmem:s12+$0xFFFFFFF0];
	v5 =	vadd.s32 v9, v5  }
0x21c: {  	v7 =	vld [tilespmem:s12+$0x10];
	v4 =	vadd.s32 v4, v6;
	v5 =	vshll.u32 v5, $0x10  }
0x21d: {  	s11 =	sadd.s32 $0x80, s11;
	v6 =	vmul.u32 $0xE0, v3;
	v3 =	vld [tilespmem:s12+$0x30];
	v4 =	vor.u32 v4, v5  }
0x21e: {  	v5 =	vmul.u32 $0xE0, v2;
	v2 =	vld [tilespmem:s12+$0x50];
	[tilespmem:s11+$0x30] =	vst v4  }
0x21f: {  	v4 =	vld [tilespmem:s12+$0xFFFFFFA0];
	v8 =	vmul.u32 $0xE0, v1  }
0x220: {  	v1 =	vld [tilespmem:s12+$0xFFFFFFC0];
	v11 =	vmul.u32 $0xE0, v0  }
0x221: {  	v0 =	vld [tilespmem:s12+$0xFFFFFFE0];
	v12 =	vmul.u32 $0xE0, v7  }
0x222: {  	v7 =	vld [tilespmem:s12+$0x0];
	v14 =	vmul.u32 $0xE0, v3  }
0x223: {  	v9 =	vld [tilespmem:s12+$0x20];
	v15 =	vmul.u32 $0xE0, v2  }
0x224: {  	v17 =	vmul.u32 $0xE0, v4;
	v10 =	vld [tilespmem:s12+$0x40]  }
0x225: {  	v13 =	vld [tilespmem:s12+$0xFFFFFF80];
	v4 =	vmul.u32 $0xE0, v1  }
0x226: {  	v16 =	vld [tilespmem:s10+$0xFFFFFF90];
	v3 =	vmul.u32 $0xE0, v0  }
0x227: {  	v18 =	vld [tilespmem:s10+$0xFFFFFFB0];
	v2 =	vmul.u32 $0xE0, v7  }
0x228: {  	v7 =	vld [tilespmem:s10+$0xFFFFFFD0];
	v1 =	vmul.u32 $0xE0, v9  }
0x229: {  	v19 =	vld [tilespmem:s10+$0xFFFFFFF0];
	v0 =	vmul.u32 $0xE0, v10  }
0x22a: {  	v20 =	vmul.u32 $0xE0, v13;
	v21 =	vld [tilespmem:s10+$0x10]  }
0x22b: {  	v6 =	vadd.s32 v16, v6;
	v16 =	vld [tilespmem:s10+$0x30]  }
0x22c: {  	v22 =	vshll.u32 v6, $0x10;
	v5 =	vadd.s32 v18, v5;
	v6 =	vld [tilespmem:s10+$0x50]  }
0x22d: {  	v18 =	vld [tilespmem:s10+$0xFFFFFF80];
	v10 =	vshll.u32 v5, $0x10;
	v5 =	vadd.s32 v7, v8  }
0x22e: {  	v23 =	vld [tilespmem:s10+$0xFFFFFFA0];
	v9 =	vshll.u32 v5, $0x10;
	v5 =	vadd.s32 v19, v11  }
.Ltmp7:
0x22f: {  	v13 =	vld [tilespmem:s10+$0xFFFFFFC0];
	v7 =	vshll.u32 v5, $0x10;
	v5 =	vadd.s32 v21, v12;
	(pc) =	sbr.rel @p0 .LBB2_12-.Ltmp7, $4  }
0x230: {  	v12 =	vld [tilespmem:s10+$0xFFFFFFE0];
	v8 =	vshll.u32 v5, $0x10;
	v5 =	vadd.s32 v16, v14  }
0x231: {  	v11 =	vld [tilespmem:s10+$0x0];
	v5 =	vshll.u32 v5, $0x10;
	v6 =	vadd.s32 v6, v15  }
0x232: {  	v15 =	vadd.s32 v18, v20;
	v14 =	vld [tilespmem:s10+$0x20];
	v6 =	vshll.u32 v6, $0x10  }
0x233: {  	s12 =	sadd.s32 $0x100, s12;
	v16 =	vor.u32 v15, v22;
	v17 =	vadd.s32 v23, v17;
	v15 =	vld [tilespmem:s10+$0x40]  }
0x234: {  	[tilespmem:s11+$0xFFFFFFC0] =	vst v16;
	v10 =	vor.u32 v17, v10;
	v4 =	vadd.s32 v13, v4  }
0x235: {  	[tilespmem:s11+$0xFFFFFFD0] =	vst v10;
	v4 =	vor.u32 v4, v9;
	v3 =	vadd.s32 v12, v3  }
0x236: {  	[tilespmem:s11+$0xFFFFFFE0] =	vst v4;
	v3 =	vor.u32 v3, v7;
	v2 =	vadd.s32 v11, v2  }
0x237: {  	[tilespmem:s11+$0xFFFFFFF0] =	vst v3;
	v2 =	vor.u32 v2, v8;
	v1 =	vadd.s32 v14, v1  }
0x238: {  	[tilespmem:s11+$0x0] =	vst v2;
	v1 =	vor.u32 v1, v5;
	v0 =	vadd.s32 v15, v0  }
0x239: {  	[tilespmem:s11+$0x10] =	vst v1;
	v0 =	vor.u32 v0, v6  }
0x23a: {  	[tilespmem:s11+$0x20] =	vst v0  }
0x23b: {  	s5 =	rddreg [dreg:$0x18]  }
0x23c: {  	[spmem:s5] =	stream.linear.scatter [tilespmem:s30], [sflag:$0x7], $0x380, $0x38;
	[tilespmem:$0x1FB80] =	vst v63  }
0x23d: {  	_ =	swait.ge [sflag:s8], $0x700  }
0x23e: {  	[sflag:s8] =	ssyncset.done $0x0  }
0x23f: {  	[sflag:s8] =	ssyncadd.s32 $0xFFFFF900  }
0x240: {  	_ =	swait.ge [sflag:s9], $0x700  }
0x241: {  	[sflag:s9] =	ssyncset.done $0x0  }
0x242: {  	[sflag:s9] =	ssyncadd.s32 $0xFFFFF900  }
0x243: {  	_ =	swait.ge [sflag:s19], $0x380  }
0x244: {  	[sflag:s19] =	ssyncset.done $0x0  }
0x245: {  	s31 =	simm.s32 $0x18880;
	[sflag:s19] =	ssyncadd.s32 $0xFFFFFC80  }
0x246: {  	v0 =	vld [tilespmem:s31+$0x70]  }
0x247: {  	s10 =	simm.s32 $0x18F80;
	v1 =	vld [tilespmem:s31+$0x60]  }
0x248: {  	v2 =	vld [tilespmem:s10+$0x70]  }
0x249: {  	v3 =	vld [tilespmem:s10+$0x60]  }
0x24a: {  	v4 =	vld [tilespmem:s31+$0xFFFFFF90]  }
0x24b: {  	v5 =	vld [tilespmem:s31+$0xFFFFFFB0]  }
0x24c: {  	v6 =	vld [tilespmem:s31+$0xFFFFFFD0]  }
0x24d: {  	v7 =	vld [tilespmem:s31+$0xFFFFFFF0]  }
0x24e: {  	v8 =	vld [tilespmem:s31+$0x10]  }
0x24f: {  	v9 =	vld [tilespmem:s31+$0x30]  }
0x250: {  	v10 =	vld [tilespmem:s31+$0x50]  }
0x251: {  	v11 =	vld [tilespmem:s31+$0xFFFFFFA0]  }
0x252: {  	v12 =	vld [tilespmem:s31+$0xFFFFFFC0]  }
0x253: {  	v13 =	vld [tilespmem:s31+$0xFFFFFFE0]  }
0x254: {  	v14 =	vld [tilespmem:s31+$0x0]  }
0x255: {  	v15 =	vld [tilespmem:s31+$0x20]  }
0x256: {  	v16 =	vld [tilespmem:s31+$0x40]  }
0x257: {  	v17 =	vld [tilespmem:s31+$0xFFFFFF80]  }
0x258: {  	v18 =	vld [tilespmem:s10+$0xFFFFFF90];
	v0 =	vmul.u32 $0xE0, v0  }
0x259: {  	v19 =	vld [tilespmem:s10+$0xFFFFFFD0]  }
0x25a: {  	v1 =	vmul.u32 $0xE0, v1;
	v8 =	vmul.u32 $0xE0, v8;
	v0 =	vadd.s32 v2, v0;
	v2 =	vld [tilespmem:s10+$0xFFFFFFB0]  }
0x25b: {  	v21 =	vld [tilespmem:s10+$0x30];
	v9 =	vmul.u32 $0xE0, v9;
	v22 =	vmul.u32 $0xE0, v10;
	v23 =	vmul.u32 $0xE0, v11  }
0x25c: {  	v11 =	vld [tilespmem:s10+$0x50];
	v1 =	vadd.s32 v3, v1;
	v3 =	vmul.u32 $0xE0, v4;
	v0 =	vshll.u32 v0, $0x10  }
0x25d: {  	v20 =	vor.u32 v1, v0;
	v0 =	vld [tilespmem:s10+$0xFFFFFFF0];
	v1 =	vmul.u32 $0xE0, v5;
	v5 =	vmul.u32 $0xE0, v6  }
0x25e: {  	v4 =	vmul.u32 $0xE0, v12;
	v6 =	vmul.u32 $0xE0, v7;
	v7 =	vld [tilespmem:s10+$0x10];
	v18 =	vadd.s32 v18, v3  }
0x25f: {  	v3 =	vmul.u32 $0xE0, v13;
	v5 =	vadd.s32 v19, v5;
	v19 =	vld [tilespmem:s10+$0xFFFFFF80];
	v10 =	vadd.s32 v2, v1  }
0x260: {  	v2 =	vmul.u32 $0xE0, v14;
	v1 =	vmul.u32 $0xE0, v15;
	v15 =	vld [tilespmem:s10+$0xFFFFFFA0];
	v14 =	vmul.u32 $0xE0, v17  }
0x261: {  	v13 =	vld [tilespmem:s10+$0xFFFFFFC0];
	v17 =	vadd.s32 v21, v9;
	v9 =	vshll.u32 v5, $0x10;
	v10 =	vshll.u32 v10, $0x10  }
0x262: {  	v12 =	vld [tilespmem:s10+$0xFFFFFFE0];
	v5 =	vshll.u32 v17, $0x10;
	v6 =	vadd.s32 v0, v6;
	v0 =	vmul.u32 $0xE0, v16  }
0x263: {  	v8 =	vadd.s32 v7, v8;
	v7 =	vshll.u32 v6, $0x10;
	v6 =	vadd.s32 v11, v22;
	v11 =	vld [tilespmem:s10+$0x0]  }
0x264: {  	s11 =	simm.s32 $0x1DC40;
	v16 =	vshll.u32 v18, $0x10;
	v8 =	vshll.u32 v8, $0x10;
	v17 =	vadd.s32 v19, v14;
	v14 =	vld [tilespmem:s10+$0x20]  }
0x265: {  	s12 =	simm.s32 $0x18980;
	s5 =	simm.s32 $0x0;
	[tilespmem:s11+$0x30] =	vst v20;
	v6 =	vshll.u32 v6, $0x10;
	v16 =	vor.u32 v17, v16;
	v17 =	vadd.s32 v15, v23;
	v15 =	vld [tilespmem:s10+$0x40]  }
.LBB2_14:
0x266: {  	v18 =	vld [tilespmem:s12+$0x70];
	s5 =	sadd.s32 $0x80, s5;
	[tilespmem:s11+$0xFFFFFFC0] =	vst v16;
	v10 =	vor.u32 v17, v10;
	v4 =	vadd.s32 v13, v4  }
0x267: {  	s10 =	sadd.s32 $0x100, s10;
	v13 =	vld [tilespmem:s12+$0x60];
	p0 =	slt.u32 s5, $0x300;
	[tilespmem:s11+$0xFFFFFFD0] =	vst v10;
	v4 =	vor.u32 v4, v9;
	v3 =	vadd.s32 v12, v3  }
0x268: {  	v9 =	vld [tilespmem:s10+$0x70];
	[tilespmem:s11+$0xFFFFFFE0] =	vst v4;
	v3 =	vor.u32 v3, v7;
	v2 =	vadd.s32 v11, v2  }
0x269: {  	v4 =	vld [tilespmem:s10+$0x60];
	[tilespmem:s11+$0xFFFFFFF0] =	vst v3;
	v2 =	vor.u32 v2, v8;
	v1 =	vadd.s32 v14, v1  }
0x26a: {  	v3 =	vld [tilespmem:s12+$0xFFFFFF90];
	[tilespmem:s11+$0x0] =	vst v2;
	v1 =	vor.u32 v1, v5;
	v0 =	vadd.s32 v15, v0  }
0x26b: {  	v2 =	vld [tilespmem:s12+$0xFFFFFFB0];
	v5 =	vmul.u32 $0xE0, v18;
	[tilespmem:s11+$0x10] =	vst v1;
	v0 =	vor.u32 v0, v6  }
0x26c: {  	v1 =	vld [tilespmem:s12+$0xFFFFFFD0];
	v6 =	vmul.u32 $0xE0, v13;
	[tilespmem:s11+$0x20] =	vst v0  }
0x26d: {  	v0 =	vld [tilespmem:s12+$0xFFFFFFF0];
	v5 =	vadd.s32 v9, v5  }
0x26e: {  	v7 =	vld [tilespmem:s12+$0x10];
	v4 =	vadd.s32 v4, v6;
	v5 =	vshll.u32 v5, $0x10  }
0x26f: {  	s11 =	sadd.s32 $0x80, s11;
	v6 =	vmul.u32 $0xE0, v3;
	v3 =	vld [tilespmem:s12+$0x30];
	v4 =	vor.u32 v4, v5  }
0x270: {  	v5 =	vmul.u32 $0xE0, v2;
	v2 =	vld [tilespmem:s12+$0x50];
	[tilespmem:s11+$0x30] =	vst v4  }
0x271: {  	v4 =	vld [tilespmem:s12+$0xFFFFFFA0];
	v8 =	vmul.u32 $0xE0, v1  }
0x272: {  	v1 =	vld [tilespmem:s12+$0xFFFFFFC0];
	v11 =	vmul.u32 $0xE0, v0  }
0x273: {  	v0 =	vld [tilespmem:s12+$0xFFFFFFE0];
	v12 =	vmul.u32 $0xE0, v7  }
0x274: {  	v7 =	vld [tilespmem:s12+$0x0];
	v14 =	vmul.u32 $0xE0, v3  }
0x275: {  	v9 =	vld [tilespmem:s12+$0x20];
	v15 =	vmul.u32 $0xE0, v2  }
0x276: {  	v17 =	vmul.u32 $0xE0, v4;
	v10 =	vld [tilespmem:s12+$0x40]  }
0x277: {  	v13 =	vld [tilespmem:s12+$0xFFFFFF80];
	v4 =	vmul.u32 $0xE0, v1  }
0x278: {  	v16 =	vld [tilespmem:s10+$0xFFFFFF90];
	v3 =	vmul.u32 $0xE0, v0  }
0x279: {  	v18 =	vld [tilespmem:s10+$0xFFFFFFB0];
	v2 =	vmul.u32 $0xE0, v7  }
0x27a: {  	v7 =	vld [tilespmem:s10+$0xFFFFFFD0];
	v1 =	vmul.u32 $0xE0, v9  }
0x27b: {  	v19 =	vld [tilespmem:s10+$0xFFFFFFF0];
	v0 =	vmul.u32 $0xE0, v10  }
0x27c: {  	v20 =	vmul.u32 $0xE0, v13;
	v21 =	vld [tilespmem:s10+$0x10]  }
0x27d: {  	v6 =	vadd.s32 v16, v6;
	v16 =	vld [tilespmem:s10+$0x30]  }
0x27e: {  	v22 =	vshll.u32 v6, $0x10;
	v5 =	vadd.s32 v18, v5;
	v6 =	vld [tilespmem:s10+$0x50]  }
0x27f: {  	v18 =	vld [tilespmem:s10+$0xFFFFFF80];
	v10 =	vshll.u32 v5, $0x10;
	v5 =	vadd.s32 v7, v8  }
0x280: {  	v23 =	vld [tilespmem:s10+$0xFFFFFFA0];
	v9 =	vshll.u32 v5, $0x10;
	v5 =	vadd.s32 v19, v11  }
.Ltmp8:
0x281: {  	v13 =	vld [tilespmem:s10+$0xFFFFFFC0];
	v7 =	vshll.u32 v5, $0x10;
	v5 =	vadd.s32 v21, v12;
	(pc) =	sbr.rel @p0 .LBB2_14-.Ltmp8, $4  }
0x282: {  	v12 =	vld [tilespmem:s10+$0xFFFFFFE0];
	v8 =	vshll.u32 v5, $0x10;
	v5 =	vadd.s32 v16, v14  }
0x283: {  	v11 =	vld [tilespmem:s10+$0x0];
	v5 =	vshll.u32 v5, $0x10;
	v6 =	vadd.s32 v6, v15  }
0x284: {  	v15 =	vadd.s32 v18, v20;
	v14 =	vld [tilespmem:s10+$0x20];
	v6 =	vshll.u32 v6, $0x10  }
0x285: {  	s12 =	sadd.s32 $0x100, s12;
	v16 =	vor.u32 v15, v22;
	v17 =	vadd.s32 v23, v17;
	v15 =	vld [tilespmem:s10+$0x40]  }
0x286: {  	[tilespmem:s11+$0xFFFFFFC0] =	vst v16;
	v10 =	vor.u32 v17, v10;
	v4 =	vadd.s32 v13, v4  }
0x287: {  	[tilespmem:s11+$0xFFFFFFD0] =	vst v10;
	v4 =	vor.u32 v4, v9;
	v3 =	vadd.s32 v12, v3  }
0x288: {  	[tilespmem:s11+$0xFFFFFFE0] =	vst v4;
	v3 =	vor.u32 v3, v7;
	v2 =	vadd.s32 v11, v2  }
0x289: {  	[tilespmem:s11+$0xFFFFFFF0] =	vst v3;
	v2 =	vor.u32 v2, v8;
	v1 =	vadd.s32 v14, v1  }
0x28a: {  	[tilespmem:s11+$0x0] =	vst v2;
	v1 =	vor.u32 v1, v5;
	v0 =	vadd.s32 v15, v0  }
0x28b: {  	[tilespmem:s11+$0x10] =	vst v1;
	v0 =	vor.u32 v0, v6  }
0x28c: {  	[tilespmem:s11+$0x20] =	vst v0  }
0x28d: {  	s5 =	rddreg [dreg:$0x19]  }
0x28e: {  	[spmem:s5] =	stream.linear.scatter [tilespmem:s29], [sflag:$0x7], $0x380, $0x38;
	[tilespmem:$0x1FB80] =	vst v63  }
0x28f: {  	_ =	swait.ge [sflag:s19], $0x380  }
0x290: {  	[sflag:s19] =	ssyncset.done $0x0  }
0x291: {  	[sflag:s19] =	ssyncadd.s32 $0xFFFFFC80  }
.Ltmp9:
0x292: {  	_ =	swait.ge [sflag:s19], $0x380;
	(pc) =	sbr.rel .LBB2_16-.Ltmp9, $4  }
0x293: {  	[sflag:s19] =	ssyncset.done $0x0  }
0x294: {  	[sflag:s19] =	ssyncadd.s32 $0xFFFFFC80  }
0x295: {  	[bflag:$0x0] =	sbarrier.arrive $0xFFFF  }
0x296: {  	s29 =	simm.s32 $0x0  }
.LBB2_23:
0x297: {  	p0 =	seq.s32 s29, $0x2  }
0x298: {  	s5 =	sadd.s32 @!p0 $0x2, s30  }
0x299: {  	s10 =	sshrl.u32 @!p0 s5, $0x3  }
0x29a: {  	s5 =	sshll.u32 @!p0 s5, $0x7;
	s10 =	smul.u32 @!p0 $0x62000, s10  }
0x29b: {  	s5 =	sand.u32 @!p0 $0x300, s5  }
0x29c: {  	s5 =	sor.u32 @!p0 s5, s10  }
0x29d: {  	s11 =	simm.s32 @!p0 $0x400;
	s5 =	sshrl.u32 @!p0 s5, $0x3  }
0x29e: {  	s12 =	simm.s32 @!p0 $0x0;
	s10 =	simm.s32 @!p0 $0x80;
	s5 =	sadd.s32 @!p0 s20, s5  }
0x29f: {  	[tilespmem:s12], [sflag:$0x5] =	stream.strided.gather @!p0 [hbm4b:s5+s10], $0xC400, s11, s10, $0x38;
	[tilespmem:$0x1FB80] =	vst v63  }
0x2a0: {  	s5 =	sadd.s32 @!p0 $0x3, s30  }
0x2a1: {  	s12 =	sshrl.u32 @!p0 s5, $0x3  }
0x2a2: {  	s5 =	sshll.u32 @!p0 s5, $0x7;
	s12 =	smul.u32 @!p0 $0x62000, s12  }
0x2a3: {  	s5 =	sand.u32 @!p0 $0x380, s5  }
0x2a4: {  	s5 =	sor.u32 @!p0 s5, s12  }
0x2a5: {  	s5 =	sshrl.u32 @!p0 s5, $0x3  }
0x2a6: {  	s29 =	sadd.s32 $0x1, s29;
	s12 =	simm.s32 @!p0 $0xC400;
	s5 =	sadd.s32 @!p0 s20, s5  }
0x2a7: {  	[tilespmem:s12], [sflag:$0x6] =	stream.strided.gather @!p0 [hbm4b:s5+s10], $0xC400, s11, s10, $0x38;
	[tilespmem:$0x1FB80] =	vst v63  }
0x2a8: {  	p0 =	sne.s32 s29, $0x3;
	_ =	swait.ge [sflag:s16], $0x1C00  }
.Ltmp10:
0x2a9: {  	[sflag:s16] =	ssyncset.done $0x0;
	(pc) =	sbr.rel @!p0 .LBB2_24-.Ltmp10, $4  }
0x2aa: {  	[sflag:s16] =	ssyncadd.s32 $0xFFFFE400  }
0x2ab: {  	_ =	swait.ge [sflag:s17], $0x1C00  }
0x2ac: {  	[sflag:s17] =	ssyncset.done $0x0  }
0x2ad: {  	[sflag:s17] =	ssyncadd.s32 $0xFFFFE400  }
.LBB2_16:
0x2ae: {  	_ =	swait.ge [sflag:s22], $0xC400;
	s5 =	sshll.u32 s29, $0x1  }
0x2af: {  	[sflag:s22] =	ssyncset.done $0x0;
	s30 =	sadd.s32 s2, s5  }
0x2b0: {  	[sflag:s22] =	ssyncadd.s32 $0xFFFF3C00;
	s5 =	smulhi.u32 $0x2AAAAAAB, s30  }
0x2b1: {  	_ =	swait.ge [sflag:s23], $0xC400  }
0x2b2: {  	[sflag:s23] =	ssyncset.done $0x0;
	s5 =	sshrl.u32 s5, $0x4  }
0x2b3: {  	s10 =	sshll.u32 s30, $0x7;
	[sflag:s23] =	ssyncadd.s32 $0xFFFF3C00;
	s5 =	smul.u32 $0x120, s5  }
0x2b4: {  	[tilespmem:s6], [sflag:$0x1] =	stream.linear.gather [spmem:s15], $0x700, $0x38;
	[tilespmem:$0x1FB80] =	vst v63  }
0x2b5: {  	s21 =	sand.u32 $0x300, s10;
	s10 =	simm.s32 $0x0;
	s31 =	sadd.s32 s5, s30  }
0x2b6: {  	[tilespmem:s7], [sflag:$0x2] =	stream.linear.gather [spmem:s0], $0x700, $0x38;
	[tilespmem:$0x1FB80] =	vst v63  }
.LBB2_17:
0x2b7: {  	_ =	swait.ge [sflag:s8], $0x700  }
0x2b8: {  	p0 =	seq.s32 s10, $0x0;
	[sflag:s8] =	ssyncset.done $0x0  }
0x2b9: {  	s5 =	simm.s32 @!p0 $0x3;
	[sflag:s8] =	ssyncadd.s32 $0xFFFFF900  }
0x2ba: {  	_ =	swait.ge @!p0 [sflag:s5], $0x1C00  }
0x2bb: {  	[sflag:s5] =	ssyncset.done @!p0 $0x0  }
0x2bc: {  	s12 =	simm.s32 $0x18840;
	[sflag:s5] =	ssyncadd.s32 @!p0 $0xFFFFE400  }
0x2bd: {  	v0 =	vld [tilespmem:s12+$0x30]  }
0x2be: {  	v1 =	vld [tilespmem:s12+$0xFFFFFFD0]  }
0x2bf: {  	v2 =	vld [tilespmem:s12+$0xFFFFFFE0]  }
0x2c0: {  	v3 =	vld [tilespmem:s12+$0xFFFFFFF0]  }
0x2c1: {  	v4 =	vld [tilespmem:s12+$0x0]  }
0x2c2: {  	v5 =	vld [tilespmem:s12+$0x10];
	v6 =	vand.u32 $0xFFFF, v0  }
0x2c3: {  	v8 =	vld [tilespmem:s12+$0x20];
	v7 =	vand.u32 $0xFFFF, v1  }
0x2c4: {  	v10 =	vld [tilespmem:s12+$0xFFFFFFC0];
	v9 =	vand.u32 $0xFFFF, v2  }
0x2c5: {  	v11 =	vand.u32 $0xFFFF, v3  }
0x2c6: {  	v12 =	vand.u32 $0xFFFF, v4  }
0x2c7: {  	v13 =	vand.u32 $0xFFFF, v5;
	v14 =	vld.idx.msk [tilespmem:v6+s1+$0x0], $0xffff  }
0x2c8: {  	v16 =	vand.u32 $0xFFFF, v8;
	v15 =	vld.idx.msk [tilespmem:v7+s1+$0x0], $0xffff  }
0x2c9: {  	v19 =	vand.u32 $0xFFFF, v10;
	v17 =	vld.idx.msk [tilespmem:v9+s1+$0x0], $0xffff  }
0x2ca: {  	v18 =	vshrl.u32 v0, $0x10;
	v20 =	vld.idx.msk [tilespmem:v11+s1+$0x0], $0xffff  }
0x2cb: {  	v21 =	vshrl.u32 v1, $0x10;
	v1 =	vld.idx.msk [tilespmem:v12+s1+$0x0], $0xffff  }
0x2cc: {  	s12 =	simm.s32 $0x19700;
	v22 =	vshrl.u32 v2, $0x10;
	v2 =	vld.idx.msk [tilespmem:v13+s1+$0x0], $0xffff  }
0x2cd: {  	v23 =	vshrl.u32 v3, $0x10;
	v3 =	vld.idx.msk [tilespmem:v16+s1+$0x0], $0xffff;
	[tilespmem:s12+$0x60] =	vst v14  }
0x2ce: {  	v59 =	vshrl.u32 v4, $0x10;
	v0 =	vshrl.u32 v5, $0x10;
	v5 =	vld.idx.msk [tilespmem:v19+s1+$0x0], $0xffff;
	[tilespmem:s12+$0xFFFFFF20] =	vst v15  }
0x2cf: {  	[tilespmem:s12+$0xFFFFFF40] =	vst v17;
	v4 =	vld.idx.msk [tilespmem:v18+s1+$0x0], $0xffff  }
0x2d0: {  	v10 =	vshrl.u32 v10, $0x10;
	[tilespmem:s12+$0xFFFFFF60] =	vst v20;
	v15 =	vld.idx.msk [tilespmem:v21+s1+$0x0], $0xffff  }
0x2d1: {  	[tilespmem:s12+$0x0] =	vst v1;
	v17 =	vld.idx.msk [tilespmem:v22+s1+$0x0], $0xffff  }
0x2d2: {  	v1 =	vshrl.u32 v8, $0x10;
	[tilespmem:s12+$0x20] =	vst v2;
	v8 =	vld.idx.msk [tilespmem:v23+s1+$0x0], $0xffff  }
0x2d3: {  	[tilespmem:s12+$0x40] =	vst v3;
	v2 =	vld.idx.msk [tilespmem:v59+s1+$0x0], $0xffff  }
0x2d4: {  	[tilespmem:s12+$0xFFFFFF00] =	vst v5;
	v3 =	vld.idx.msk [tilespmem:v0+s1+$0x0], $0xffff  }
0x2d5: {  	v5 =	vld.idx.msk [tilespmem:v10+s1+$0x0], $0xffff;
	[tilespmem:s12+$0x70] =	vst v4  }
0x2d6: {  	[tilespmem:s12+$0xFFFFFF30] =	vst v15;
	v4 =	vld.idx.msk [tilespmem:v6+s4+$0x0], $0xffff  }
0x2d7: {  	[tilespmem:s12+$0xFFFFFF50] =	vst v17;
	v6 =	vld.idx.msk [tilespmem:v1+s1+$0x0], $0xffff  }
0x2d8: {  	s18 =	smul.u32 $0x25, s10;
	[tilespmem:s12+$0xFFFFFF70] =	vst v8;
	v7 =	vld.idx.msk [tilespmem:v7+s4+$0x0], $0xffff  }
0x2d9: {  	[tilespmem:s12+$0x10] =	vst v2;
	v8 =	vld.idx.msk [tilespmem:v9+s4+$0x0], $0xffff  }
0x2da: {  	s5 =	sshrl.u32 s18, $0x8;
	[tilespmem:s12+$0x30] =	vst v3;
	v60 =	vld.idx.msk [tilespmem:v11+s4+$0x0], $0xffff  }
0x2db: {  	s11 =	ssub.s32 s10, s5;
	[tilespmem:s12+$0xFFFFFF10] =	vst v5;
	v61 =	vld.idx.msk [tilespmem:v12+s4+$0x0], $0xffff  }
0x2dc: {  	s11 =	sand.u32 $0xFE, s11;
	v63 =	vld.idx.msk [tilespmem:v19+s4+$0x0], $0xffff;
	[tilespmem:s12+$0xE0] =	vst v4  }
0x2dd: {  	s11 =	sshrl.u32 s11, $0x1;
	v13 =	vld.idx.msk [tilespmem:v13+s4+$0x0], $0xffff;
	[tilespmem:s12+$0x50] =	vst v6  }
0x2de: {  	s5 =	sadd.s32 s5, s11;
	[tilespmem:s12+$0xFFFFFFA0] =	vst v7;
	v62 =	vld.idx.msk [tilespmem:v18+s4+$0x0], $0xffff  }
0x2df: {  	s5 =	sand.u32 $0xFC, s5;
	[tilespmem:s12+$0xFFFFFFC0] =	vst v8;
	v5 =	vld.idx.msk [tilespmem:v16+s4+$0x0], $0xffff  }
0x2e0: {  	s5 =	sshrl.u32 s5, $0x2;
	[tilespmem:s12+$0xFFFFFFE0] =	vst v60;
	v2 =	vld.idx.msk [tilespmem:v21+s4+$0x0], $0xffff  }
0x2e1: {  	s11 =	smul.u32 $0x3FFFF2, s5;
	[tilespmem:s12+$0x80] =	vst v61;
	v3 =	vld.idx.msk [tilespmem:v22+s4+$0x0], $0xffff  }
0x2e2: {  	s5 =	smul.u32 $0x60, s5;
	[tilespmem:s12+$0xFFFFFF80] =	vst v63;
	v4 =	vld.idx.msk [tilespmem:v23+s4+$0x0], $0xffff  }
0x2e3: {  	s28 =	simm.s32 $0x188C0;
	s18 =	sshll.u32 s10, $0x1;
	[tilespmem:s12+$0xA0] =	vst v13;
	v7 =	vld.idx.msk [tilespmem:v59+s4+$0x0], $0xffff  }
0x2e4: {  	s18 =	sadd.s32 s18, s11;
	s11 =	sadd.s32 s31, s5;
	s5 =	simm.s32 $0x0;
	v6 =	vld.idx.msk [tilespmem:v10+s4+$0x0], $0xffff;
	[tilespmem:s12+$0xF0] =	vst v62  }
.LBB2_18:
0x2e5: {  	v8 =	vld [tilespmem:s28+$0x30];
	s5 =	sadd.s32 $0x80, s5;
	[tilespmem:s12+$0xC0] =	vst v5  }
0x2e6: {  	v5 =	vld [tilespmem:s28+$0xFFFFFFD0];
	p1 =	slt.u32 s5, $0x680;
	[tilespmem:s12+$0xFFFFFFB0] =	vst v2  }
0x2e7: {  	v2 =	vld [tilespmem:s28+$0xFFFFFFE0];
	[tilespmem:s12+$0xFFFFFFD0] =	vst v3  }
0x2e8: {  	v3 =	vld [tilespmem:s28+$0xFFFFFFF0];
	[tilespmem:s12+$0xFFFFFFF0] =	vst v4  }
0x2e9: {  	v4 =	vld [tilespmem:s28+$0x0];
	[tilespmem:s12+$0x90] =	vst v7  }
0x2ea: {  	v7 =	vld [tilespmem:s28+$0x10];
	v9 =	vand.u32 $0xFFFF, v8;
	[tilespmem:s12+$0xFFFFFF90] =	vst v6  }
0x2eb: {  	v6 =	vshrl.u32 v5, $0x10;
	v5 =	vand.u32 $0xFFFF, v5;
	v10 =	vld [tilespmem:s28+$0x20]  }
0x2ec: {  	v11 =	vld [tilespmem:s28+$0xFFFFFFC0];
	v12 =	vshrl.u32 v2, $0x10;
	v2 =	vand.u32 $0xFFFF, v2  }
0x2ed: {  	v13 =	vshrl.u32 v3, $0x10;
	v3 =	vand.u32 $0xFFFF, v3;
	v14 =	vld.idx.msk [tilespmem:v0+s4+$0x0], $0xffff  }
0x2ee: {  	v15 =	vshrl.u32 v4, $0x10;
	v4 =	vand.u32 $0xFFFF, v4;
	v16 =	vld.idx.msk [tilespmem:v1+s4+$0x0], $0xffff  }
0x2ef: {  	v0 =	vshrl.u32 v7, $0x10;
	v7 =	vand.u32 $0xFFFF, v7;
	v17 =	vld.idx.msk [tilespmem:v9+s1+$0x0], $0xffff  }
0x2f0: {  	v18 =	vld.idx.msk [tilespmem:v5+s1+$0x0], $0xffff;
	v1 =	vshrl.u32 v10, $0x10;
	v10 =	vand.u32 $0xFFFF, v10  }
0x2f1: {  	v8 =	vshrl.u32 v8, $0x10;
	v19 =	vshrl.u32 v11, $0x10;
	v11 =	vand.u32 $0xFFFF, v11;
	v20 =	vld.idx.msk [tilespmem:v2+s1+$0x0], $0xffff  }
0x2f2: {  	v21 =	vld.idx.msk [tilespmem:v3+s1+$0x0], $0xffff  }
0x2f3: {  	v22 =	vld.idx.msk [tilespmem:v4+s1+$0x0], $0xffff;
	[tilespmem:s12+$0xB0] =	vst v14  }
0x2f4: {  	v14 =	vld.idx.msk [tilespmem:v7+s1+$0x0], $0xffff;
	[tilespmem:s12+$0xD0] =	vst v16;
	s12 =	sadd.s32 $0x200, s12  }
0x2f5: {  	v16 =	vld.idx.msk [tilespmem:v10+s1+$0x0], $0xffff;
	[tilespmem:s12+$0x60] =	vst v17  }
0x2f6: {  	[tilespmem:s12+$0xFFFFFF20] =	vst v18;
	v17 =	vld.idx.msk [tilespmem:v8+s1+$0x0], $0xffff  }
0x2f7: {  	v18 =	vld.idx.msk [tilespmem:v11+s1+$0x0], $0xffff;
	[tilespmem:s12+$0xFFFFFF40] =	vst v20  }
0x2f8: {  	v20 =	vld.idx.msk [tilespmem:v6+s1+$0x0], $0xffff;
	[tilespmem:s12+$0xFFFFFF60] =	vst v21  }
0x2f9: {  	v21 =	vld.idx.msk [tilespmem:v12+s1+$0x0], $0xffff;
	[tilespmem:s12+$0x0] =	vst v22  }
0x2fa: {  	v22 =	vld.idx.msk [tilespmem:v13+s1+$0x0], $0xffff;
	[tilespmem:s12+$0x20] =	vst v14  }
0x2fb: {  	v14 =	vld.idx.msk [tilespmem:v15+s1+$0x0], $0xffff;
	[tilespmem:s12+$0x40] =	vst v16  }
0x2fc: {  	v16 =	vld.idx.msk [tilespmem:v0+s1+$0x0], $0xffff;
	[tilespmem:s12+$0x70] =	vst v17  }
0x2fd: {  	[tilespmem:s12+$0xFFFFFF00] =	vst v18;
	v9 =	vld.idx.msk [tilespmem:v9+s4+$0x0], $0xffff  }
0x2fe: {  	v17 =	vld.idx.msk [tilespmem:v19+s1+$0x0], $0xffff;
	[tilespmem:s12+$0xFFFFFF30] =	vst v20  }
0x2ff: {  	[tilespmem:s12+$0xFFFFFF50] =	vst v21;
	v18 =	vld.idx.msk [tilespmem:v1+s1+$0x0], $0xffff  }
0x300: {  	v5 =	vld.idx.msk [tilespmem:v5+s4+$0x0], $0xffff;
	[tilespmem:s12+$0xFFFFFF70] =	vst v22  }
0x301: {  	v2 =	vld.idx.msk [tilespmem:v2+s4+$0x0], $0xffff;
	[tilespmem:s12+$0x10] =	vst v14  }
0x302: {  	v3 =	vld.idx.msk [tilespmem:v3+s4+$0x0], $0xffff;
	[tilespmem:s12+$0x30] =	vst v16  }
0x303: {  	v4 =	vld.idx.msk [tilespmem:v4+s4+$0x0], $0xffff;
	[tilespmem:s12+$0xE0] =	vst v9  }
0x304: {  	[tilespmem:s12+$0xFFFFFF10] =	vst v17;
	v8 =	vld.idx.msk [tilespmem:v8+s4+$0x0], $0xffff  }
0x305: {  	v9 =	vld.idx.msk [tilespmem:v11+s4+$0x0], $0xffff;
	[tilespmem:s12+$0x50] =	vst v18  }
0x306: {  	[tilespmem:s12+$0xFFFFFFA0] =	vst v5;
	v11 =	vld.idx.msk [tilespmem:v7+s4+$0x0], $0xffff  }
0x307: {  	[tilespmem:s12+$0xFFFFFFC0] =	vst v2;
	v5 =	vld.idx.msk [tilespmem:v10+s4+$0x0], $0xffff  }
.Ltmp11:
0x308: {  	v2 =	vld.idx.msk [tilespmem:v6+s4+$0x0], $0xffff;
	[tilespmem:s12+$0xFFFFFFE0] =	vst v3;
	(pc) =	sbr.rel @p1 .LBB2_18-.Ltmp11, $4  }
0x309: {  	v3 =	vld.idx.msk [tilespmem:v12+s4+$0x0], $0xffff;
	[tilespmem:s12+$0x80] =	vst v4  }
0x30a: {  	v4 =	vld.idx.msk [tilespmem:v13+s4+$0x0], $0xffff;
	[tilespmem:s12+$0xF0] =	vst v8  }
0x30b: {  	[tilespmem:s12+$0xFFFFFF80] =	vst v9;
	v7 =	vld.idx.msk [tilespmem:v15+s4+$0x0], $0xffff  }
0x30c: {  	s28 =	sadd.s32 $0x80, s28;
	v6 =	vld.idx.msk [tilespmem:v19+s4+$0x0], $0xffff;
	[tilespmem:s12+$0xA0] =	vst v11  }
0x30d: {  	_ =	sdelay $0x2  }
0x30e: {  	[tilespmem:s12+$0xC0] =	vst v5;
	s5 =	sshrl.u32 s11, $0x3  }
0x30f: {  	[tilespmem:s12+$0xFFFFFFB0] =	vst v2;
	v0 =	vld.idx.msk [tilespmem:v0+s4+$0x0], $0xffff;
	s11 =	smul.u32 $0x62000, s5  }
0x310: {  	[tilespmem:s12+$0xFFFFFFD0] =	vst v3;
	v1 =	vld.idx.msk [tilespmem:v1+s4+$0x0], $0xffff;
	s5 =	smul.u32 $0x7000, s18  }
0x311: {  	[tilespmem:s12+$0xFFFFFFF0] =	vst v4  }
0x312: {  	[tilespmem:s12+$0x90] =	vst v7;
	s5 =	sadd.s32 s11, s5  }
0x313: {  	[tilespmem:s12+$0xFFFFFF90] =	vst v6;
	s5 =	sor.u32 s21, s5  }
0x314: {  	p1 =	seq.s32 s10, $0x1B;
	[tilespmem:s12+$0xB0] =	vst v0;
	s5 =	sshrl.u32 s5, $0x3  }
0x315: {  	[tilespmem:s12+$0xD0] =	vst v1;
	s5 =	sadd.s32 s14, s5;
	s12 =	smul.u32 @!p1 $0x3800, s10  }
0x316: {  	[hbm4b:s5+s24] =	stream.strided.scatter [tilespmem:s25], [sflag:$0x3], $0x1C00, s3, s24, $0x38;
	[tilespmem:$0x1FB80] =	vst v63  }
0x317: {  	s5 =	sshra.s32 @!p1 s12, $0x2  }
0x318: {  	s5 =	sadd.s32 @!p1 s5, s15  }
0x319: {  	s12 =	simm.s32 @!p1 $0x18800;
	s5 =	sadd.s32 @!p1 $0xE00, s5  }
0x31a: {  	[tilespmem:s12], [sflag:$0x1] =	stream.linear.gather @!p1 [spmem:s5], $0x700, $0x38;
	[tilespmem:$0x1FB80] =	vst v63  }
0x31b: {  	_ =	swait.ge [sflag:s9], $0x700  }
0x31c: {  	[sflag:s9] =	ssyncset.done $0x0  }
0x31d: {  	s5 =	simm.s32 @!p0 $0x4;
	[sflag:s9] =	ssyncadd.s32 $0xFFFFF900  }
0x31e: {  	_ =	swait.ge @!p0 [sflag:s5], $0x1C00  }
0x31f: {  	[sflag:s5] =	ssyncset.done @!p0 $0x0  }
0x320: {  	s12 =	simm.s32 $0x18F40;
	[sflag:s5] =	ssyncadd.s32 @!p0 $0xFFFFE400  }
0x321: {  	v0 =	vld [tilespmem:s12+$0x30]  }
0x322: {  	v1 =	vld [tilespmem:s12+$0xFFFFFFD0]  }
0x323: {  	v2 =	vld [tilespmem:s12+$0xFFFFFFE0]  }
0x324: {  	v3 =	vld [tilespmem:s12+$0xFFFFFFF0]  }
0x325: {  	v4 =	vld [tilespmem:s12+$0x0]  }
0x326: {  	v5 =	vld [tilespmem:s12+$0x10];
	v6 =	vand.u32 $0xFFFF, v0  }
0x327: {  	v8 =	vld [tilespmem:s12+$0x20];
	v7 =	vand.u32 $0xFFFF, v1  }
0x328: {  	v10 =	vld [tilespmem:s12+$0xFFFFFFC0];
	v9 =	vand.u32 $0xFFFF, v2  }
0x329: {  	v11 =	vand.u32 $0xFFFF, v3  }
0x32a: {  	v12 =	vand.u32 $0xFFFF, v4  }
0x32b: {  	v13 =	vand.u32 $0xFFFF, v5;
	v14 =	vld.idx.msk [tilespmem:v6+s1+$0x0], $0xffff  }
0x32c: {  	v16 =	vand.u32 $0xFFFF, v8;
	v15 =	vld.idx.msk [tilespmem:v7+s1+$0x0], $0xffff  }
0x32d: {  	v19 =	vand.u32 $0xFFFF, v10;
	v17 =	vld.idx.msk [tilespmem:v9+s1+$0x0], $0xffff  }
0x32e: {  	v18 =	vshrl.u32 v0, $0x10;
	v20 =	vld.idx.msk [tilespmem:v11+s1+$0x0], $0xffff  }
0x32f: {  	v21 =	vshrl.u32 v1, $0x10;
	v1 =	vld.idx.msk [tilespmem:v12+s1+$0x0], $0xffff  }
0x330: {  	s12 =	simm.s32 $0x1B300;
	v2 =	vshrl.u32 v2, $0x10;
	v22 =	vld.idx.msk [tilespmem:v13+s1+$0x0], $0xffff  }
0x331: {  	v23 =	vshrl.u32 v3, $0x10;
	v3 =	vld.idx.msk [tilespmem:v16+s1+$0x0], $0xffff;
	[tilespmem:s12+$0x60] =	vst v14  }
0x332: {  	v59 =	vshrl.u32 v4, $0x10;
	v0 =	vshrl.u32 v5, $0x10;
	v5 =	vld.idx.msk [tilespmem:v19+s1+$0x0], $0xffff;
	[tilespmem:s12+$0xFFFFFF20] =	vst v15  }
0x333: {  	[tilespmem:s12+$0xFFFFFF40] =	vst v17;
	v4 =	vld.idx.msk [tilespmem:v18+s1+$0x0], $0xffff  }
0x334: {  	v10 =	vshrl.u32 v10, $0x10;
	[tilespmem:s12+$0xFFFFFF60] =	vst v20;
	v15 =	vld.idx.msk [tilespmem:v21+s1+$0x0], $0xffff  }
0x335: {  	[tilespmem:s12+$0x0] =	vst v1;
	v17 =	vld.idx.msk [tilespmem:v2+s1+$0x0], $0xffff  }
0x336: {  	v1 =	vshrl.u32 v8, $0x10;
	[tilespmem:s12+$0x20] =	vst v22;
	v8 =	vld.idx.msk [tilespmem:v23+s1+$0x0], $0xffff  }
0x337: {  	[tilespmem:s12+$0x40] =	vst v3;
	v60 =	vld.idx.msk [tilespmem:v59+s1+$0x0], $0xffff  }
0x338: {  	[tilespmem:s12+$0xFFFFFF00] =	vst v5;
	v3 =	vld.idx.msk [tilespmem:v0+s1+$0x0], $0xffff  }
0x339: {  	v5 =	vld.idx.msk [tilespmem:v10+s1+$0x0], $0xffff;
	[tilespmem:s12+$0x70] =	vst v4  }
0x33a: {  	[tilespmem:s12+$0xFFFFFF30] =	vst v15;
	v4 =	vld.idx.msk [tilespmem:v6+s4+$0x0], $0xffff  }
0x33b: {  	[tilespmem:s12+$0xFFFFFF50] =	vst v17;
	v6 =	vld.idx.msk [tilespmem:v1+s1+$0x0], $0xffff  }
0x33c: {  	[tilespmem:s12+$0xFFFFFF70] =	vst v8;
	v7 =	vld.idx.msk [tilespmem:v7+s4+$0x0], $0xffff  }
0x33d: {  	[tilespmem:s12+$0x10] =	vst v60;
	v8 =	vld.idx.msk [tilespmem:v9+s4+$0x0], $0xffff  }
0x33e: {  	[tilespmem:s12+$0x30] =	vst v3;
	v61 =	vld.idx.msk [tilespmem:v11+s4+$0x0], $0xffff  }
0x33f: {  	[tilespmem:s12+$0xFFFFFF10] =	vst v5;
	v62 =	vld.idx.msk [tilespmem:v12+s4+$0x0], $0xffff  }
0x340: {  	v63 =	vld.idx.msk [tilespmem:v19+s4+$0x0], $0xffff;
	[tilespmem:s12+$0xE0] =	vst v4  }
0x341: {  	v13 =	vld.idx.msk [tilespmem:v13+s4+$0x0], $0xffff;
	[tilespmem:s12+$0x50] =	vst v6  }
0x342: {  	[tilespmem:s12+$0xFFFFFFA0] =	vst v7;
	v5 =	vld.idx.msk [tilespmem:v18+s4+$0x0], $0xffff  }
0x343: {  	[tilespmem:s12+$0xFFFFFFC0] =	vst v8;
	v6 =	vld.idx.msk [tilespmem:v16+s4+$0x0], $0xffff  }
0x344: {  	[tilespmem:s12+$0xFFFFFFE0] =	vst v61;
	v3 =	vld.idx.msk [tilespmem:v21+s4+$0x0], $0xffff  }
0x345: {  	[tilespmem:s12+$0x80] =	vst v62;
	v4 =	vld.idx.msk [tilespmem:v2+s4+$0x0], $0xffff  }
0x346: {  	[tilespmem:s12+$0xFFFFFF80] =	vst v63;
	v2 =	vld.idx.msk [tilespmem:v23+s4+$0x0], $0xffff  }
0x347: {  	[tilespmem:s12+$0xA0] =	vst v13;
	v7 =	vld.idx.msk [tilespmem:v59+s4+$0x0], $0xffff  }
0x348: {  	s28 =	simm.s32 $0x18FC0;
	s18 =	sadd.s32 $0x1, s18;
	s5 =	simm.s32 $0x0;
	[tilespmem:s12+$0xF0] =	vst v5;
	v5 =	vld.idx.msk [tilespmem:v10+s4+$0x0], $0xffff  }
.LBB2_20:
0x349: {  	v8 =	vld [tilespmem:s28+$0x30];
	s5 =	sadd.s32 $0x80, s5;
	[tilespmem:s12+$0xC0] =	vst v6  }
0x34a: {  	v6 =	vld [tilespmem:s28+$0xFFFFFFD0];
	p0 =	slt.u32 s5, $0x680;
	[tilespmem:s12+$0xFFFFFFB0] =	vst v3  }
0x34b: {  	v3 =	vld [tilespmem:s28+$0xFFFFFFE0];
	[tilespmem:s12+$0xFFFFFFD0] =	vst v4  }
0x34c: {  	v4 =	vld [tilespmem:s28+$0xFFFFFFF0];
	[tilespmem:s12+$0xFFFFFFF0] =	vst v2  }
0x34d: {  	v2 =	vld [tilespmem:s28+$0x0];
	[tilespmem:s12+$0x90] =	vst v7  }
0x34e: {  	v7 =	vld [tilespmem:s28+$0x10];
	v9 =	vand.u32 $0xFFFF, v8;
	[tilespmem:s12+$0xFFFFFF90] =	vst v5  }
0x34f: {  	v5 =	vshrl.u32 v6, $0x10;
	v6 =	vand.u32 $0xFFFF, v6;
	v10 =	vld [tilespmem:s28+$0x20]  }
0x350: {  	v11 =	vld [tilespmem:s28+$0xFFFFFFC0];
	v12 =	vshrl.u32 v3, $0x10;
	v3 =	vand.u32 $0xFFFF, v3  }
0x351: {  	v13 =	vshrl.u32 v4, $0x10;
	v4 =	vand.u32 $0xFFFF, v4;
	v14 =	vld.idx.msk [tilespmem:v0+s4+$0x0], $0xffff  }
0x352: {  	v15 =	vshrl.u32 v2, $0x10;
	v2 =	vand.u32 $0xFFFF, v2;
	v16 =	vld.idx.msk [tilespmem:v1+s4+$0x0], $0xffff  }
0x353: {  	v0 =	vshrl.u32 v7, $0x10;
	v7 =	vand.u32 $0xFFFF, v7;
	v17 =	vld.idx.msk [tilespmem:v9+s1+$0x0], $0xffff  }
0x354: {  	v18 =	vld.idx.msk [tilespmem:v6+s1+$0x0], $0xffff;
	v1 =	vshrl.u32 v10, $0x10;
	v10 =	vand.u32 $0xFFFF, v10  }
0x355: {  	v8 =	vshrl.u32 v8, $0x10;
	v19 =	vshrl.u32 v11, $0x10;
	v11 =	vand.u32 $0xFFFF, v11;
	v20 =	vld.idx.msk [tilespmem:v3+s1+$0x0], $0xffff  }
0x356: {  	v21 =	vld.idx.msk [tilespmem:v4+s1+$0x0], $0xffff  }
0x357: {  	v22 =	vld.idx.msk [tilespmem:v2+s1+$0x0], $0xffff;
	[tilespmem:s12+$0xB0] =	vst v14  }
0x358: {  	v14 =	vld.idx.msk [tilespmem:v7+s1+$0x0], $0xffff;
	[tilespmem:s12+$0xD0] =	vst v16;
	s12 =	sadd.s32 $0x200, s12  }
0x359: {  	v16 =	vld.idx.msk [tilespmem:v10+s1+$0x0], $0xffff;
	[tilespmem:s12+$0x60] =	vst v17  }
0x35a: {  	[tilespmem:s12+$0xFFFFFF20] =	vst v18;
	v17 =	vld.idx.msk [tilespmem:v8+s1+$0x0], $0xffff  }
0x35b: {  	v18 =	vld.idx.msk [tilespmem:v11+s1+$0x0], $0xffff;
	[tilespmem:s12+$0xFFFFFF40] =	vst v20  }
0x35c: {  	v20 =	vld.idx.msk [tilespmem:v5+s1+$0x0], $0xffff;
	[tilespmem:s12+$0xFFFFFF60] =	vst v21  }
0x35d: {  	v21 =	vld.idx.msk [tilespmem:v12+s1+$0x0], $0xffff;
	[tilespmem:s12+$0x0] =	vst v22  }
0x35e: {  	v22 =	vld.idx.msk [tilespmem:v13+s1+$0x0], $0xffff;
	[tilespmem:s12+$0x20] =	vst v14  }
0x35f: {  	v14 =	vld.idx.msk [tilespmem:v15+s1+$0x0], $0xffff;
	[tilespmem:s12+$0x40] =	vst v16  }
0x360: {  	v16 =	vld.idx.msk [tilespmem:v0+s1+$0x0], $0xffff;
	[tilespmem:s12+$0x70] =	vst v17  }
0x361: {  	[tilespmem:s12+$0xFFFFFF00] =	vst v18;
	v9 =	vld.idx.msk [tilespmem:v9+s4+$0x0], $0xffff  }
0x362: {  	v17 =	vld.idx.msk [tilespmem:v19+s1+$0x0], $0xffff;
	[tilespmem:s12+$0xFFFFFF30] =	vst v20  }
0x363: {  	[tilespmem:s12+$0xFFFFFF50] =	vst v21;
	v18 =	vld.idx.msk [tilespmem:v1+s1+$0x0], $0xffff  }
0x364: {  	v6 =	vld.idx.msk [tilespmem:v6+s4+$0x0], $0xffff;
	[tilespmem:s12+$0xFFFFFF70] =	vst v22  }
0x365: {  	v3 =	vld.idx.msk [tilespmem:v3+s4+$0x0], $0xffff;
	[tilespmem:s12+$0x10] =	vst v14  }
0x366: {  	v4 =	vld.idx.msk [tilespmem:v4+s4+$0x0], $0xffff;
	[tilespmem:s12+$0x30] =	vst v16  }
0x367: {  	v2 =	vld.idx.msk [tilespmem:v2+s4+$0x0], $0xffff;
	[tilespmem:s12+$0xE0] =	vst v9  }
0x368: {  	[tilespmem:s12+$0xFFFFFF10] =	vst v17;
	v8 =	vld.idx.msk [tilespmem:v8+s4+$0x0], $0xffff  }
0x369: {  	v9 =	vld.idx.msk [tilespmem:v11+s4+$0x0], $0xffff;
	[tilespmem:s12+$0x50] =	vst v18  }
0x36a: {  	[tilespmem:s12+$0xFFFFFFA0] =	vst v6;
	v11 =	vld.idx.msk [tilespmem:v7+s4+$0x0], $0xffff  }
0x36b: {  	[tilespmem:s12+$0xFFFFFFC0] =	vst v3;
	v6 =	vld.idx.msk [tilespmem:v10+s4+$0x0], $0xffff  }
.Ltmp12:
0x36c: {  	v3 =	vld.idx.msk [tilespmem:v5+s4+$0x0], $0xffff;
	[tilespmem:s12+$0xFFFFFFE0] =	vst v4;
	(pc) =	sbr.rel @p0 .LBB2_20-.Ltmp12, $4  }
0x36d: {  	v4 =	vld.idx.msk [tilespmem:v12+s4+$0x0], $0xffff;
	[tilespmem:s12+$0x80] =	vst v2  }
0x36e: {  	v2 =	vld.idx.msk [tilespmem:v13+s4+$0x0], $0xffff;
	[tilespmem:s12+$0xF0] =	vst v8  }
0x36f: {  	[tilespmem:s12+$0xFFFFFF80] =	vst v9;
	v7 =	vld.idx.msk [tilespmem:v15+s4+$0x0], $0xffff  }
0x370: {  	s28 =	sadd.s32 $0x80, s28;
	v5 =	vld.idx.msk [tilespmem:v19+s4+$0x0], $0xffff;
	[tilespmem:s12+$0xA0] =	vst v11  }
0x371: {  	_ =	sdelay $0x2  }
0x372: {  	[tilespmem:s12+$0xC0] =	vst v6  }
0x373: {  	[tilespmem:s12+$0xFFFFFFB0] =	vst v3;
	v0 =	vld.idx.msk [tilespmem:v0+s4+$0x0], $0xffff  }
0x374: {  	s5 =	smul.u32 $0x7000, s18;
	[tilespmem:s12+$0xFFFFFFD0] =	vst v4;
	v1 =	vld.idx.msk [tilespmem:v1+s4+$0x0], $0xffff  }
0x375: {  	[tilespmem:s12+$0xFFFFFFF0] =	vst v2  }
.Ltmp13:
0x376: {  	s5 =	sadd.s32 s11, s5;
	[tilespmem:s12+$0x90] =	vst v7;
	(pc) =	sbr.rel @p1 .LBB2_23-.Ltmp13, $4  }
0x377: {  	s5 =	sor.u32 s21, s5;
	[tilespmem:s12+$0xFFFFFF90] =	vst v5  }
0x378: {  	s5 =	sshrl.u32 s5, $0x3;
	[tilespmem:s12+$0xB0] =	vst v0  }
0x379: {  	s5 =	sadd.s32 s14, s5;
	[tilespmem:s12+$0xD0] =	vst v1  }
0x37a: {  	[hbm4b:s5+s24] =	stream.strided.scatter [tilespmem:s26], [sflag:$0x4], $0x1C00, s3, s24, $0x38;
	[tilespmem:$0x1FB80] =	vst v63  }
0x37b: {  	s5 =	smul.u32 $0x3800, s10  }
.Ltmp14:
0x37c: {  	_ = 	snop;
	(pc) =	sbr.rel .LBB2_17-.Ltmp14, $4  }
0x37d: {  	s5 =	sshra.s32 s5, $0x2  }
0x37e: {  	s5 =	sadd.s32 s5, s15  }
0x37f: {  	s10 =	sadd.s32 $0x1, s10;
	s5 =	sadd.s32 $0x1500, s5  }
0x380: {  	[tilespmem:s7], [sflag:$0x2] =	stream.linear.gather [spmem:s5], $0x700, $0x38;
	[tilespmem:$0x1FB80] =	vst v63  }
.LBB2_25:
0x381: {  	_ =	sfence.sel $0x180000  }
0x382: {  	[bflag:$0x0] =	sbarrier.arrive $0xFFFF  }
0x383: {  	_ =	strace $0x90000047  }
0x384: {  	s0 =	stileid.u32;
	[bflag:$0x2] =	sbarrier.arrive $0xFFFF  }
0x385: {  	p0 =	sne.s32 s0, $0x0;
	s0 =	rddreg [dreg:$0x3]  }
0x386: {  	s0 =	sadd.s32 @!p0 $0x100000, s0  }
0x387: {  	[sflag:s0] =	ssyncadd.tile.s32 @!p0 $0x1;
	_ =	shalt  }
.Lfunc_end2:
_tile_overlayer_lowered:
.L_overlay_start_2:
0x388: {  	(tag) =	ssettag $0x2  }
0x389: {  	s0 =	rddreg [dreg:$0x0];
	s2 =	stileid.u32  }
0x38a: {  	s1 =	rddreg [dreg:$0x1];
	p0 =	sne.s32 s2, $0x0  }
0x38b: {  	s3 =	rddreg [dreg:$0x2];
	[bflag:$0x3] =	sbarrier.arrive $0xFFFF;
	s2 =	simm.s32 @!p0 $0x1C08  }
0x38c: {  	[timem:s3], [sflag:s2] =	dma.local @!p0 [hbm:s0], s1  }
0x38d: {  	s0 =	simm.s32 @!p0 $0x8  }
0x38e: {  	_ =	swait.ge @!p0 [sflag:s0], s1  }
0x38f: {  	s1 =	ssub.s32 @!p0 $0x0, s1;
	[sflag:s0] =	ssyncset.done @!p0 $0x0  }
0x390: {  	[sflag:s0] =	ssyncadd.s32 @!p0 s1  }
0x391: {  	[bflag:$0x3] =	sbarrier.arrive $0xFFFF  }
0x392: {  	_ =	shalt  }

</sc_bundles>
